<compile_context>
chip_gen: v7x
topology: tpu7x:2x2x1
jax: 0.10.2.dev20260603
libtpu: 0.0.44.dev20260713+nightly
codegen_flags: <defaults>
</compile_context>

<pallas_src>
import jax
import jax.numpy as jnp
from jax import lax
from jax.experimental import pallas as pl
from jax.experimental.pallas import tpu as pltpu
from jax.experimental.pallas import tpu_sc as plsc

N = 16 * 512 * 512
K = int(0.4 * N)
NBITS = 12
NB = 1 << NBITS
NC, NS, L = 2, 16, 16
NW = NC * NS
PER_W = N // NW
CH = 8192
NCHUNK = PER_W // CH
SL = NB // NS

_MESH = plsc.VectorSubcoreMesh(core_axis_name="c", subcore_axis_name="s")


UF = 8
CROWS = 16


def _hist_body(c_hbm, x_hbm, t_hbm, hist_out,
               cbuf_a, xbuf_a, tbuf_a, cbuf_b, xbuf_b, tbuf_b,
               h0, h1, h2, shared, tmp, acc, sem_a, sem_b):
    cc = lax.axis_index("c")
    ss = lax.axis_index("s")
    w = cc * NS + ss
    batch = w // 2
    row0 = (w % 2) * 256
    zero16 = jnp.zeros((L,), jnp.float32)
    ones16 = jnp.ones((L,), jnp.float32)

    def zero_hists(i, _):
        h0[pl.ds(i * L, L)] = zero16
        h1[pl.ds(i * L, L)] = zero16
        h2[pl.ds(i * L, L)] = zero16
        return 0
    lax.fori_loop(0, NB // L, zero_hists, 0)

    def start(g, bufs, sem):
        r = row0 + g * CROWS
        pltpu.async_copy(c_hbm.at[batch, 0, pl.ds(r, CROWS), :], bufs[0], sem)
        pltpu.async_copy(x_hbm.at[batch, 0, pl.ds(r, CROWS), :], bufs[1], sem)
        pltpu.async_copy(t_hbm.at[batch, 0, pl.ds(r, CROWS), :], bufs[2], sem)

    def wait(bufs, sem):
        for b in bufs:
            pltpu.make_async_copy(
                c_hbm.at[0, 0, pl.ds(0, CROWS), :], b, sem).wait()

    def process(bufs):
        cb, xb, tb = bufs

        def step(i, _):
            v0 = i * UF
            offs = [((v0 + j) // 32, ((v0 + j) % 32) * L) for j in range(UF)]
            cvs = [cb[r, pl.ds(o, L)] for (r, o) in offs]
            xvs = [xb[r, pl.ds(o, L)] for (r, o) in offs]
            tvs = [tb[r, pl.ds(o, L)] for (r, o) in offs]
            bins = []
            for j in range(UF):
                ci = lax.bitcast_convert_type(cvs[j], jnp.int32)
                sgn = lax.shift_right_arithmetic(ci, 31)
                key = lax.bitwise_xor(
                    ci, lax.bitwise_or(sgn, jnp.int32(-(2 ** 31))))
                bins.append(lax.shift_right_logical(key, 32 - NBITS))
            sigs = [1.0 / (1.0 + jnp.exp(-xvs[j])) for j in range(UF)]
            for j in range(UF):
                plsc.addupdate_scatter(h0, [bins[j]], ones16)
                plsc.addupdate_scatter(h1, [bins[j]], sigs[j] * tvs[j])
                plsc.addupdate_scatter(h2, [bins[j]], sigs[j] + tvs[j])
            return 0
        lax.fori_loop(0, CH // L // UF, step, 0)

    bufs_a = (cbuf_a, xbuf_a, tbuf_a)
    bufs_b = (cbuf_b, xbuf_b, tbuf_b)

    start(0, bufs_a, sem_a)

    def chunk_pair(g, _):
        start(2 * g + 1, bufs_b, sem_b)
        wait(bufs_a, sem_a)
        process(bufs_a)

        @pl.when(2 * g + 2 < NCHUNK)
        def _():
            start(2 * g + 2, bufs_a, sem_a)
        wait(bufs_b, sem_b)
        process(bufs_b)
        return 0
    lax.fori_loop(0, NCHUNK // 2, chunk_pair, 0)

    pltpu.sync_copy(h0, shared.at[pl.ds((ss * 3 + 0) * NB, NB)])
    pltpu.sync_copy(h1, shared.at[pl.ds((ss * 3 + 1) * NB, NB)])
    pltpu.sync_copy(h2, shared.at[pl.ds((ss * 3 + 2) * NB, NB)])
    plsc.subcore_barrier()

    def zero_acc(i, _):
        acc[pl.ds(i * L, L)] = zero16
        return 0
    lax.fori_loop(0, 3 * SL // L, zero_acc, 0)

    def reduce_tile(j, _):
        for h in range(3):
            pltpu.sync_copy(shared.at[pl.ds((j * 3 + h) * NB + ss * SL, SL)],
                            tmp.at[pl.ds(h * SL, SL)])

        def addv(i, _):
            acc[pl.ds(i * L, L)] = acc[pl.ds(i * L, L)] + tmp[pl.ds(i * L, L)]
            return 0
        lax.fori_loop(0, 3 * SL // L, addv, 0)
        return 0
    lax.fori_loop(0, NS, reduce_tile, 0)

    for h in range(3):
        pltpu.sync_copy(acc.at[pl.ds(h * SL, SL)],
                        hist_out.at[pl.ds((cc * 3 + h) * NB + ss * SL, SL)])


def _final_body(hist_hbm, out_hbm, loc, comb, outv):
    cc = lax.axis_index("c")
    ss = lax.axis_index("s")

    @pl.when(jnp.logical_and(cc == 0, ss == 0))
    def _():
        pltpu.sync_copy(hist_hbm, loc)

        def combine(i, _):
            comb[pl.ds(i * L, L)] = (loc[pl.ds(i * L, L)]
                                     + loc[pl.ds(3 * NB + i * L, L)])
            return 0
        lax.fori_loop(0, 3 * NB // L, combine, 0)

        kf = jnp.float32(K)
        iota16 = lax.iota(jnp.int32, 16)

        def find(it, carry):
            run, bstar = carry
            i = NB // L - 1 - it
            v = comb[pl.ds(i * L, L)]
            sfx = lax.rev(plsc.cumsum(lax.rev(v, (0,))), (0,))
            gs = sfx + run
            mask = jnp.logical_and(gs >= kf, run < kf)
            cand = jnp.where(mask, iota16 + i * L, jnp.int32(-1))
            bstar = jnp.maximum(bstar, jnp.max(cand))
            run = run + jnp.sum(v)
            return run, bstar
        _, bstar = lax.fori_loop(0, NB // L, find,
                                 (jnp.float32(0.0), jnp.int32(-1)))

        zero16 = jnp.zeros((L,), jnp.float32)

        def accum(i, carry):
            ca, cb, ia, ib, sa, sb = carry
            lane = iota16 + i * L
            v0 = comb[pl.ds(i * L, L)]
            v1 = comb[pl.ds(NB + i * L, L)]
            v2 = comb[pl.ds(2 * NB + i * L, L)]
            m_above = lane > bstar
            m_bin = lane == bstar
            ca = ca + jnp.where(m_above, v0, 0.0)
            cb = cb + jnp.where(m_bin, v0, 0.0)
            ia = ia + jnp.where(m_above, v1, 0.0)
            ib = ib + jnp.where(m_bin, v1, 0.0)
            sa = sa + jnp.where(m_above, v2, 0.0)
            sb = sb + jnp.where(m_bin, v2, 0.0)
            return ca, cb, ia, ib, sa, sb
        ca, cb, ia, ib, sa, sb = lax.fori_loop(
            0, NB // L, accum, (zero16,) * 6)

        count_above_v = zero16 + jnp.sum(ca)
        t_bin_v = zero16 + jnp.sum(cb)
        frac_v = (kf - count_above_v) / t_bin_v
        inter_v = (zero16 + jnp.sum(ia)) + frac_v * (zero16 + jnp.sum(ib))
        sums_v = (zero16 + jnp.sum(sa)) + frac_v * (zero16 + jnp.sum(sb))
        loss_v = 1.0 - (2.0 * inter_v + 1.0) / (sums_v + 1.0)
        outv[...] = loss_v
        pltpu.sync_copy(outv, out_hbm)


_hist_call = pl.kernel(
    _hist_body,
    out_type=jax.ShapeDtypeStruct((NC * 3 * NB,), jnp.float32),
    mesh=_MESH,
    compiler_params=pltpu.CompilerParams(needs_layout_passes=False,
                                         use_tc_tiling_on_sc=True),
    scratch_types=[
        pltpu.VMEM((CROWS, 512), jnp.float32),
        pltpu.VMEM((CROWS, 512), jnp.float32),
        pltpu.VMEM((CROWS, 512), jnp.float32),
        pltpu.VMEM((CROWS, 512), jnp.float32),
        pltpu.VMEM((CROWS, 512), jnp.float32),
        pltpu.VMEM((CROWS, 512), jnp.float32),
        pltpu.VMEM((NB,), jnp.float32),
        pltpu.VMEM((NB,), jnp.float32),
        pltpu.VMEM((NB,), jnp.float32),
        pltpu.VMEM_SHARED((NS * 3 * NB,), jnp.float32),
        pltpu.VMEM((3 * SL,), jnp.float32),
        pltpu.VMEM((3 * SL,), jnp.float32),
        pltpu.SemaphoreType.DMA,
        pltpu.SemaphoreType.DMA,
    ],
)

_final_call = pl.kernel(
    _final_body,
    out_type=jax.ShapeDtypeStruct((L,), jnp.float32),
    mesh=_MESH,
    compiler_params=pltpu.CompilerParams(needs_layout_passes=False),
    scratch_types=[
        pltpu.VMEM((NC * 3 * NB,), jnp.float32),
        pltpu.VMEM((3 * NB,), jnp.float32),
        pltpu.VMEM((L,), jnp.float32),
    ],
)


@jax.jit
def kernel(inputs, targets, curvatures):
    hist = _hist_call(curvatures, inputs, targets)
    out = _final_call(hist)
    return out[0]

# --- scband reference (transcript-rebuilt; emitter-appended) ---
"""Pipeline reference for scband-geo-loss-32908039422213 (READ-ONLY COPY).

The authoritative reference and input builder live on the scoring server;
editing this copy changes nothing except your own understanding.
"""

import jax, jax.numpy as jnp
import numpy as np

GAMMA = 2
R = 0.4
SMOOTH = 1.0

def setup_inputs(seed: int = 0) -> dict:
    key = jax.random.key(seed)
    k1, k2, k3 = jax.random.split(key, 3)
    shape = (16, 1, 512, 512)
    inputs = jax.random.normal(k1, shape, dtype=jnp.float32)
    targets = jax.random.uniform(k2, shape, dtype=jnp.float32)
    curvatures = jax.random.normal(k3, shape, dtype=jnp.float32)
    return {"inputs": inputs, "targets": targets, "curvatures": curvatures}

def reference(inputs, targets, curvatures):
    x = jax.nn.sigmoid(inputs).reshape(-1)
    t = targets.reshape(-1)
    c = curvatures.reshape(-1)
    num_points = x.shape[0]
    k = int(R * num_points)
    _, indices = jax.lax.top_k(c, k)
    # boolean mask selecting top-curvature points (exactly k of them)
    mask = jnp.zeros((num_points,), dtype=x.dtype).at[indices].set(1.0)
    intersection = jnp.sum(x * t * mask)
    top_inputs_sum = jnp.sum(x * mask)
    top_targets_sum = jnp.sum(t * mask)
    dice = (2.0 * intersection + SMOOTH) / (top_inputs_sum + top_targets_sum + SMOOTH)
    loss = 1.0 - dice
    return loss

if __name__ == "__main__":
    import jax
    _d = setup_inputs()
    print(jax.jit(kernel)(*tuple(_d.values())))

</pallas_src>

<mosaic_0001>
#map = affine_map<(d0, d1) -> (0, 0, 0, 0)>
#map1 = affine_map<(d0, d1) -> (0)>
module attributes {stable_mosaic.version = 14 : i64} {
  func.func @_hist_body(%arg0: i32, %arg1: i32, %arg2: memref<16x1x512x512xf32, #tpu.memory_space<hbm>>, %arg3: memref<16x1x512x512xf32, #tpu.memory_space<hbm>>, %arg4: memref<16x1x512x512xf32, #tpu.memory_space<hbm>>, %arg5: memref<24576xf32, #tpu.memory_space<hbm>>, %arg6: memref<16x512xf32, #tpu.memory_space<vmem>>, %arg7: memref<16x512xf32, #tpu.memory_space<vmem>>, %arg8: memref<16x512xf32, #tpu.memory_space<vmem>>, %arg9: memref<16x512xf32, #tpu.memory_space<vmem>>, %arg10: memref<16x512xf32, #tpu.memory_space<vmem>>, %arg11: memref<16x512xf32, #tpu.memory_space<vmem>>, %arg12: memref<4096xf32, #tpu.memory_space<vmem>>, %arg13: memref<4096xf32, #tpu.memory_space<vmem>>, %arg14: memref<4096xf32, #tpu.memory_space<vmem>>, %arg15: memref<196608xf32, #tpu.memory_space<vmem_shared>>, %arg16: memref<768xf32, #tpu.memory_space<vmem>>, %arg17: memref<768xf32, #tpu.memory_space<vmem>>, %arg18: memref<!tpu.dma_semaphore, #tpu.memory_space<semaphore_mem>>, %arg19: memref<!tpu.dma_semaphore, #tpu.memory_space<semaphore_mem>>) attributes {dimension_semantics = [#tpu.dimension_semantics<core_parallel>, #tpu.dimension_semantics<subcore_parallel>], iteration_bounds = array<i64: 2, 16>, scalar_prefetch = 0 : i64, scratch_operands = 14 : i64, tpu.core_type = #tpu.core_type<sc_vector_subcore>, window_params = [{transform_indices = #map}, {transform_indices = #map}, {transform_indices = #map}, {transform_indices = #map1}]} {
    %mul3A = arith.constant 16 : i32
    %mul3A_0 = arith.muli %arg0, %mul3A : i32
    %add3A = arith.addi %mul3A_0, %arg1 : i32
    %jit3A = arith.constant 2 : i32
    %div3A = arith.divsi %add3A, %jit3A : i32
    %sign3A = arith.constant 0 : i32
    %sign3A_1 = arith.cmpi sgt, %add3A, %sign3A : i32
    %sign3A_2 = arith.extui %sign3A_1 : i1 to i32
    %sign3A_3 = arith.constant 0 : i32
    %sign3A_4 = arith.cmpi slt, %add3A, %sign3A_3 : i32
    %sign3A_5 = arith.extui %sign3A_4 : i1 to i32
    %sign3A_6 = arith.subi %sign3A_2, %sign3A_5 : i32
    %sign3A_7 = arith.constant 0 : i32
    %sign3A_8 = arith.cmpi sgt, %jit3A, %sign3A_7 : i32
    %sign3A_9 = arith.extui %sign3A_8 : i1 to i32
    %sign3A_10 = arith.constant 0 : i32
    %sign3A_11 = arith.cmpi slt, %jit3A, %sign3A_10 : i32
    %sign3A_12 = arith.extui %sign3A_11 : i1 to i32
    %sign3A_13 = arith.subi %sign3A_9, %sign3A_12 : i32
    %ne3A = arith.cmpi ne, %sign3A_6, %sign3A_13 : i32
    %rem3A = arith.remsi %add3A, %jit3A : i32
    %ne3A_14 = arith.constant 0 : i32
    %ne3A_15 = arith.cmpi ne, %rem3A, %ne3A_14 : i32
    %and3A = arith.andi %ne3A, %ne3A_15 : i1
    %sub3A = arith.constant 1 : i32
    %sub3A_16 = arith.subi %div3A, %sub3A : i32
    %select_n3A = arith.select %and3A, %sub3A_16, %div3A : i32
    %jit3A_17 = arith.constant 2 : i32
    %eq3A = arith.constant 0 : i32
    %eq3A_18 = arith.cmpi eq, %jit3A_17, %eq3A : i32
    %jit3A_19 = arith.constant 1 : i32
    %select_n3A_20 = arith.select %eq3A_18, %jit3A_19, %jit3A_17 : i32
    %rem3A_21 = arith.remsi %add3A, %select_n3A_20 : i32
    %ne3A_22 = arith.constant 0 : i32
    %ne3A_23 = arith.cmpi ne, %rem3A_21, %ne3A_22 : i32
    %lt3A = arith.constant 0 : i32
    %lt3A_24 = arith.cmpi slt, %rem3A_21, %lt3A : i32
    %lt3A_25 = arith.constant 0 : i32
    %lt3A_26 = arith.cmpi slt, %select_n3A_20, %lt3A_25 : i32
    %ne3A_27 = arith.xori %lt3A_24, %lt3A_26 : i1
    %and3A_28 = arith.andi %ne3A_27, %ne3A_23 : i1
    %add3A_29 = arith.addi %rem3A_21, %select_n3A_20 : i32
    %select_n3A_30 = arith.select %and3A_28, %add3A_29, %rem3A_21 : i32
    %mul3A_31 = arith.constant 256 : i32
    %mul3A_32 = arith.muli %select_n3A_30, %mul3A_31 : i32
    %broadcast_in_dim3A = arith.constant 0.000000e+00 : f32
    %broadcast_in_dim3A_33 = vector.broadcast %broadcast_in_dim3A : f32 to vector<16xf32>
    %broadcast_in_dim3A_34 = arith.constant 1.000000e+00 : f32
    %broadcast_in_dim3A_35 = vector.broadcast %broadcast_in_dim3A_34 : f32 to vector<16xf32>
    %scan3A = arith.constant 0 : i32
    %scan3A_36 = arith.constant 0 : i32
    %scan3A_37 = arith.constant 256 : i32
    %scan3A_38 = arith.addi %scan3A_36, %scan3A_37 : i32
    %scan3A_39 = arith.constant 1 : i32
    %scan3A_40 = scf.for %scan3A_130 = %scan3A_36 to %scan3A_38 step %scan3A_39 iter_args(%scan3A_131 = %scan3A) -> (i32)  : i32 {
      %mul3A_132 = arith.constant 16 : i32
      %mul3A_133 = arith.muli %scan3A_130, %mul3A_132 : i32
      %swap3A = arith.index_cast %mul3A_133 : i32 to index
      %swap3A_134 = tpu.vector_load %arg12[%swap3A] {strides = array<i32>} : memref<4096xf32, #tpu.memory_space<vmem>>, vector<16xf32>,
      tpu.vector_store %arg12[%swap3A], %broadcast_in_dim3A_33 {strides = array<i32>} : memref<4096xf32, #tpu.memory_space<vmem>>, vector<16xf32>,
      %mul3A_135 = arith.constant 16 : i32
      %mul3A_136 = arith.muli %scan3A_130, %mul3A_135 : i32
      %swap3A_137 = arith.index_cast %mul3A_136 : i32 to index
      %swap3A_138 = tpu.vector_load %arg13[%swap3A_137] {strides = array<i32>} : memref<4096xf32, #tpu.memory_space<vmem>>, vector<16xf32>,
      tpu.vector_store %arg13[%swap3A_137], %broadcast_in_dim3A_33 {strides = array<i32>} : memref<4096xf32, #tpu.memory_space<vmem>>, vector<16xf32>,
      %mul3A_139 = arith.constant 16 : i32
      %mul3A_140 = arith.muli %scan3A_130, %mul3A_139 : i32
      %swap3A_141 = arith.index_cast %mul3A_140 : i32 to index
      %swap3A_142 = tpu.vector_load %arg14[%swap3A_141] {strides = array<i32>} : memref<4096xf32, #tpu.memory_space<vmem>>, vector<16xf32>,
      tpu.vector_store %arg14[%swap3A_141], %broadcast_in_dim3A_33 {strides = array<i32>} : memref<4096xf32, #tpu.memory_space<vmem>>, vector<16xf32>,
      %scan3A_143 = arith.constant 0 : i32
      scf.yield %scan3A_143 : i32
    }
    %scan3A_41 = arith.constant 256 : i32
    %add3A_42 = arith.constant 0 : i32
    %add3A_43 = arith.addi %mul3A_32, %add3A_42 : i32
    %dma_start3A = arith.constant 0 : i32
    %dma_start3A_44 = arith.constant 0 : i32
    %dma_start3A_45 = tpu.memref_slice %arg2[%select_n3A, %dma_start3A, %add3A_43, %dma_start3A_44] : memref<16x1x512x512xf32, #tpu.memory_space<hbm>> -> memref<1x1x16x512xf32, #tpu.memory_space<hbm>>
    %dma_start3A_46 = tpu.memref_squeeze %dma_start3A_45 : memref<1x1x16x512xf32, #tpu.memory_space<hbm>> -> memref<16x512xf32, #tpu.memory_space<hbm>>
    %dma_start3A_47 = arith.constant 0 : i32
    %dma_start3A_48 = tpu.memref_slice %arg2[%select_n3A, %dma_start3A, %add3A_43, %dma_start3A_47] : memref<16x1x512x512xf32, #tpu.memory_space<hbm>> -> memref<1x1x16x512xf32, #tpu.memory_space<hbm>>
    %dma_start3A_49 = tpu.memref_squeeze %dma_start3A_48 : memref<1x1x16x512xf32, #tpu.memory_space<hbm>> -> memref<16x512xf32, #tpu.memory_space<hbm>>
    tpu.enqueue_dma source(%dma_start3A_49 : memref<16x512xf32, #tpu.memory_space<hbm>>) target(%arg6 : memref<16x512xf32, #tpu.memory_space<vmem>>) target_semaphore(%arg18 : memref<!tpu.dma_semaphore, #tpu.memory_space<semaphore_mem>>)
    %dma_start3A_50 = arith.constant 0 : i32
    %dma_start3A_51 = arith.constant 0 : i32
    %dma_start3A_52 = tpu.memref_slice %arg3[%select_n3A, %dma_start3A_50, %add3A_43, %dma_start3A_51] : memref<16x1x512x512xf32, #tpu.memory_space<hbm>> -> memref<1x1x16x512xf32, #tpu.memory_space<hbm>>
    %dma_start3A_53 = tpu.memref_squeeze %dma_start3A_52 : memref<1x1x16x512xf32, #tpu.memory_space<hbm>> -> memref<16x512xf32, #tpu.memory_space<hbm>>
    %dma_start3A_54 = arith.constant 0 : i32
    %dma_start3A_55 = tpu.memref_slice %arg3[%select_n3A, %dma_start3A_50, %add3A_43, %dma_start3A_54] : memref<16x1x512x512xf32, #tpu.memory_space<hbm>> -> memref<1x1x16x512xf32, #tpu.memory_space<hbm>>
    %dma_start3A_56 = tpu.memref_squeeze %dma_start3A_55 : memref<1x1x16x512xf32, #tpu.memory_space<hbm>> -> memref<16x512xf32, #tpu.memory_space<hbm>>
    tpu.enqueue_dma source(%dma_start3A_56 : memref<16x512xf32, #tpu.memory_space<hbm>>) target(%arg7 : memref<16x512xf32, #tpu.memory_space<vmem>>) target_semaphore(%arg18 : memref<!tpu.dma_semaphore, #tpu.memory_space<semaphore_mem>>)
    %dma_start3A_57 = arith.constant 0 : i32
    %dma_start3A_58 = arith.constant 0 : i32
    %dma_start3A_59 = tpu.memref_slice %arg4[%select_n3A, %dma_start3A_57, %add3A_43, %dma_start3A_58] : memref<16x1x512x512xf32, #tpu.memory_space<hbm>> -> memref<1x1x16x512xf32, #tpu.memory_space<hbm>>
    %dma_start3A_60 = tpu.memref_squeeze %dma_start3A_59 : memref<1x1x16x512xf32, #tpu.memory_space<hbm>> -> memref<16x512xf32, #tpu.memory_space<hbm>>
    %dma_start3A_61 = arith.constant 0 : i32
    %dma_start3A_62 = tpu.memref_slice %arg4[%select_n3A, %dma_start3A_57, %add3A_43, %dma_start3A_61] : memref<16x1x512x512xf32, #tpu.memory_space<hbm>> -> memref<1x1x16x512xf32, #tpu.memory_space<hbm>>
    %dma_start3A_63 = tpu.memref_squeeze %dma_start3A_62 : memref<1x1x16x512xf32, #tpu.memory_space<hbm>> -> memref<16x512xf32, #tpu.memory_space<hbm>>
    tpu.enqueue_dma source(%dma_start3A_63 : memref<16x512xf32, #tpu.memory_space<hbm>>) target(%arg8 : memref<16x512xf32, #tpu.memory_space<vmem>>) target_semaphore(%arg18 : memref<!tpu.dma_semaphore, #tpu.memory_space<semaphore_mem>>)
    %scan3A_64 = arith.constant 0 : i32
    %scan3A_65 = arith.constant 0 : i32
    %scan3A_66 = arith.constant 8 : i32
    %scan3A_67 = arith.addi %scan3A_65, %scan3A_66 : i32
    %scan3A_68 = arith.constant 1 : i32
    %scan3A_69 = scf.for %scan3A_130 = %scan3A_65 to %scan3A_67 step %scan3A_68 iter_args(%scan3A_131 = %scan3A_64) -> (i32)  : i32 {
      %mul3A_132 = arith.constant 2 : i32
      %mul3A_133 = arith.muli %mul3A_132, %scan3A_130 : i32
      %add3A_134 = arith.constant 1 : i32
      %add3A_135 = arith.addi %mul3A_133, %add3A_134 : i32
      %mul3A_136 = arith.constant 16 : i32
      %mul3A_137 = arith.muli %add3A_135, %mul3A_136 : i32
      %add3A_138 = arith.addi %mul3A_32, %mul3A_137 : i32
      %dma_start3A_139 = arith.constant 0 : i32
      %dma_start3A_140 = arith.constant 0 : i32
      %dma_start3A_141 = tpu.memref_slice %arg2[%select_n3A, %dma_start3A_139, %add3A_138, %dma_start3A_140] : memref<16x1x512x512xf32, #tpu.memory_space<hbm>> -> memref<1x1x16x512xf32, #tpu.memory_space<hbm>>
      %dma_start3A_142 = tpu.memref_squeeze %dma_start3A_141 : memref<1x1x16x512xf32, #tpu.memory_space<hbm>> -> memref<16x512xf32, #tpu.memory_space<hbm>>
      %dma_start3A_143 = arith.constant 0 : i32
      %dma_start3A_144 = tpu.memref_slice %arg2[%select_n3A, %dma_start3A_139, %add3A_138, %dma_start3A_143] : memref<16x1x512x512xf32, #tpu.memory_space<hbm>> -> memref<1x1x16x512xf32, #tpu.memory_space<hbm>>
      %dma_start3A_145 = tpu.memref_squeeze %dma_start3A_144 : memref<1x1x16x512xf32, #tpu.memory_space<hbm>> -> memref<16x512xf32, #tpu.memory_space<hbm>>
      tpu.enqueue_dma source(%dma_start3A_145 : memref<16x512xf32, #tpu.memory_space<hbm>>) target(%arg9 : memref<16x512xf32, #tpu.memory_space<vmem>>) target_semaphore(%arg19 : memref<!tpu.dma_semaphore, #tpu.memory_space<semaphore_mem>>)
      %dma_start3A_146 = arith.constant 0 : i32
      %dma_start3A_147 = arith.constant 0 : i32
      %dma_start3A_148 = tpu.memref_slice %arg3[%select_n3A, %dma_start3A_146, %add3A_138, %dma_start3A_147] : memref<16x1x512x512xf32, #tpu.memory_space<hbm>> -> memref<1x1x16x512xf32, #tpu.memory_space<hbm>>
      %dma_start3A_149 = tpu.memref_squeeze %dma_start3A_148 : memref<1x1x16x512xf32, #tpu.memory_space<hbm>> -> memref<16x512xf32, #tpu.memory_space<hbm>>
      %dma_start3A_150 = arith.constant 0 : i32
      %dma_start3A_151 = tpu.memref_slice %arg3[%select_n3A, %dma_start3A_146, %add3A_138, %dma_start3A_150] : memref<16x1x512x512xf32, #tpu.memory_space<hbm>> -> memref<1x1x16x512xf32, #tpu.memory_space<hbm>>
      %dma_start3A_152 = tpu.memref_squeeze %dma_start3A_151 : memref<1x1x16x512xf32, #tpu.memory_space<hbm>> -> memref<16x512xf32, #tpu.memory_space<hbm>>
      tpu.enqueue_dma source(%dma_start3A_152 : memref<16x512xf32, #tpu.memory_space<hbm>>) target(%arg10 : memref<16x512xf32, #tpu.memory_space<vmem>>) target_semaphore(%arg19 : memref<!tpu.dma_semaphore, #tpu.memory_space<semaphore_mem>>)
      %dma_start3A_153 = arith.constant 0 : i32
      %dma_start3A_154 = arith.constant 0 : i32
      %dma_start3A_155 = tpu.memref_slice %arg4[%select_n3A, %dma_start3A_153, %add3A_138, %dma_start3A_154] : memref<16x1x512x512xf32, #tpu.memory_space<hbm>> -> memref<1x1x16x512xf32, #tpu.memory_space<hbm>>
      %dma_start3A_156 = tpu.memref_squeeze %dma_start3A_155 : memref<1x1x16x512xf32, #tpu.memory_space<hbm>> -> memref<16x512xf32, #tpu.memory_space<hbm>>
      %dma_start3A_157 = arith.constant 0 : i32
      %dma_start3A_158 = tpu.memref_slice %arg4[%select_n3A, %dma_start3A_153, %add3A_138, %dma_start3A_157] : memref<16x1x512x512xf32, #tpu.memory_space<hbm>> -> memref<1x1x16x512xf32, #tpu.memory_space<hbm>>
      %dma_start3A_159 = tpu.memref_squeeze %dma_start3A_158 : memref<1x1x16x512xf32, #tpu.memory_space<hbm>> -> memref<16x512xf32, #tpu.memory_space<hbm>>
      tpu.enqueue_dma source(%dma_start3A_159 : memref<16x512xf32, #tpu.memory_space<hbm>>) target(%arg11 : memref<16x512xf32, #tpu.memory_space<vmem>>) target_semaphore(%arg19 : memref<!tpu.dma_semaphore, #tpu.memory_space<semaphore_mem>>)
      %dma_wait3A = arith.constant 0 : i32
      %dma_wait3A_160 = arith.constant 0 : i32
      %dma_wait3A_161 = arith.constant 0 : i32
      %dma_wait3A_162 = arith.constant 0 : i32
      %dma_wait3A_163 = tpu.memref_slice %arg2[%dma_wait3A, %dma_wait3A_160, %dma_wait3A_161, %dma_wait3A_162] : memref<16x1x512x512xf32, #tpu.memory_space<hbm>> -> memref<1x1x16x512xf32, #tpu.memory_space<hbm>>
      %dma_wait3A_164 = tpu.memref_squeeze %dma_wait3A_163 : memref<1x1x16x512xf32, #tpu.memory_space<hbm>> -> memref<16x512xf32, #tpu.memory_space<hbm>>
      %dma_wait3A_165 = arith.constant 0 : i32
      %dma_wait3A_166 = arith.constant 0 : i32
      %dma_wait3A_167 = tpu.memref_slice %arg2[%dma_wait3A, %dma_wait3A_160, %dma_wait3A_165, %dma_wait3A_166] : memref<16x1x512x512xf32, #tpu.memory_space<hbm>> -> memref<1x1x16x512xf32, #tpu.memory_space<hbm>>
      %dma_wait3A_168 = tpu.memref_squeeze %dma_wait3A_167 : memref<1x1x16x512xf32, #tpu.memory_space<hbm>> -> memref<16x512xf32, #tpu.memory_space<hbm>>
      tpu.wait_dma2 semaphore(%arg18 : memref<!tpu.dma_semaphore, #tpu.memory_space<semaphore_mem>>) src(%dma_wait3A_168 : memref<16x512xf32, #tpu.memory_space<hbm>>) dst(%arg6 : memref<16x512xf32, #tpu.memory_space<vmem>>)
      %dma_wait3A_169 = arith.constant 0 : i32
      %dma_wait3A_170 = arith.constant 0 : i32
      %dma_wait3A_171 = arith.constant 0 : i32
      %dma_wait3A_172 = arith.constant 0 : i32
      %dma_wait3A_173 = tpu.memref_slice %arg2[%dma_wait3A_169, %dma_wait3A_170, %dma_wait3A_171, %dma_wait3A_172] : memref<16x1x512x512xf32, #tpu.memory_space<hbm>> -> memref<1x1x16x512xf32, #tpu.memory_space<hbm>>
      %dma_wait3A_174 = tpu.memref_squeeze %dma_wait3A_173 : memref<1x1x16x512xf32, #tpu.memory_space<hbm>> -> memref<16x512xf32, #tpu.memory_space<hbm>>
      %dma_wait3A_175 = arith.constant 0 : i32
      %dma_wait3A_176 = arith.constant 0 : i32
      %dma_wait3A_177 = tpu.memref_slice %arg2[%dma_wait3A_169, %dma_wait3A_170, %dma_wait3A_175, %dma_wait3A_176] : memref<16x1x512x512xf32, #tpu.memory_space<hbm>> -> memref<1x1x16x512xf32, #tpu.memory_space<hbm>>
      %dma_wait3A_178 = tpu.memref_squeeze %dma_wait3A_177 : memref<1x1x16x512xf32, #tpu.memory_space<hbm>> -> memref<16x512xf32, #tpu.memory_space<hbm>>
      tpu.wait_dma2 semaphore(%arg18 : memref<!tpu.dma_semaphore, #tpu.memory_space<semaphore_mem>>) src(%dma_wait3A_178 : memref<16x512xf32, #tpu.memory_space<hbm>>) dst(%arg7 : memref<16x512xf32, #tpu.memory_space<vmem>>)
      %dma_wait3A_179 = arith.constant 0 : i32
      %dma_wait3A_180 = arith.constant 0 : i32
      %dma_wait3A_181 = arith.constant 0 : i32
      %dma_wait3A_182 = arith.constant 0 : i32
      %dma_wait3A_183 = tpu.memref_slice %arg2[%dma_wait3A_179, %dma_wait3A_180, %dma_wait3A_181, %dma_wait3A_182] : memref<16x1x512x512xf32, #tpu.memory_space<hbm>> -> memref<1x1x16x512xf32, #tpu.memory_space<hbm>>
      %dma_wait3A_184 = tpu.memref_squeeze %dma_wait3A_183 : memref<1x1x16x512xf32, #tpu.memory_space<hbm>> -> memref<16x512xf32, #tpu.memory_space<hbm>>
      %dma_wait3A_185 = arith.constant 0 : i32
      %dma_wait3A_186 = arith.constant 0 : i32
      %dma_wait3A_187 = tpu.memref_slice %arg2[%dma_wait3A_179, %dma_wait3A_180, %dma_wait3A_185, %dma_wait3A_186] : memref<16x1x512x512xf32, #tpu.memory_space<hbm>> -> memref<1x1x16x512xf32, #tpu.memory_space<hbm>>
      %dma_wait3A_188 = tpu.memref_squeeze %dma_wait3A_187 : memref<1x1x16x512xf32, #tpu.memory_space<hbm>> -> memref<16x512xf32, #tpu.memory_space<hbm>>
      tpu.wait_dma2 semaphore(%arg18 : memref<!tpu.dma_semaphore, #tpu.memory_space<semaphore_mem>>) src(%dma_wait3A_188 : memref<16x512xf32, #tpu.memory_space<hbm>>) dst(%arg8 : memref<16x512xf32, #tpu.memory_space<vmem>>)
      %scan3A_189 = arith.constant 0 : i32
      %scan3A_190 = arith.constant 0 : i32
      %scan3A_191 = arith.constant 64 : i32
      %scan3A_192 = arith.addi %scan3A_190, %scan3A_191 : i32
      %scan3A_193 = arith.constant 1 : i32
      %scan3A_194 = scf.for %scan3A_241 = %scan3A_190 to %scan3A_192 step %scan3A_193 iter_args(%scan3A_242 = %scan3A_189) -> (i32)  : i32 {
        %mul3A_243 = arith.constant 8 : i32
        %mul3A_244 = arith.muli %scan3A_241, %mul3A_243 : i32
        %add3A_245 = arith.constant 0 : i32
        %add3A_246 = arith.addi %mul3A_244, %add3A_245 : i32
        %jit3A_247 = arith.constant 32 : i32
        %div3A_248 = arith.divsi %add3A_246, %jit3A_247 : i32
        %sign3A_249 = arith.constant 0 : i32
        %sign3A_250 = arith.cmpi sgt, %add3A_246, %sign3A_249 : i32
        %sign3A_251 = arith.extui %sign3A_250 : i1 to i32
        %sign3A_252 = arith.constant 0 : i32
        %sign3A_253 = arith.cmpi slt, %add3A_246, %sign3A_252 : i32
        %sign3A_254 = arith.extui %sign3A_253 : i1 to i32
        %sign3A_255 = arith.subi %sign3A_251, %sign3A_254 : i32
        %sign3A_256 = arith.constant 0 : i32
        %sign3A_257 = arith.cmpi sgt, %jit3A_247, %sign3A_256 : i32
        %sign3A_258 = arith.extui %sign3A_257 : i1 to i32
        %sign3A_259 = arith.constant 0 : i32
        %sign3A_260 = arith.cmpi slt, %jit3A_247, %sign3A_259 : i32
        %sign3A_261 = arith.extui %sign3A_260 : i1 to i32
        %sign3A_262 = arith.subi %sign3A_258, %sign3A_261 : i32
        %ne3A_263 = arith.cmpi ne, %sign3A_255, %sign3A_262 : i32
        %rem3A_264 = arith.remsi %add3A_246, %jit3A_247 : i32
        %ne3A_265 = arith.constant 0 : i32
        %ne3A_266 = arith.cmpi ne, %rem3A_264, %ne3A_265 : i32
        %and3A_267 = arith.andi %ne3A_263, %ne3A_266 : i1
        %sub3A_268 = arith.constant 1 : i32
        %sub3A_269 = arith.subi %div3A_248, %sub3A_268 : i32
        %select_n3A_270 = arith.select %and3A_267, %sub3A_269, %div3A_248 : i32
        %add3A_271 = arith.constant 0 : i32
        %add3A_272 = arith.addi %mul3A_244, %add3A_271 : i32
        %jit3A_273 = arith.constant 32 : i32
        %eq3A_274 = arith.constant 0 : i32
        %eq3A_275 = arith.cmpi eq, %jit3A_273, %eq3A_274 : i32
        %jit3A_276 = arith.constant 1 : i32
        %select_n3A_277 = arith.select %eq3A_275, %jit3A_276, %jit3A_273 : i32
        %rem3A_278 = arith.remsi %add3A_272, %select_n3A_277 : i32
        %ne3A_279 = arith.constant 0 : i32
        %ne3A_280 = arith.cmpi ne, %rem3A_278, %ne3A_279 : i32
        %lt3A_281 = arith.constant 0 : i32
        %lt3A_282 = arith.cmpi slt, %rem3A_278, %lt3A_281 : i32
        %lt3A_283 = arith.constant 0 : i32
        %lt3A_284 = arith.cmpi slt, %select_n3A_277, %lt3A_283 : i32
        %ne3A_285 = arith.xori %lt3A_282, %lt3A_284 : i1
        %and3A_286 = arith.andi %ne3A_285, %ne3A_280 : i1
        %add3A_287 = arith.addi %rem3A_278, %select_n3A_277 : i32
        %select_n3A_288 = arith.select %and3A_286, %add3A_287, %rem3A_278 : i32
        %mul3A_289 = arith.constant 16 : i32
        %mul3A_290 = arith.muli %select_n3A_288, %mul3A_289 : i32
        %add3A_291 = arith.constant 1 : i32
        %add3A_292 = arith.addi %mul3A_244, %add3A_291 : i32
        %jit3A_293 = arith.constant 32 : i32
        %div3A_294 = arith.divsi %add3A_292, %jit3A_293 : i32
        %sign3A_295 = arith.constant 0 : i32
        %sign3A_296 = arith.cmpi sgt, %add3A_292, %sign3A_295 : i32
        %sign3A_297 = arith.extui %sign3A_296 : i1 to i32
        %sign3A_298 = arith.constant 0 : i32
        %sign3A_299 = arith.cmpi slt, %add3A_292, %sign3A_298 : i32
        %sign3A_300 = arith.extui %sign3A_299 : i1 to i32
        %sign3A_301 = arith.subi %sign3A_297, %sign3A_300 : i32
        %sign3A_302 = arith.constant 0 : i32
        %sign3A_303 = arith.cmpi sgt, %jit3A_293, %sign3A_302 : i32
        %sign3A_304 = arith.extui %sign3A_303 : i1 to i32
        %sign3A_305 = arith.constant 0 : i32
        %sign3A_306 = arith.cmpi slt, %jit3A_293, %sign3A_305 : i32
        %sign3A_307 = arith.extui %sign3A_306 : i1 to i32
        %sign3A_308 = arith.subi %sign3A_304, %sign3A_307 : i32
        %ne3A_309 = arith.cmpi ne, %sign3A_301, %sign3A_308 : i32
        %rem3A_310 = arith.remsi %add3A_292, %jit3A_293 : i32
        %ne3A_311 = arith.constant 0 : i32
        %ne3A_312 = arith.cmpi ne, %rem3A_310, %ne3A_311 : i32
        %and3A_313 = arith.andi %ne3A_309, %ne3A_312 : i1
        %sub3A_314 = arith.constant 1 : i32
        %sub3A_315 = arith.subi %div3A_294, %sub3A_314 : i32
        %select_n3A_316 = arith.select %and3A_313, %sub3A_315, %div3A_294 : i32
        %add3A_317 = arith.constant 1 : i32
        %add3A_318 = arith.addi %mul3A_244, %add3A_317 : i32
        %jit3A_319 = arith.constant 32 : i32
        %eq3A_320 = arith.constant 0 : i32
        %eq3A_321 = arith.cmpi eq, %jit3A_319, %eq3A_320 : i32
        %jit3A_322 = arith.constant 1 : i32
        %select_n3A_323 = arith.select %eq3A_321, %jit3A_322, %jit3A_319 : i32
        %rem3A_324 = arith.remsi %add3A_318, %select_n3A_323 : i32
        %ne3A_325 = arith.constant 0 : i32
        %ne3A_326 = arith.cmpi ne, %rem3A_324, %ne3A_325 : i32
        %lt3A_327 = arith.constant 0 : i32
        %lt3A_328 = arith.cmpi slt, %rem3A_324, %lt3A_327 : i32
        %lt3A_329 = arith.constant 0 : i32
        %lt3A_330 = arith.cmpi slt, %select_n3A_323, %lt3A_329 : i32
        %ne3A_331 = arith.xori %lt3A_328, %lt3A_330 : i1
        %and3A_332 = arith.andi %ne3A_331, %ne3A_326 : i1
        %add3A_333 = arith.addi %rem3A_324, %select_n3A_323 : i32
        %select_n3A_334 = arith.select %and3A_332, %add3A_333, %rem3A_324 : i32
        %mul3A_335 = arith.constant 16 : i32
        %mul3A_336 = arith.muli %select_n3A_334, %mul3A_335 : i32
        %add3A_337 = arith.constant 2 : i32
        %add3A_338 = arith.addi %mul3A_244, %add3A_337 : i32
        %jit3A_339 = arith.constant 32 : i32
        %div3A_340 = arith.divsi %add3A_338, %jit3A_339 : i32
        %sign3A_341 = arith.constant 0 : i32
        %sign3A_342 = arith.cmpi sgt, %add3A_338, %sign3A_341 : i32
        %sign3A_343 = arith.extui %sign3A_342 : i1 to i32
        %sign3A_344 = arith.constant 0 : i32
        %sign3A_345 = arith.cmpi slt, %add3A_338, %sign3A_344 : i32
        %sign3A_346 = arith.extui %sign3A_345 : i1 to i32
        %sign3A_347 = arith.subi %sign3A_343, %sign3A_346 : i32
        %sign3A_348 = arith.constant 0 : i32
        %sign3A_349 = arith.cmpi sgt, %jit3A_339, %sign3A_348 : i32
        %sign3A_350 = arith.extui %sign3A_349 : i1 to i32
        %sign3A_351 = arith.constant 0 : i32
        %sign3A_352 = arith.cmpi slt, %jit3A_339, %sign3A_351 : i32
        %sign3A_353 = arith.extui %sign3A_352 : i1 to i32
        %sign3A_354 = arith.subi %sign3A_350, %sign3A_353 : i32
        %ne3A_355 = arith.cmpi ne, %sign3A_347, %sign3A_354 : i32
        %rem3A_356 = arith.remsi %add3A_338, %jit3A_339 : i32
        %ne3A_357 = arith.constant 0 : i32
        %ne3A_358 = arith.cmpi ne, %rem3A_356, %ne3A_357 : i32
        %and3A_359 = arith.andi %ne3A_355, %ne3A_358 : i1
        %sub3A_360 = arith.constant 1 : i32
        %sub3A_361 = arith.subi %div3A_340, %sub3A_360 : i32
        %select_n3A_362 = arith.select %and3A_359, %sub3A_361, %div3A_340 : i32
        %add3A_363 = arith.constant 2 : i32
        %add3A_364 = arith.addi %mul3A_244, %add3A_363 : i32
        %jit3A_365 = arith.constant 32 : i32
        %eq3A_366 = arith.constant 0 : i32
        %eq3A_367 = arith.cmpi eq, %jit3A_365, %eq3A_366 : i32
        %jit3A_368 = arith.constant 1 : i32
        %select_n3A_369 = arith.select %eq3A_367, %jit3A_368, %jit3A_365 : i32
        %rem3A_370 = arith.remsi %add3A_364, %select_n3A_369 : i32
        %ne3A_371 = arith.constant 0 : i32
        %ne3A_372 = arith.cmpi ne, %rem3A_370, %ne3A_371 : i32
        %lt3A_373 = arith.constant 0 : i32
        %lt3A_374 = arith.cmpi slt, %rem3A_370, %lt3A_373 : i32
        %lt3A_375 = arith.constant 0 : i32
        %lt3A_376 = arith.cmpi slt, %select_n3A_369, %lt3A_375 : i32
        %ne3A_377 = arith.xori %lt3A_374, %lt3A_376 : i1
        %and3A_378 = arith.andi %ne3A_377, %ne3A_372 : i1
        %add3A_379 = arith.addi %rem3A_370, %select_n3A_369 : i32
        %select_n3A_380 = arith.select %and3A_378, %add3A_379, %rem3A_370 : i32
        %mul3A_381 = arith.constant 16 : i32
        %mul3A_382 = arith.muli %select_n3A_380, %mul3A_381 : i32
        %add3A_383 = arith.constant 3 : i32
        %add3A_384 = arith.addi %mul3A_244, %add3A_383 : i32
        %jit3A_385 = arith.constant 32 : i32
        %div3A_386 = arith.divsi %add3A_384, %jit3A_385 : i32
        %sign3A_387 = arith.constant 0 : i32
        %sign3A_388 = arith.cmpi sgt, %add3A_384, %sign3A_387 : i32
        %sign3A_389 = arith.extui %sign3A_388 : i1 to i32
        %sign3A_390 = arith.constant 0 : i32
        %sign3A_391 = arith.cmpi slt, %add3A_384, %sign3A_390 : i32
        %sign3A_392 = arith.extui %sign3A_391 : i1 to i32
        %sign3A_393 = arith.subi %sign3A_389, %sign3A_392 : i32
        %sign3A_394 = arith.constant 0 : i32
        %sign3A_395 = arith.cmpi sgt, %jit3A_385, %sign3A_394 : i32
        %sign3A_396 = arith.extui %sign3A_395 : i1 to i32
        %sign3A_397 = arith.constant 0 : i32
        %sign3A_398 = arith.cmpi slt, %jit3A_385, %sign3A_397 : i32
        %sign3A_399 = arith.extui %sign3A_398 : i1 to i32
        %sign3A_400 = arith.subi %sign3A_396, %sign3A_399 : i32
        %ne3A_401 = arith.cmpi ne, %sign3A_393, %sign3A_400 : i32
        %rem3A_402 = arith.remsi %add3A_384, %jit3A_385 : i32
        %ne3A_403 = arith.constant 0 : i32
        %ne3A_404 = arith.cmpi ne, %rem3A_402, %ne3A_403 : i32
        %and3A_405 = arith.andi %ne3A_401, %ne3A_404 : i1
        %sub3A_406 = arith.constant 1 : i32
        %sub3A_407 = arith.subi %div3A_386, %sub3A_406 : i32
        %select_n3A_408 = arith.select %and3A_405, %sub3A_407, %div3A_386 : i32
        %add3A_409 = arith.constant 3 : i32
        %add3A_410 = arith.addi %mul3A_244, %add3A_409 : i32
        %jit3A_411 = arith.constant 32 : i32
        %eq3A_412 = arith.constant 0 : i32
        %eq3A_413 = arith.cmpi eq, %jit3A_411, %eq3A_412 : i32
        %jit3A_414 = arith.constant 1 : i32
        %select_n3A_415 = arith.select %eq3A_413, %jit3A_414, %jit3A_411 : i32
        %rem3A_416 = arith.remsi %add3A_410, %select_n3A_415 : i32
        %ne3A_417 = arith.constant 0 : i32
        %ne3A_418 = arith.cmpi ne, %rem3A_416, %ne3A_417 : i32
        %lt3A_419 = arith.constant 0 : i32
        %lt3A_420 = arith.cmpi slt, %rem3A_416, %lt3A_419 : i32
        %lt3A_421 = arith.constant 0 : i32
        %lt3A_422 = arith.cmpi slt, %select_n3A_415, %lt3A_421 : i32
        %ne3A_423 = arith.xori %lt3A_420, %lt3A_422 : i1
        %and3A_424 = arith.andi %ne3A_423, %ne3A_418 : i1
        %add3A_425 = arith.addi %rem3A_416, %select_n3A_415 : i32
        %select_n3A_426 = arith.select %and3A_424, %add3A_425, %rem3A_416 : i32
        %mul3A_427 = arith.constant 16 : i32
        %mul3A_428 = arith.muli %select_n3A_426, %mul3A_427 : i32
        %add3A_429 = arith.constant 4 : i32
        %add3A_430 = arith.addi %mul3A_244, %add3A_429 : i32
        %jit3A_431 = arith.constant 32 : i32
        %div3A_432 = arith.divsi %add3A_430, %jit3A_431 : i32
        %sign3A_433 = arith.constant 0 : i32
        %sign3A_434 = arith.cmpi sgt, %add3A_430, %sign3A_433 : i32
        %sign3A_435 = arith.extui %sign3A_434 : i1 to i32
        %sign3A_436 = arith.constant 0 : i32
        %sign3A_437 = arith.cmpi slt, %add3A_430, %sign3A_436 : i32
        %sign3A_438 = arith.extui %sign3A_437 : i1 to i32
        %sign3A_439 = arith.subi %sign3A_435, %sign3A_438 : i32
        %sign3A_440 = arith.constant 0 : i32
        %sign3A_441 = arith.cmpi sgt, %jit3A_431, %sign3A_440 : i32
        %sign3A_442 = arith.extui %sign3A_441 : i1 to i32
        %sign3A_443 = arith.constant 0 : i32
        %sign3A_444 = arith.cmpi slt, %jit3A_431, %sign3A_443 : i32
        %sign3A_445 = arith.extui %sign3A_444 : i1 to i32
        %sign3A_446 = arith.subi %sign3A_442, %sign3A_445 : i32
        %ne3A_447 = arith.cmpi ne, %sign3A_439, %sign3A_446 : i32
        %rem3A_448 = arith.remsi %add3A_430, %jit3A_431 : i32
        %ne3A_449 = arith.constant 0 : i32
        %ne3A_450 = arith.cmpi ne, %rem3A_448, %ne3A_449 : i32
        %and3A_451 = arith.andi %ne3A_447, %ne3A_450 : i1
        %sub3A_452 = arith.constant 1 : i32
        %sub3A_453 = arith.subi %div3A_432, %sub3A_452 : i32
        %select_n3A_454 = arith.select %and3A_451, %sub3A_453, %div3A_432 : i32
        %add3A_455 = arith.constant 4 : i32
        %add3A_456 = arith.addi %mul3A_244, %add3A_455 : i32
        %jit3A_457 = arith.constant 32 : i32
        %eq3A_458 = arith.constant 0 : i32
        %eq3A_459 = arith.cmpi eq, %jit3A_457, %eq3A_458 : i32
        %jit3A_460 = arith.constant 1 : i32
        %select_n3A_461 = arith.select %eq3A_459, %jit3A_460, %jit3A_457 : i32
        %rem3A_462 = arith.remsi %add3A_456, %select_n3A_461 : i32
        %ne3A_463 = arith.constant 0 : i32
        %ne3A_464 = arith.cmpi ne, %rem3A_462, %ne3A_463 : i32
        %lt3A_465 = arith.constant 0 : i32
        %lt3A_466 = arith.cmpi slt, %rem3A_462, %lt3A_465 : i32
        %lt3A_467 = arith.constant 0 : i32
        %lt3A_468 = arith.cmpi slt, %select_n3A_461, %lt3A_467 : i32
        %ne3A_469 = arith.xori %lt3A_466, %lt3A_468 : i1
        %and3A_470 = arith.andi %ne3A_469, %ne3A_464 : i1
        %add3A_471 = arith.addi %rem3A_462, %select_n3A_461 : i32
        %select_n3A_472 = arith.select %and3A_470, %add3A_471, %rem3A_462 : i32
        %mul3A_473 = arith.constant 16 : i32
        %mul3A_474 = arith.muli %select_n3A_472, %mul3A_473 : i32
        %add3A_475 = arith.constant 5 : i32
        %add3A_476 = arith.addi %mul3A_244, %add3A_475 : i32
        %jit3A_477 = arith.constant 32 : i32
        %div3A_478 = arith.divsi %add3A_476, %jit3A_477 : i32
        %sign3A_479 = arith.constant 0 : i32
        %sign3A_480 = arith.cmpi sgt, %add3A_476, %sign3A_479 : i32
        %sign3A_481 = arith.extui %sign3A_480 : i1 to i32
        %sign3A_482 = arith.constant 0 : i32
        %sign3A_483 = arith.cmpi slt, %add3A_476, %sign3A_482 : i32
        %sign3A_484 = arith.extui %sign3A_483 : i1 to i32
        %sign3A_485 = arith.subi %sign3A_481, %sign3A_484 : i32
        %sign3A_486 = arith.constant 0 : i32
        %sign3A_487 = arith.cmpi sgt, %jit3A_477, %sign3A_486 : i32
        %sign3A_488 = arith.extui %sign3A_487 : i1 to i32
        %sign3A_489 = arith.constant 0 : i32
        %sign3A_490 = arith.cmpi slt, %jit3A_477, %sign3A_489 : i32
        %sign3A_491 = arith.extui %sign3A_490 : i1 to i32
        %sign3A_492 = arith.subi %sign3A_488, %sign3A_491 : i32
        %ne3A_493 = arith.cmpi ne, %sign3A_485, %sign3A_492 : i32
        %rem3A_494 = arith.remsi %add3A_476, %jit3A_477 : i32
        %ne3A_495 = arith.constant 0 : i32
        %ne3A_496 = arith.cmpi ne, %rem3A_494, %ne3A_495 : i32
        %and3A_497 = arith.andi %ne3A_493, %ne3A_496 : i1
        %sub3A_498 = arith.constant 1 : i32
        %sub3A_499 = arith.subi %div3A_478, %sub3A_498 : i32
        %select_n3A_500 = arith.select %and3A_497, %sub3A_499, %div3A_478 : i32
        %add3A_501 = arith.constant 5 : i32
        %add3A_502 = arith.addi %mul3A_244, %add3A_501 : i32
        %jit3A_503 = arith.constant 32 : i32
        %eq3A_504 = arith.constant 0 : i32
        %eq3A_505 = arith.cmpi eq, %jit3A_503, %eq3A_504 : i32
        %jit3A_506 = arith.constant 1 : i32
        %select_n3A_507 = arith.select %eq3A_505, %jit3A_506, %jit3A_503 : i32
        %rem3A_508 = arith.remsi %add3A_502, %select_n3A_507 : i32
        %ne3A_509 = arith.constant 0 : i32
        %ne3A_510 = arith.cmpi ne, %rem3A_508, %ne3A_509 : i32
        %lt3A_511 = arith.constant 0 : i32
        %lt3A_512 = arith.cmpi slt, %rem3A_508, %lt3A_511 : i32
        %lt3A_513 = arith.constant 0 : i32
        %lt3A_514 = arith.cmpi slt, %select_n3A_507, %lt3A_513 : i32
        %ne3A_515 = arith.xori %lt3A_512, %lt3A_514 : i1
        %and3A_516 = arith.andi %ne3A_515, %ne3A_510 : i1
        %add3A_517 = arith.addi %rem3A_508, %select_n3A_507 : i32
        %select_n3A_518 = arith.select %and3A_516, %add3A_517, %rem3A_508 : i32
        %mul3A_519 = arith.constant 16 : i32
        %mul3A_520 = arith.muli %select_n3A_518, %mul3A_519 : i32
        %add3A_521 = arith.constant 6 : i32
        %add3A_522 = arith.addi %mul3A_244, %add3A_521 : i32
        %jit3A_523 = arith.constant 32 : i32
        %div3A_524 = arith.divsi %add3A_522, %jit3A_523 : i32
        %sign3A_525 = arith.constant 0 : i32
        %sign3A_526 = arith.cmpi sgt, %add3A_522, %sign3A_525 : i32
        %sign3A_527 = arith.extui %sign3A_526 : i1 to i32
        %sign3A_528 = arith.constant 0 : i32
        %sign3A_529 = arith.cmpi slt, %add3A_522, %sign3A_528 : i32
        %sign3A_530 = arith.extui %sign3A_529 : i1 to i32
        %sign3A_531 = arith.subi %sign3A_527, %sign3A_530 : i32
        %sign3A_532 = arith.constant 0 : i32
        %sign3A_533 = arith.cmpi sgt, %jit3A_523, %sign3A_532 : i32
        %sign3A_534 = arith.extui %sign3A_533 : i1 to i32
        %sign3A_535 = arith.constant 0 : i32
        %sign3A_536 = arith.cmpi slt, %jit3A_523, %sign3A_535 : i32
        %sign3A_537 = arith.extui %sign3A_536 : i1 to i32
        %sign3A_538 = arith.subi %sign3A_534, %sign3A_537 : i32
        %ne3A_539 = arith.cmpi ne, %sign3A_531, %sign3A_538 : i32
        %rem3A_540 = arith.remsi %add3A_522, %jit3A_523 : i32
        %ne3A_541 = arith.constant 0 : i32
        %ne3A_542 = arith.cmpi ne, %rem3A_540, %ne3A_541 : i32
        %and3A_543 = arith.andi %ne3A_539, %ne3A_542 : i1
        %sub3A_544 = arith.constant 1 : i32
        %sub3A_545 = arith.subi %div3A_524, %sub3A_544 : i32
        %select_n3A_546 = arith.select %and3A_543, %sub3A_545, %div3A_524 : i32
        %add3A_547 = arith.constant 6 : i32
        %add3A_548 = arith.addi %mul3A_244, %add3A_547 : i32
        %jit3A_549 = arith.constant 32 : i32
        %eq3A_550 = arith.constant 0 : i32
        %eq3A_551 = arith.cmpi eq, %jit3A_549, %eq3A_550 : i32
        %jit3A_552 = arith.constant 1 : i32
        %select_n3A_553 = arith.select %eq3A_551, %jit3A_552, %jit3A_549 : i32
        %rem3A_554 = arith.remsi %add3A_548, %select_n3A_553 : i32
        %ne3A_555 = arith.constant 0 : i32
        %ne3A_556 = arith.cmpi ne, %rem3A_554, %ne3A_555 : i32
        %lt3A_557 = arith.constant 0 : i32
        %lt3A_558 = arith.cmpi slt, %rem3A_554, %lt3A_557 : i32
        %lt3A_559 = arith.constant 0 : i32
        %lt3A_560 = arith.cmpi slt, %select_n3A_553, %lt3A_559 : i32
        %ne3A_561 = arith.xori %lt3A_558, %lt3A_560 : i1
        %and3A_562 = arith.andi %ne3A_561, %ne3A_556 : i1
        %add3A_563 = arith.addi %rem3A_554, %select_n3A_553 : i32
        %select_n3A_564 = arith.select %and3A_562, %add3A_563, %rem3A_554 : i32
        %mul3A_565 = arith.constant 16 : i32
        %mul3A_566 = arith.muli %select_n3A_564, %mul3A_565 : i32
        %add3A_567 = arith.constant 7 : i32
        %add3A_568 = arith.addi %mul3A_244, %add3A_567 : i32
        %jit3A_569 = arith.constant 32 : i32
        %div3A_570 = arith.divsi %add3A_568, %jit3A_569 : i32
        %sign3A_571 = arith.constant 0 : i32
        %sign3A_572 = arith.cmpi sgt, %add3A_568, %sign3A_571 : i32
        %sign3A_573 = arith.extui %sign3A_572 : i1 to i32
        %sign3A_574 = arith.constant 0 : i32
        %sign3A_575 = arith.cmpi slt, %add3A_568, %sign3A_574 : i32
        %sign3A_576 = arith.extui %sign3A_575 : i1 to i32
        %sign3A_577 = arith.subi %sign3A_573, %sign3A_576 : i32
        %sign3A_578 = arith.constant 0 : i32
        %sign3A_579 = arith.cmpi sgt, %jit3A_569, %sign3A_578 : i32
        %sign3A_580 = arith.extui %sign3A_579 : i1 to i32
        %sign3A_581 = arith.constant 0 : i32
        %sign3A_582 = arith.cmpi slt, %jit3A_569, %sign3A_581 : i32
        %sign3A_583 = arith.extui %sign3A_582 : i1 to i32
        %sign3A_584 = arith.subi %sign3A_580, %sign3A_583 : i32
        %ne3A_585 = arith.cmpi ne, %sign3A_577, %sign3A_584 : i32
        %rem3A_586 = arith.remsi %add3A_568, %jit3A_569 : i32
        %ne3A_587 = arith.constant 0 : i32
        %ne3A_588 = arith.cmpi ne, %rem3A_586, %ne3A_587 : i32
        %and3A_589 = arith.andi %ne3A_585, %ne3A_588 : i1
        %sub3A_590 = arith.constant 1 : i32
        %sub3A_591 = arith.subi %div3A_570, %sub3A_590 : i32
        %select_n3A_592 = arith.select %and3A_589, %sub3A_591, %div3A_570 : i32
        %add3A_593 = arith.constant 7 : i32
        %add3A_594 = arith.addi %mul3A_244, %add3A_593 : i32
        %jit3A_595 = arith.constant 32 : i32
        %eq3A_596 = arith.constant 0 : i32
        %eq3A_597 = arith.cmpi eq, %jit3A_595, %eq3A_596 : i32
        %jit3A_598 = arith.constant 1 : i32
        %select_n3A_599 = arith.select %eq3A_597, %jit3A_598, %jit3A_595 : i32
        %rem3A_600 = arith.remsi %add3A_594, %select_n3A_599 : i32
        %ne3A_601 = arith.constant 0 : i32
        %ne3A_602 = arith.cmpi ne, %rem3A_600, %ne3A_601 : i32
        %lt3A_603 = arith.constant 0 : i32
        %lt3A_604 = arith.cmpi slt, %rem3A_600, %lt3A_603 : i32
        %lt3A_605 = arith.constant 0 : i32
        %lt3A_606 = arith.cmpi slt, %select_n3A_599, %lt3A_605 : i32
        %ne3A_607 = arith.xori %lt3A_604, %lt3A_606 : i1
        %and3A_608 = arith.andi %ne3A_607, %ne3A_602 : i1
        %add3A_609 = arith.addi %rem3A_600, %select_n3A_599 : i32
        %select_n3A_610 = arith.select %and3A_608, %add3A_609, %rem3A_600 : i32
        %mul3A_611 = arith.constant 16 : i32
        %mul3A_612 = arith.muli %select_n3A_610, %mul3A_611 : i32
        %get3A = arith.index_cast %select_n3A_270 : i32 to index
        %get3A_613 = arith.index_cast %mul3A_290 : i32 to index
        %get3A_614 = tpu.vector_load %arg6[%get3A, %get3A_613] {strides = array<i32>} : memref<16x512xf32, #tpu.memory_space<vmem>>, vector<16xf32>,
        %get3A_615 = arith.index_cast %select_n3A_316 : i32 to index
        %get3A_616 = arith.index_cast %mul3A_336 : i32 to index
        %get3A_617 = tpu.vector_load %arg6[%get3A_615, %get3A_616] {strides = array<i32>} : memref<16x512xf32, #tpu.memory_space<vmem>>, vector<16xf32>,
        %get3A_618 = arith.index_cast %select_n3A_362 : i32 to index
        %get3A_619 = arith.index_cast %mul3A_382 : i32 to index
        %get3A_620 = tpu.vector_load %arg6[%get3A_618, %get3A_619] {strides = array<i32>} : memref<16x512xf32, #tpu.memory_space<vmem>>, vector<16xf32>,
        %get3A_621 = arith.index_cast %select_n3A_408 : i32 to index
        %get3A_622 = arith.index_cast %mul3A_428 : i32 to index
        %get3A_623 = tpu.vector_load %arg6[%get3A_621, %get3A_622] {strides = array<i32>} : memref<16x512xf32, #tpu.memory_space<vmem>>, vector<16xf32>,
        %get3A_624 = arith.index_cast %select_n3A_454 : i32 to index
        %get3A_625 = arith.index_cast %mul3A_474 : i32 to index
        %get3A_626 = tpu.vector_load %arg6[%get3A_624, %get3A_625] {strides = array<i32>} : memref<16x512xf32, #tpu.memory_space<vmem>>, vector<16xf32>,
        %get3A_627 = arith.index_cast %select_n3A_500 : i32 to index
        %get3A_628 = arith.index_cast %mul3A_520 : i32 to index
        %get3A_629 = tpu.vector_load %arg6[%get3A_627, %get3A_628] {strides = array<i32>} : memref<16x512xf32, #tpu.memory_space<vmem>>, vector<16xf32>,
        %get3A_630 = arith.index_cast %select_n3A_546 : i32 to index
        %get3A_631 = arith.index_cast %mul3A_566 : i32 to index
        %get3A_632 = tpu.vector_load %arg6[%get3A_630, %get3A_631] {strides = array<i32>} : memref<16x512xf32, #tpu.memory_space<vmem>>, vector<16xf32>,
        %get3A_633 = arith.index_cast %select_n3A_592 : i32 to index
        %get3A_634 = arith.index_cast %mul3A_612 : i32 to index
        %get3A_635 = tpu.vector_load %arg6[%get3A_633, %get3A_634] {strides = array<i32>} : memref<16x512xf32, #tpu.memory_space<vmem>>, vector<16xf32>,
        %get3A_636 = arith.index_cast %select_n3A_270 : i32 to index
        %get3A_637 = arith.index_cast %mul3A_290 : i32 to index
        %get3A_638 = tpu.vector_load %arg7[%get3A_636, %get3A_637] {strides = array<i32>} : memref<16x512xf32, #tpu.memory_space<vmem>>, vector<16xf32>,
        %get3A_639 = arith.index_cast %select_n3A_316 : i32 to index
        %get3A_640 = arith.index_cast %mul3A_336 : i32 to index
        %get3A_641 = tpu.vector_load %arg7[%get3A_639, %get3A_640] {strides = array<i32>} : memref<16x512xf32, #tpu.memory_space<vmem>>, vector<16xf32>,
        %get3A_642 = arith.index_cast %select_n3A_362 : i32 to index
        %get3A_643 = arith.index_cast %mul3A_382 : i32 to index
        %get3A_644 = tpu.vector_load %arg7[%get3A_642, %get3A_643] {strides = array<i32>} : memref<16x512xf32, #tpu.memory_space<vmem>>, vector<16xf32>,
        %get3A_645 = arith.index_cast %select_n3A_408 : i32 to index
        %get3A_646 = arith.index_cast %mul3A_428 : i32 to index
        %get3A_647 = tpu.vector_load %arg7[%get3A_645, %get3A_646] {strides = array<i32>} : memref<16x512xf32, #tpu.memory_space<vmem>>, vector<16xf32>,
        %get3A_648 = arith.index_cast %select_n3A_454 : i32 to index
        %get3A_649 = arith.index_cast %mul3A_474 : i32 to index
        %get3A_650 = tpu.vector_load %arg7[%get3A_648, %get3A_649] {strides = array<i32>} : memref<16x512xf32, #tpu.memory_space<vmem>>, vector<16xf32>,
        %get3A_651 = arith.index_cast %select_n3A_500 : i32 to index
        %get3A_652 = arith.index_cast %mul3A_520 : i32 to index
        %get3A_653 = tpu.vector_load %arg7[%get3A_651, %get3A_652] {strides = array<i32>} : memref<16x512xf32, #tpu.memory_space<vmem>>, vector<16xf32>,
        %get3A_654 = arith.index_cast %select_n3A_546 : i32 to index
        %get3A_655 = arith.index_cast %mul3A_566 : i32 to index
        %get3A_656 = tpu.vector_load %arg7[%get3A_654, %get3A_655] {strides = array<i32>} : memref<16x512xf32, #tpu.memory_space<vmem>>, vector<16xf32>,
        %get3A_657 = arith.index_cast %select_n3A_592 : i32 to index
        %get3A_658 = arith.index_cast %mul3A_612 : i32 to index
        %get3A_659 = tpu.vector_load %arg7[%get3A_657, %get3A_658] {strides = array<i32>} : memref<16x512xf32, #tpu.memory_space<vmem>>, vector<16xf32>,
        %get3A_660 = arith.index_cast %select_n3A_270 : i32 to index
        %get3A_661 = arith.index_cast %mul3A_290 : i32 to index
        %get3A_662 = tpu.vector_load %arg8[%get3A_660, %get3A_661] {strides = array<i32>} : memref<16x512xf32, #tpu.memory_space<vmem>>, vector<16xf32>,
        %get3A_663 = arith.index_cast %select_n3A_316 : i32 to index
        %get3A_664 = arith.index_cast %mul3A_336 : i32 to index
        %get3A_665 = tpu.vector_load %arg8[%get3A_663, %get3A_664] {strides = array<i32>} : memref<16x512xf32, #tpu.memory_space<vmem>>, vector<16xf32>,
        %get3A_666 = arith.index_cast %select_n3A_362 : i32 to index
        %get3A_667 = arith.index_cast %mul3A_382 : i32 to index
        %get3A_668 = tpu.vector_load %arg8[%get3A_666, %get3A_667] {strides = array<i32>} : memref<16x512xf32, #tpu.memory_space<vmem>>, vector<16xf32>,
        %get3A_669 = arith.index_cast %select_n3A_408 : i32 to index
        %get3A_670 = arith.index_cast %mul3A_428 : i32 to index
        %get3A_671 = tpu.vector_load %arg8[%get3A_669, %get3A_670] {strides = array<i32>} : memref<16x512xf32, #tpu.memory_space<vmem>>, vector<16xf32>,
        %get3A_672 = arith.index_cast %select_n3A_454 : i32 to index
        %get3A_673 = arith.index_cast %mul3A_474 : i32 to index
        %get3A_674 = tpu.vector_load %arg8[%get3A_672, %get3A_673] {strides = array<i32>} : memref<16x512xf32, #tpu.memory_space<vmem>>, vector<16xf32>,
        %get3A_675 = arith.index_cast %select_n3A_500 : i32 to index
        %get3A_676 = arith.index_cast %mul3A_520 : i32 to index
        %get3A_677 = tpu.vector_load %arg8[%get3A_675, %get3A_676] {strides = array<i32>} : memref<16x512xf32, #tpu.memory_space<vmem>>, vector<16xf32>,
        %get3A_678 = arith.index_cast %select_n3A_546 : i32 to index
        %get3A_679 = arith.index_cast %mul3A_566 : i32 to index
        %get3A_680 = tpu.vector_load %arg8[%get3A_678, %get3A_679] {strides = array<i32>} : memref<16x512xf32, #tpu.memory_space<vmem>>, vector<16xf32>,
        %get3A_681 = arith.index_cast %select_n3A_592 : i32 to index
        %get3A_682 = arith.index_cast %mul3A_612 : i32 to index
        %get3A_683 = tpu.vector_load %arg8[%get3A_681, %get3A_682] {strides = array<i32>} : memref<16x512xf32, #tpu.memory_space<vmem>>, vector<16xf32>,
        %bitcast_convert_type3A = tpu.bitcast %get3A_614 : vector<16xf32> -> vector<16xi32>
        %shift_right_arithmetic3A = arith.constant 31 : i32
        %shift_right_arithmetic3A_684 = vector.broadcast %shift_right_arithmetic3A : i32 to vector<16xi32>
        %shift_right_arithmetic3A_685 = arith.shrsi %bitcast_convert_type3A, %shift_right_arithmetic3A_684 : vector<16xi32>
        %or3A = arith.constant -2147483648 : i32
        %or3A_686 = vector.broadcast %or3A : i32 to vector<16xi32>
        %or3A_687 = arith.ori %shift_right_arithmetic3A_685, %or3A_686 : vector<16xi32>
        %xor3A = arith.xori %bitcast_convert_type3A, %or3A_687 : vector<16xi32>
        %shift_right_logical3A = arith.constant 20 : i32
        %shift_right_logical3A_688 = vector.broadcast %shift_right_logical3A : i32 to vector<16xi32>
        %shift_right_logical3A_689 = arith.shrui %xor3A, %shift_right_logical3A_688 : vector<16xi32>
        %bitcast_convert_type3A_690 = tpu.bitcast %get3A_617 : vector<16xf32> -> vector<16xi32>
        %shift_right_arithmetic3A_691 = arith.constant 31 : i32
        %shift_right_arithmetic3A_692 = vector.broadcast %shift_right_arithmetic3A_691 : i32 to vector<16xi32>
        %shift_right_arithmetic3A_693 = arith.shrsi %bitcast_convert_type3A_690, %shift_right_arithmetic3A_692 : vector<16xi32>
        %or3A_694 = arith.constant -2147483648 : i32
        %or3A_695 = vector.broadcast %or3A_694 : i32 to vector<16xi32>
        %or3A_696 = arith.ori %shift_right_arithmetic3A_693, %or3A_695 : vector<16xi32>
        %xor3A_697 = arith.xori %bitcast_convert_type3A_690, %or3A_696 : vector<16xi32>
        %shift_right_logical3A_698 = arith.constant 20 : i32
        %shift_right_logical3A_699 = vector.broadcast %shift_right_logical3A_698 : i32 to vector<16xi32>
        %shift_right_logical3A_700 = arith.shrui %xor3A_697, %shift_right_logical3A_699 : vector<16xi32>
        %bitcast_convert_type3A_701 = tpu.bitcast %get3A_620 : vector<16xf32> -> vector<16xi32>
        %shift_right_arithmetic3A_702 = arith.constant 31 : i32
        %shift_right_arithmetic3A_703 = vector.broadcast %shift_right_arithmetic3A_702 : i32 to vector<16xi32>
        %shift_right_arithmetic3A_704 = arith.shrsi %bitcast_convert_type3A_701, %shift_right_arithmetic3A_703 : vector<16xi32>
        %or3A_705 = arith.constant -2147483648 : i32
        %or3A_706 = vector.broadcast %or3A_705 : i32 to vector<16xi32>
        %or3A_707 = arith.ori %shift_right_arithmetic3A_704, %or3A_706 : vector<16xi32>
        %xor3A_708 = arith.xori %bitcast_convert_type3A_701, %or3A_707 : vector<16xi32>
        %shift_right_logical3A_709 = arith.constant 20 : i32
        %shift_right_logical3A_710 = vector.broadcast %shift_right_logical3A_709 : i32 to vector<16xi32>
        %shift_right_logical3A_711 = arith.shrui %xor3A_708, %shift_right_logical3A_710 : vector<16xi32>
        %bitcast_convert_type3A_712 = tpu.bitcast %get3A_623 : vector<16xf32> -> vector<16xi32>
        %shift_right_arithmetic3A_713 = arith.constant 31 : i32
        %shift_right_arithmetic3A_714 = vector.broadcast %shift_right_arithmetic3A_713 : i32 to vector<16xi32>
        %shift_right_arithmetic3A_715 = arith.shrsi %bitcast_convert_type3A_712, %shift_right_arithmetic3A_714 : vector<16xi32>
        %or3A_716 = arith.constant -2147483648 : i32
        %or3A_717 = vector.broadcast %or3A_716 : i32 to vector<16xi32>
        %or3A_718 = arith.ori %shift_right_arithmetic3A_715, %or3A_717 : vector<16xi32>
        %xor3A_719 = arith.xori %bitcast_convert_type3A_712, %or3A_718 : vector<16xi32>
        %shift_right_logical3A_720 = arith.constant 20 : i32
        %shift_right_logical3A_721 = vector.broadcast %shift_right_logical3A_720 : i32 to vector<16xi32>
        %shift_right_logical3A_722 = arith.shrui %xor3A_719, %shift_right_logical3A_721 : vector<16xi32>
        %bitcast_convert_type3A_723 = tpu.bitcast %get3A_626 : vector<16xf32> -> vector<16xi32>
        %shift_right_arithmetic3A_724 = arith.constant 31 : i32
        %shift_right_arithmetic3A_725 = vector.broadcast %shift_right_arithmetic3A_724 : i32 to vector<16xi32>
        %shift_right_arithmetic3A_726 = arith.shrsi %bitcast_convert_type3A_723, %shift_right_arithmetic3A_725 : vector<16xi32>
        %or3A_727 = arith.constant -2147483648 : i32
        %or3A_728 = vector.broadcast %or3A_727 : i32 to vector<16xi32>
        %or3A_729 = arith.ori %shift_right_arithmetic3A_726, %or3A_728 : vector<16xi32>
        %xor3A_730 = arith.xori %bitcast_convert_type3A_723, %or3A_729 : vector<16xi32>
        %shift_right_logical3A_731 = arith.constant 20 : i32
        %shift_right_logical3A_732 = vector.broadcast %shift_right_logical3A_731 : i32 to vector<16xi32>
        %shift_right_logical3A_733 = arith.shrui %xor3A_730, %shift_right_logical3A_732 : vector<16xi32>
        %bitcast_convert_type3A_734 = tpu.bitcast %get3A_629 : vector<16xf32> -> vector<16xi32>
        %shift_right_arithmetic3A_735 = arith.constant 31 : i32
        %shift_right_arithmetic3A_736 = vector.broadcast %shift_right_arithmetic3A_735 : i32 to vector<16xi32>
        %shift_right_arithmetic3A_737 = arith.shrsi %bitcast_convert_type3A_734, %shift_right_arithmetic3A_736 : vector<16xi32>
        %or3A_738 = arith.constant -2147483648 : i32
        %or3A_739 = vector.broadcast %or3A_738 : i32 to vector<16xi32>
        %or3A_740 = arith.ori %shift_right_arithmetic3A_737, %or3A_739 : vector<16xi32>
        %xor3A_741 = arith.xori %bitcast_convert_type3A_734, %or3A_740 : vector<16xi32>
        %shift_right_logical3A_742 = arith.constant 20 : i32
        %shift_right_logical3A_743 = vector.broadcast %shift_right_logical3A_742 : i32 to vector<16xi32>
        %shift_right_logical3A_744 = arith.shrui %xor3A_741, %shift_right_logical3A_743 : vector<16xi32>
        %bitcast_convert_type3A_745 = tpu.bitcast %get3A_632 : vector<16xf32> -> vector<16xi32>
        %shift_right_arithmetic3A_746 = arith.constant 31 : i32
        %shift_right_arithmetic3A_747 = vector.broadcast %shift_right_arithmetic3A_746 : i32 to vector<16xi32>
        %shift_right_arithmetic3A_748 = arith.shrsi %bitcast_convert_type3A_745, %shift_right_arithmetic3A_747 : vector<16xi32>
        %or3A_749 = arith.constant -2147483648 : i32
        %or3A_750 = vector.broadcast %or3A_749 : i32 to vector<16xi32>
        %or3A_751 = arith.ori %shift_right_arithmetic3A_748, %or3A_750 : vector<16xi32>
        %xor3A_752 = arith.xori %bitcast_convert_type3A_745, %or3A_751 : vector<16xi32>
        %shift_right_logical3A_753 = arith.constant 20 : i32
        %shift_right_logical3A_754 = vector.broadcast %shift_right_logical3A_753 : i32 to vector<16xi32>
        %shift_right_logical3A_755 = arith.shrui %xor3A_752, %shift_right_logical3A_754 : vector<16xi32>
        %bitcast_convert_type3A_756 = tpu.bitcast %get3A_635 : vector<16xf32> -> vector<16xi32>
        %shift_right_arithmetic3A_757 = arith.constant 31 : i32
        %shift_right_arithmetic3A_758 = vector.broadcast %shift_right_arithmetic3A_757 : i32 to vector<16xi32>
        %shift_right_arithmetic3A_759 = arith.shrsi %bitcast_convert_type3A_756, %shift_right_arithmetic3A_758 : vector<16xi32>
        %or3A_760 = arith.constant -2147483648 : i32
        %or3A_761 = vector.broadcast %or3A_760 : i32 to vector<16xi32>
        %or3A_762 = arith.ori %shift_right_arithmetic3A_759, %or3A_761 : vector<16xi32>
        %xor3A_763 = arith.xori %bitcast_convert_type3A_756, %or3A_762 : vector<16xi32>
        %shift_right_logical3A_764 = arith.constant 20 : i32
        %shift_right_logical3A_765 = vector.broadcast %shift_right_logical3A_764 : i32 to vector<16xi32>
        %shift_right_logical3A_766 = arith.shrui %xor3A_763, %shift_right_logical3A_765 : vector<16xi32>
        %neg3A = arith.constant 0.000000e+00 : f32
        %neg3A_767 = vector.broadcast %neg3A : f32 to vector<16xf32>
        %neg3A_768 = arith.subf %neg3A_767, %get3A_638 : vector<16xf32>
        %exp3A = math.exp %neg3A_768 : vector<16xf32>
        %add3A_769 = arith.constant 1.000000e+00 : f32
        %add3A_770 = vector.broadcast %add3A_769 : f32 to vector<16xf32>
        %add3A_771 = arith.addf %add3A_770, %exp3A : vector<16xf32>
        %div3A_772 = arith.constant 1.000000e+00 : f32
        %div3A_773 = vector.broadcast %div3A_772 : f32 to vector<16xf32>
        %div3A_774 = arith.divf %div3A_773, %add3A_771 : vector<16xf32>
        %neg3A_775 = arith.constant 0.000000e+00 : f32
        %neg3A_776 = vector.broadcast %neg3A_775 : f32 to vector<16xf32>
        %neg3A_777 = arith.subf %neg3A_776, %get3A_641 : vector<16xf32>
        %exp3A_778 = math.exp %neg3A_777 : vector<16xf32>
        %add3A_779 = arith.constant 1.000000e+00 : f32
        %add3A_780 = vector.broadcast %add3A_779 : f32 to vector<16xf32>
        %add3A_781 = arith.addf %add3A_780, %exp3A_778 : vector<16xf32>
        %div3A_782 = arith.constant 1.000000e+00 : f32
        %div3A_783 = vector.broadcast %div3A_782 : f32 to vector<16xf32>
        %div3A_784 = arith.divf %div3A_783, %add3A_781 : vector<16xf32>
        %neg3A_785 = arith.constant 0.000000e+00 : f32
        %neg3A_786 = vector.broadcast %neg3A_785 : f32 to vector<16xf32>
        %neg3A_787 = arith.subf %neg3A_786, %get3A_644 : vector<16xf32>
        %exp3A_788 = math.exp %neg3A_787 : vector<16xf32>
        %add3A_789 = arith.constant 1.000000e+00 : f32
        %add3A_790 = vector.broadcast %add3A_789 : f32 to vector<16xf32>
        %add3A_791 = arith.addf %add3A_790, %exp3A_788 : vector<16xf32>
        %div3A_792 = arith.constant 1.000000e+00 : f32
        %div3A_793 = vector.broadcast %div3A_792 : f32 to vector<16xf32>
        %div3A_794 = arith.divf %div3A_793, %add3A_791 : vector<16xf32>
        %neg3A_795 = arith.constant 0.000000e+00 : f32
        %neg3A_796 = vector.broadcast %neg3A_795 : f32 to vector<16xf32>
        %neg3A_797 = arith.subf %neg3A_796, %get3A_647 : vector<16xf32>
        %exp3A_798 = math.exp %neg3A_797 : vector<16xf32>
        %add3A_799 = arith.constant 1.000000e+00 : f32
        %add3A_800 = vector.broadcast %add3A_799 : f32 to vector<16xf32>
        %add3A_801 = arith.addf %add3A_800, %exp3A_798 : vector<16xf32>
        %div3A_802 = arith.constant 1.000000e+00 : f32
        %div3A_803 = vector.broadcast %div3A_802 : f32 to vector<16xf32>
        %div3A_804 = arith.divf %div3A_803, %add3A_801 : vector<16xf32>
        %neg3A_805 = arith.constant 0.000000e+00 : f32
        %neg3A_806 = vector.broadcast %neg3A_805 : f32 to vector<16xf32>
        %neg3A_807 = arith.subf %neg3A_806, %get3A_650 : vector<16xf32>
        %exp3A_808 = math.exp %neg3A_807 : vector<16xf32>
        %add3A_809 = arith.constant 1.000000e+00 : f32
        %add3A_810 = vector.broadcast %add3A_809 : f32 to vector<16xf32>
        %add3A_811 = arith.addf %add3A_810, %exp3A_808 : vector<16xf32>
        %div3A_812 = arith.constant 1.000000e+00 : f32
        %div3A_813 = vector.broadcast %div3A_812 : f32 to vector<16xf32>
        %div3A_814 = arith.divf %div3A_813, %add3A_811 : vector<16xf32>
        %neg3A_815 = arith.constant 0.000000e+00 : f32
        %neg3A_816 = vector.broadcast %neg3A_815 : f32 to vector<16xf32>
        %neg3A_817 = arith.subf %neg3A_816, %get3A_653 : vector<16xf32>
        %exp3A_818 = math.exp %neg3A_817 : vector<16xf32>
        %add3A_819 = arith.constant 1.000000e+00 : f32
        %add3A_820 = vector.broadcast %add3A_819 : f32 to vector<16xf32>
        %add3A_821 = arith.addf %add3A_820, %exp3A_818 : vector<16xf32>
        %div3A_822 = arith.constant 1.000000e+00 : f32
        %div3A_823 = vector.broadcast %div3A_822 : f32 to vector<16xf32>
        %div3A_824 = arith.divf %div3A_823, %add3A_821 : vector<16xf32>
        %neg3A_825 = arith.constant 0.000000e+00 : f32
        %neg3A_826 = vector.broadcast %neg3A_825 : f32 to vector<16xf32>
        %neg3A_827 = arith.subf %neg3A_826, %get3A_656 : vector<16xf32>
        %exp3A_828 = math.exp %neg3A_827 : vector<16xf32>
        %add3A_829 = arith.constant 1.000000e+00 : f32
        %add3A_830 = vector.broadcast %add3A_829 : f32 to vector<16xf32>
        %add3A_831 = arith.addf %add3A_830, %exp3A_828 : vector<16xf32>
        %div3A_832 = arith.constant 1.000000e+00 : f32
        %div3A_833 = vector.broadcast %div3A_832 : f32 to vector<16xf32>
        %div3A_834 = arith.divf %div3A_833, %add3A_831 : vector<16xf32>
        %neg3A_835 = arith.constant 0.000000e+00 : f32
        %neg3A_836 = vector.broadcast %neg3A_835 : f32 to vector<16xf32>
        %neg3A_837 = arith.subf %neg3A_836, %get3A_659 : vector<16xf32>
        %exp3A_838 = math.exp %neg3A_837 : vector<16xf32>
        %add3A_839 = arith.constant 1.000000e+00 : f32
        %add3A_840 = vector.broadcast %add3A_839 : f32 to vector<16xf32>
        %add3A_841 = arith.addf %add3A_840, %exp3A_838 : vector<16xf32>
        %div3A_842 = arith.constant 1.000000e+00 : f32
        %div3A_843 = vector.broadcast %div3A_842 : f32 to vector<16xf32>
        %div3A_844 = arith.divf %div3A_843, %add3A_841 : vector<16xf32>
        tpu.vector_store_idx %arg12[%shift_right_logical3A_689], %broadcast_in_dim3A_35 {add = true} : memref<4096xf32, #tpu.memory_space<vmem>>[vector<16xi32>], vector<16xf32>,
        %mul3A_845 = arith.mulf %div3A_774, %get3A_662 : vector<16xf32>
        tpu.vector_store_idx %arg13[%shift_right_logical3A_689], %mul3A_845 {add = true} : memref<4096xf32, #tpu.memory_space<vmem>>[vector<16xi32>], vector<16xf32>,
        %add3A_846 = arith.addf %div3A_774, %get3A_662 : vector<16xf32>
        tpu.vector_store_idx %arg14[%shift_right_logical3A_689], %add3A_846 {add = true} : memref<4096xf32, #tpu.memory_space<vmem>>[vector<16xi32>], vector<16xf32>,
        tpu.vector_store_idx %arg12[%shift_right_logical3A_700], %broadcast_in_dim3A_35 {add = true} : memref<4096xf32, #tpu.memory_space<vmem>>[vector<16xi32>], vector<16xf32>,
        %mul3A_847 = arith.mulf %div3A_784, %get3A_665 : vector<16xf32>
        tpu.vector_store_idx %arg13[%shift_right_logical3A_700], %mul3A_847 {add = true} : memref<4096xf32, #tpu.memory_space<vmem>>[vector<16xi32>], vector<16xf32>,
        %add3A_848 = arith.addf %div3A_784, %get3A_665 : vector<16xf32>
        tpu.vector_store_idx %arg14[%shift_right_logical3A_700], %add3A_848 {add = true} : memref<4096xf32, #tpu.memory_space<vmem>>[vector<16xi32>], vector<16xf32>,
        tpu.vector_store_idx %arg12[%shift_right_logical3A_711], %broadcast_in_dim3A_35 {add = true} : memref<4096xf32, #tpu.memory_space<vmem>>[vector<16xi32>], vector<16xf32>,
        %mul3A_849 = arith.mulf %div3A_794, %get3A_668 : vector<16xf32>
        tpu.vector_store_idx %arg13[%shift_right_logical3A_711], %mul3A_849 {add = true} : memref<4096xf32, #tpu.memory_space<vmem>>[vector<16xi32>], vector<16xf32>,
        %add3A_850 = arith.addf %div3A_794, %get3A_668 : vector<16xf32>
        tpu.vector_store_idx %arg14[%shift_right_logical3A_711], %add3A_850 {add = true} : memref<4096xf32, #tpu.memory_space<vmem>>[vector<16xi32>], vector<16xf32>,
        tpu.vector_store_idx %arg12[%shift_right_logical3A_722], %broadcast_in_dim3A_35 {add = true} : memref<4096xf32, #tpu.memory_space<vmem>>[vector<16xi32>], vector<16xf32>,
        %mul3A_851 = arith.mulf %div3A_804, %get3A_671 : vector<16xf32>
        tpu.vector_store_idx %arg13[%shift_right_logical3A_722], %mul3A_851 {add = true} : memref<4096xf32, #tpu.memory_space<vmem>>[vector<16xi32>], vector<16xf32>,
        %add3A_852 = arith.addf %div3A_804, %get3A_671 : vector<16xf32>
        tpu.vector_store_idx %arg14[%shift_right_logical3A_722], %add3A_852 {add = true} : memref<4096xf32, #tpu.memory_space<vmem>>[vector<16xi32>], vector<16xf32>,
        tpu.vector_store_idx %arg12[%shift_right_logical3A_733], %broadcast_in_dim3A_35 {add = true} : memref<4096xf32, #tpu.memory_space<vmem>>[vector<16xi32>], vector<16xf32>,
        %mul3A_853 = arith.mulf %div3A_814, %get3A_674 : vector<16xf32>
        tpu.vector_store_idx %arg13[%shift_right_logical3A_733], %mul3A_853 {add = true} : memref<4096xf32, #tpu.memory_space<vmem>>[vector<16xi32>], vector<16xf32>,
        %add3A_854 = arith.addf %div3A_814, %get3A_674 : vector<16xf32>
        tpu.vector_store_idx %arg14[%shift_right_logical3A_733], %add3A_854 {add = true} : memref<4096xf32, #tpu.memory_space<vmem>>[vector<16xi32>], vector<16xf32>,
        tpu.vector_store_idx %arg12[%shift_right_logical3A_744], %broadcast_in_dim3A_35 {add = true} : memref<4096xf32, #tpu.memory_space<vmem>>[vector<16xi32>], vector<16xf32>,
        %mul3A_855 = arith.mulf %div3A_824, %get3A_677 : vector<16xf32>
        tpu.vector_store_idx %arg13[%shift_right_logical3A_744], %mul3A_855 {add = true} : memref<4096xf32, #tpu.memory_space<vmem>>[vector<16xi32>], vector<16xf32>,
        %add3A_856 = arith.addf %div3A_824, %get3A_677 : vector<16xf32>
        tpu.vector_store_idx %arg14[%shift_right_logical3A_744], %add3A_856 {add = true} : memref<4096xf32, #tpu.memory_space<vmem>>[vector<16xi32>], vector<16xf32>,
        tpu.vector_store_idx %arg12[%shift_right_logical3A_755], %broadcast_in_dim3A_35 {add = true} : memref<4096xf32, #tpu.memory_space<vmem>>[vector<16xi32>], vector<16xf32>,
        %mul3A_857 = arith.mulf %div3A_834, %get3A_680 : vector<16xf32>
        tpu.vector_store_idx %arg13[%shift_right_logical3A_755], %mul3A_857 {add = true} : memref<4096xf32, #tpu.memory_space<vmem>>[vector<16xi32>], vector<16xf32>,
        %add3A_858 = arith.addf %div3A_834, %get3A_680 : vector<16xf32>
        tpu.vector_store_idx %arg14[%shift_right_logical3A_755], %add3A_858 {add = true} : memref<4096xf32, #tpu.memory_space<vmem>>[vector<16xi32>], vector<16xf32>,
        tpu.vector_store_idx %arg12[%shift_right_logical3A_766], %broadcast_in_dim3A_35 {add = true} : memref<4096xf32, #tpu.memory_space<vmem>>[vector<16xi32>], vector<16xf32>,
        %mul3A_859 = arith.mulf %div3A_844, %get3A_683 : vector<16xf32>
        tpu.vector_store_idx %arg13[%shift_right_logical3A_766], %mul3A_859 {add = true} : memref<4096xf32, #tpu.memory_space<vmem>>[vector<16xi32>], vector<16xf32>,
        %add3A_860 = arith.addf %div3A_844, %get3A_683 : vector<16xf32>
        tpu.vector_store_idx %arg14[%shift_right_logical3A_766], %add3A_860 {add = true} : memref<4096xf32, #tpu.memory_space<vmem>>[vector<16xi32>], vector<16xf32>,
        %scan3A_861 = arith.constant 0 : i32
        scf.yield %scan3A_861 : i32
      }
      %scan3A_195 = arith.constant 64 : i32
      %mul3A_196 = arith.constant 2 : i32
      %mul3A_197 = arith.muli %mul3A_196, %scan3A_130 : i32
      %add3A_198 = arith.constant 2 : i32
      %add3A_199 = arith.addi %mul3A_197, %add3A_198 : i32
      %lt3A_200 = arith.constant 16 : i32
      %lt3A_201 = arith.cmpi slt, %add3A_199, %lt3A_200 : i32
      %convert_element_type3A = arith.extui %lt3A_201 : i1 to i32
      %cond3A = arith.constant 0 : i32
      %cond3A_202 = arith.cmpi ne, %convert_element_type3A, %cond3A : i32
      scf.if %cond3A_202 {
        %mul3A_241 = arith.constant 2 : i32
        %mul3A_242 = arith.muli %mul3A_241, %scan3A_130 : i32
        %add3A_243 = arith.constant 2 : i32
        %add3A_244 = arith.addi %mul3A_242, %add3A_243 : i32
        %mul3A_245 = arith.constant 16 : i32
        %mul3A_246 = arith.muli %add3A_244, %mul3A_245 : i32
        %add3A_247 = arith.addi %mul3A_32, %mul3A_246 : i32
        %dma_start3A_248 = arith.constant 0 : i32
        %dma_start3A_249 = arith.constant 0 : i32
        %dma_start3A_250 = tpu.memref_slice %arg2[%select_n3A, %dma_start3A_248, %add3A_247, %dma_start3A_249] : memref<16x1x512x512xf32, #tpu.memory_space<hbm>> -> memref<1x1x16x512xf32, #tpu.memory_space<hbm>>
        %dma_start3A_251 = tpu.memref_squeeze %dma_start3A_250 : memref<1x1x16x512xf32, #tpu.memory_space<hbm>> -> memref<16x512xf32, #tpu.memory_space<hbm>>
        %dma_start3A_252 = arith.constant 0 : i32
        %dma_start3A_253 = tpu.memref_slice %arg2[%select_n3A, %dma_start3A_248, %add3A_247, %dma_start3A_252] : memref<16x1x512x512xf32, #tpu.memory_space<hbm>> -> memref<1x1x16x512xf32, #tpu.memory_space<hbm>>
        %dma_start3A_254 = tpu.memref_squeeze %dma_start3A_253 : memref<1x1x16x512xf32, #tpu.memory_space<hbm>> -> memref<16x512xf32, #tpu.memory_space<hbm>>
        tpu.enqueue_dma source(%dma_start3A_254 : memref<16x512xf32, #tpu.memory_space<hbm>>) target(%arg6 : memref<16x512xf32, #tpu.memory_space<vmem>>) target_semaphore(%arg18 : memref<!tpu.dma_semaphore, #tpu.memory_space<semaphore_mem>>)
        %dma_start3A_255 = arith.constant 0 : i32
        %dma_start3A_256 = arith.constant 0 : i32
        %dma_start3A_257 = tpu.memref_slice %arg3[%select_n3A, %dma_start3A_255, %add3A_247, %dma_start3A_256] : memref<16x1x512x512xf32, #tpu.memory_space<hbm>> -> memref<1x1x16x512xf32, #tpu.memory_space<hbm>>
        %dma_start3A_258 = tpu.memref_squeeze %dma_start3A_257 : memref<1x1x16x512xf32, #tpu.memory_space<hbm>> -> memref<16x512xf32, #tpu.memory_space<hbm>>
        %dma_start3A_259 = arith.constant 0 : i32
        %dma_start3A_260 = tpu.memref_slice %arg3[%select_n3A, %dma_start3A_255, %add3A_247, %dma_start3A_259] : memref<16x1x512x512xf32, #tpu.memory_space<hbm>> -> memref<1x1x16x512xf32, #tpu.memory_space<hbm>>
        %dma_start3A_261 = tpu.memref_squeeze %dma_start3A_260 : memref<1x1x16x512xf32, #tpu.memory_space<hbm>> -> memref<16x512xf32, #tpu.memory_space<hbm>>
        tpu.enqueue_dma source(%dma_start3A_261 : memref<16x512xf32, #tpu.memory_space<hbm>>) target(%arg7 : memref<16x512xf32, #tpu.memory_space<vmem>>) target_semaphore(%arg18 : memref<!tpu.dma_semaphore, #tpu.memory_space<semaphore_mem>>)
        %dma_start3A_262 = arith.constant 0 : i32
        %dma_start3A_263 = arith.constant 0 : i32
        %dma_start3A_264 = tpu.memref_slice %arg4[%select_n3A, %dma_start3A_262, %add3A_247, %dma_start3A_263] : memref<16x1x512x512xf32, #tpu.memory_space<hbm>> -> memref<1x1x16x512xf32, #tpu.memory_space<hbm>>
        %dma_start3A_265 = tpu.memref_squeeze %dma_start3A_264 : memref<1x1x16x512xf32, #tpu.memory_space<hbm>> -> memref<16x512xf32, #tpu.memory_space<hbm>>
        %dma_start3A_266 = arith.constant 0 : i32
        %dma_start3A_267 = tpu.memref_slice %arg4[%select_n3A, %dma_start3A_262, %add3A_247, %dma_start3A_266] : memref<16x1x512x512xf32, #tpu.memory_space<hbm>> -> memref<1x1x16x512xf32, #tpu.memory_space<hbm>>
        %dma_start3A_268 = tpu.memref_squeeze %dma_start3A_267 : memref<1x1x16x512xf32, #tpu.memory_space<hbm>> -> memref<16x512xf32, #tpu.memory_space<hbm>>
        tpu.enqueue_dma source(%dma_start3A_268 : memref<16x512xf32, #tpu.memory_space<hbm>>) target(%arg8 : memref<16x512xf32, #tpu.memory_space<vmem>>) target_semaphore(%arg18 : memref<!tpu.dma_semaphore, #tpu.memory_space<semaphore_mem>>)
      } else {
      }
      %dma_wait3A_203 = arith.constant 0 : i32
      %dma_wait3A_204 = arith.constant 0 : i32
      %dma_wait3A_205 = arith.constant 0 : i32
      %dma_wait3A_206 = arith.constant 0 : i32
      %dma_wait3A_207 = tpu.memref_slice %arg2[%dma_wait3A_203, %dma_wait3A_204, %dma_wait3A_205, %dma_wait3A_206] : memref<16x1x512x512xf32, #tpu.memory_space<hbm>> -> memref<1x1x16x512xf32, #tpu.memory_space<hbm>>
      %dma_wait3A_208 = tpu.memref_squeeze %dma_wait3A_207 : memref<1x1x16x512xf32, #tpu.memory_space<hbm>> -> memref<16x512xf32, #tpu.memory_space<hbm>>
      %dma_wait3A_209 = arith.constant 0 : i32
      %dma_wait3A_210 = arith.constant 0 : i32
      %dma_wait3A_211 = tpu.memref_slice %arg2[%dma_wait3A_203, %dma_wait3A_204, %dma_wait3A_209, %dma_wait3A_210] : memref<16x1x512x512xf32, #tpu.memory_space<hbm>> -> memref<1x1x16x512xf32, #tpu.memory_space<hbm>>
      %dma_wait3A_212 = tpu.memref_squeeze %dma_wait3A_211 : memref<1x1x16x512xf32, #tpu.memory_space<hbm>> -> memref<16x512xf32, #tpu.memory_space<hbm>>
      tpu.wait_dma2 semaphore(%arg19 : memref<!tpu.dma_semaphore, #tpu.memory_space<semaphore_mem>>) src(%dma_wait3A_212 : memref<16x512xf32, #tpu.memory_space<hbm>>) dst(%arg9 : memref<16x512xf32, #tpu.memory_space<vmem>>)
      %dma_wait3A_213 = arith.constant 0 : i32
      %dma_wait3A_214 = arith.constant 0 : i32
      %dma_wait3A_215 = arith.constant 0 : i32
      %dma_wait3A_216 = arith.constant 0 : i32
      %dma_wait3A_217 = tpu.memref_slice %arg2[%dma_wait3A_213, %dma_wait3A_214, %dma_wait3A_215, %dma_wait3A_216] : memref<16x1x512x512xf32, #tpu.memory_space<hbm>> -> memref<1x1x16x512xf32, #tpu.memory_space<hbm>>
      %dma_wait3A_218 = tpu.memref_squeeze %dma_wait3A_217 : memref<1x1x16x512xf32, #tpu.memory_space<hbm>> -> memref<16x512xf32, #tpu.memory_space<hbm>>
      %dma_wait3A_219 = arith.constant 0 : i32
      %dma_wait3A_220 = arith.constant 0 : i32
      %dma_wait3A_221 = tpu.memref_slice %arg2[%dma_wait3A_213, %dma_wait3A_214, %dma_wait3A_219, %dma_wait3A_220] : memref<16x1x512x512xf32, #tpu.memory_space<hbm>> -> memref<1x1x16x512xf32, #tpu.memory_space<hbm>>
      %dma_wait3A_222 = tpu.memref_squeeze %dma_wait3A_221 : memref<1x1x16x512xf32, #tpu.memory_space<hbm>> -> memref<16x512xf32, #tpu.memory_space<hbm>>
      tpu.wait_dma2 semaphore(%arg19 : memref<!tpu.dma_semaphore, #tpu.memory_space<semaphore_mem>>) src(%dma_wait3A_222 : memref<16x512xf32, #tpu.memory_space<hbm>>) dst(%arg10 : memref<16x512xf32, #tpu.memory_space<vmem>>)
      %dma_wait3A_223 = arith.constant 0 : i32
      %dma_wait3A_224 = arith.constant 0 : i32
      %dma_wait3A_225 = arith.constant 0 : i32
      %dma_wait3A_226 = arith.constant 0 : i32
      %dma_wait3A_227 = tpu.memref_slice %arg2[%dma_wait3A_223, %dma_wait3A_224, %dma_wait3A_225, %dma_wait3A_226] : memref<16x1x512x512xf32, #tpu.memory_space<hbm>> -> memref<1x1x16x512xf32, #tpu.memory_space<hbm>>
      %dma_wait3A_228 = tpu.memref_squeeze %dma_wait3A_227 : memref<1x1x16x512xf32, #tpu.memory_space<hbm>> -> memref<16x512xf32, #tpu.memory_space<hbm>>
      %dma_wait3A_229 = arith.constant 0 : i32
      %dma_wait3A_230 = arith.constant 0 : i32
      %dma_wait3A_231 = tpu.memref_slice %arg2[%dma_wait3A_223, %dma_wait3A_224, %dma_wait3A_229, %dma_wait3A_230] : memref<16x1x512x512xf32, #tpu.memory_space<hbm>> -> memref<1x1x16x512xf32, #tpu.memory_space<hbm>>
      %dma_wait3A_232 = tpu.memref_squeeze %dma_wait3A_231 : memref<1x1x16x512xf32, #tpu.memory_space<hbm>> -> memref<16x512xf32, #tpu.memory_space<hbm>>
      tpu.wait_dma2 semaphore(%arg19 : memref<!tpu.dma_semaphore, #tpu.memory_space<semaphore_mem>>) src(%dma_wait3A_232 : memref<16x512xf32, #tpu.memory_space<hbm>>) dst(%arg11 : memref<16x512xf32, #tpu.memory_space<vmem>>)
      %scan3A_233 = arith.constant 0 : i32
      %scan3A_234 = arith.constant 0 : i32
      %scan3A_235 = arith.constant 64 : i32
      %scan3A_236 = arith.addi %scan3A_234, %scan3A_235 : i32
      %scan3A_237 = arith.constant 1 : i32
      %scan3A_238 = scf.for %scan3A_241 = %scan3A_234 to %scan3A_236 step %scan3A_237 iter_args(%scan3A_242 = %scan3A_233) -> (i32)  : i32 {
        %mul3A_243 = arith.constant 8 : i32
        %mul3A_244 = arith.muli %scan3A_241, %mul3A_243 : i32
        %add3A_245 = arith.constant 0 : i32
        %add3A_246 = arith.addi %mul3A_244, %add3A_245 : i32
        %jit3A_247 = arith.constant 32 : i32
        %div3A_248 = arith.divsi %add3A_246, %jit3A_247 : i32
        %sign3A_249 = arith.constant 0 : i32
        %sign3A_250 = arith.cmpi sgt, %add3A_246, %sign3A_249 : i32
        %sign3A_251 = arith.extui %sign3A_250 : i1 to i32
        %sign3A_252 = arith.constant 0 : i32
        %sign3A_253 = arith.cmpi slt, %add3A_246, %sign3A_252 : i32
        %sign3A_254 = arith.extui %sign3A_253 : i1 to i32
        %sign3A_255 = arith.subi %sign3A_251, %sign3A_254 : i32
        %sign3A_256 = arith.constant 0 : i32
        %sign3A_257 = arith.cmpi sgt, %jit3A_247, %sign3A_256 : i32
        %sign3A_258 = arith.extui %sign3A_257 : i1 to i32
        %sign3A_259 = arith.constant 0 : i32
        %sign3A_260 = arith.cmpi slt, %jit3A_247, %sign3A_259 : i32
        %sign3A_261 = arith.extui %sign3A_260 : i1 to i32
        %sign3A_262 = arith.subi %sign3A_258, %sign3A_261 : i32
        %ne3A_263 = arith.cmpi ne, %sign3A_255, %sign3A_262 : i32
        %rem3A_264 = arith.remsi %add3A_246, %jit3A_247 : i32
        %ne3A_265 = arith.constant 0 : i32
        %ne3A_266 = arith.cmpi ne, %rem3A_264, %ne3A_265 : i32
        %and3A_267 = arith.andi %ne3A_263, %ne3A_266 : i1
        %sub3A_268 = arith.constant 1 : i32
        %sub3A_269 = arith.subi %div3A_248, %sub3A_268 : i32
        %select_n3A_270 = arith.select %and3A_267, %sub3A_269, %div3A_248 : i32
        %add3A_271 = arith.constant 0 : i32
        %add3A_272 = arith.addi %mul3A_244, %add3A_271 : i32
        %jit3A_273 = arith.constant 32 : i32
        %eq3A_274 = arith.constant 0 : i32
        %eq3A_275 = arith.cmpi eq, %jit3A_273, %eq3A_274 : i32
        %jit3A_276 = arith.constant 1 : i32
        %select_n3A_277 = arith.select %eq3A_275, %jit3A_276, %jit3A_273 : i32
        %rem3A_278 = arith.remsi %add3A_272, %select_n3A_277 : i32
        %ne3A_279 = arith.constant 0 : i32
        %ne3A_280 = arith.cmpi ne, %rem3A_278, %ne3A_279 : i32
        %lt3A_281 = arith.constant 0 : i32
        %lt3A_282 = arith.cmpi slt, %rem3A_278, %lt3A_281 : i32
        %lt3A_283 = arith.constant 0 : i32
        %lt3A_284 = arith.cmpi slt, %select_n3A_277, %lt3A_283 : i32
        %ne3A_285 = arith.xori %lt3A_282, %lt3A_284 : i1
        %and3A_286 = arith.andi %ne3A_285, %ne3A_280 : i1
        %add3A_287 = arith.addi %rem3A_278, %select_n3A_277 : i32
        %select_n3A_288 = arith.select %and3A_286, %add3A_287, %rem3A_278 : i32
        %mul3A_289 = arith.constant 16 : i32
        %mul3A_290 = arith.muli %select_n3A_288, %mul3A_289 : i32
        %add3A_291 = arith.constant 1 : i32
        %add3A_292 = arith.addi %mul3A_244, %add3A_291 : i32
        %jit3A_293 = arith.constant 32 : i32
        %div3A_294 = arith.divsi %add3A_292, %jit3A_293 : i32
        %sign3A_295 = arith.constant 0 : i32
        %sign3A_296 = arith.cmpi sgt, %add3A_292, %sign3A_295 : i32
        %sign3A_297 = arith.extui %sign3A_296 : i1 to i32
        %sign3A_298 = arith.constant 0 : i32
        %sign3A_299 = arith.cmpi slt, %add3A_292, %sign3A_298 : i32
        %sign3A_300 = arith.extui %sign3A_299 : i1 to i32
        %sign3A_301 = arith.subi %sign3A_297, %sign3A_300 : i32
        %sign3A_302 = arith.constant 0 : i32
        %sign3A_303 = arith.cmpi sgt, %jit3A_293, %sign3A_302 : i32
        %sign3A_304 = arith.extui %sign3A_303 : i1 to i32
        %sign3A_305 = arith.constant 0 : i32
        %sign3A_306 = arith.cmpi slt, %jit3A_293, %sign3A_305 : i32
        %sign3A_307 = arith.extui %sign3A_306 : i1 to i32
        %sign3A_308 = arith.subi %sign3A_304, %sign3A_307 : i32
        %ne3A_309 = arith.cmpi ne, %sign3A_301, %sign3A_308 : i32
        %rem3A_310 = arith.remsi %add3A_292, %jit3A_293 : i32
        %ne3A_311 = arith.constant 0 : i32
        %ne3A_312 = arith.cmpi ne, %rem3A_310, %ne3A_311 : i32
        %and3A_313 = arith.andi %ne3A_309, %ne3A_312 : i1
        %sub3A_314 = arith.constant 1 : i32
        %sub3A_315 = arith.subi %div3A_294, %sub3A_314 : i32
        %select_n3A_316 = arith.select %and3A_313, %sub3A_315, %div3A_294 : i32
        %add3A_317 = arith.constant 1 : i32
        %add3A_318 = arith.addi %mul3A_244, %add3A_317 : i32
        %jit3A_319 = arith.constant 32 : i32
        %eq3A_320 = arith.constant 0 : i32
        %eq3A_321 = arith.cmpi eq, %jit3A_319, %eq3A_320 : i32
        %jit3A_322 = arith.constant 1 : i32
        %select_n3A_323 = arith.select %eq3A_321, %jit3A_322, %jit3A_319 : i32
        %rem3A_324 = arith.remsi %add3A_318, %select_n3A_323 : i32
        %ne3A_325 = arith.constant 0 : i32
        %ne3A_326 = arith.cmpi ne, %rem3A_324, %ne3A_325 : i32
        %lt3A_327 = arith.constant 0 : i32
        %lt3A_328 = arith.cmpi slt, %rem3A_324, %lt3A_327 : i32
        %lt3A_329 = arith.constant 0 : i32
        %lt3A_330 = arith.cmpi slt, %select_n3A_323, %lt3A_329 : i32
        %ne3A_331 = arith.xori %lt3A_328, %lt3A_330 : i1
        %and3A_332 = arith.andi %ne3A_331, %ne3A_326 : i1
        %add3A_333 = arith.addi %rem3A_324, %select_n3A_323 : i32
        %select_n3A_334 = arith.select %and3A_332, %add3A_333, %rem3A_324 : i32
        %mul3A_335 = arith.constant 16 : i32
        %mul3A_336 = arith.muli %select_n3A_334, %mul3A_335 : i32
        %add3A_337 = arith.constant 2 : i32
        %add3A_338 = arith.addi %mul3A_244, %add3A_337 : i32
        %jit3A_339 = arith.constant 32 : i32
        %div3A_340 = arith.divsi %add3A_338, %jit3A_339 : i32
        %sign3A_341 = arith.constant 0 : i32
        %sign3A_342 = arith.cmpi sgt, %add3A_338, %sign3A_341 : i32
        %sign3A_343 = arith.extui %sign3A_342 : i1 to i32
        %sign3A_344 = arith.constant 0 : i32
        %sign3A_345 = arith.cmpi slt, %add3A_338, %sign3A_344 : i32
        %sign3A_346 = arith.extui %sign3A_345 : i1 to i32
        %sign3A_347 = arith.subi %sign3A_343, %sign3A_346 : i32
        %sign3A_348 = arith.constant 0 : i32
        %sign3A_349 = arith.cmpi sgt, %jit3A_339, %sign3A_348 : i32
        %sign3A_350 = arith.extui %sign3A_349 : i1 to i32
        %sign3A_351 = arith.constant 0 : i32
        %sign3A_352 = arith.cmpi slt, %jit3A_339, %sign3A_351 : i32
        %sign3A_353 = arith.extui %sign3A_352 : i1 to i32
        %sign3A_354 = arith.subi %sign3A_350, %sign3A_353 : i32
        %ne3A_355 = arith.cmpi ne, %sign3A_347, %sign3A_354 : i32
        %rem3A_356 = arith.remsi %add3A_338, %jit3A_339 : i32
        %ne3A_357 = arith.constant 0 : i32
        %ne3A_358 = arith.cmpi ne, %rem3A_356, %ne3A_357 : i32
        %and3A_359 = arith.andi %ne3A_355, %ne3A_358 : i1
        %sub3A_360 = arith.constant 1 : i32
        %sub3A_361 = arith.subi %div3A_340, %sub3A_360 : i32
        %select_n3A_362 = arith.select %and3A_359, %sub3A_361, %div3A_340 : i32
        %add3A_363 = arith.constant 2 : i32
        %add3A_364 = arith.addi %mul3A_244, %add3A_363 : i32
        %jit3A_365 = arith.constant 32 : i32
        %eq3A_366 = arith.constant 0 : i32
        %eq3A_367 = arith.cmpi eq, %jit3A_365, %eq3A_366 : i32
        %jit3A_368 = arith.constant 1 : i32
        %select_n3A_369 = arith.select %eq3A_367, %jit3A_368, %jit3A_365 : i32
        %rem3A_370 = arith.remsi %add3A_364, %select_n3A_369 : i32
        %ne3A_371 = arith.constant 0 : i32
        %ne3A_372 = arith.cmpi ne, %rem3A_370, %ne3A_371 : i32
        %lt3A_373 = arith.constant 0 : i32
        %lt3A_374 = arith.cmpi slt, %rem3A_370, %lt3A_373 : i32
        %lt3A_375 = arith.constant 0 : i32
        %lt3A_376 = arith.cmpi slt, %select_n3A_369, %lt3A_375 : i32
        %ne3A_377 = arith.xori %lt3A_374, %lt3A_376 : i1
        %and3A_378 = arith.andi %ne3A_377, %ne3A_372 : i1
        %add3A_379 = arith.addi %rem3A_370, %select_n3A_369 : i32
        %select_n3A_380 = arith.select %and3A_378, %add3A_379, %rem3A_370 : i32
        %mul3A_381 = arith.constant 16 : i32
        %mul3A_382 = arith.muli %select_n3A_380, %mul3A_381 : i32
        %add3A_383 = arith.constant 3 : i32
        %add3A_384 = arith.addi %mul3A_244, %add3A_383 : i32
        %jit3A_385 = arith.constant 32 : i32
        %div3A_386 = arith.divsi %add3A_384, %jit3A_385 : i32
        %sign3A_387 = arith.constant 0 : i32
        %sign3A_388 = arith.cmpi sgt, %add3A_384, %sign3A_387 : i32
        %sign3A_389 = arith.extui %sign3A_388 : i1 to i32
        %sign3A_390 = arith.constant 0 : i32
        %sign3A_391 = arith.cmpi slt, %add3A_384, %sign3A_390 : i32
        %sign3A_392 = arith.extui %sign3A_391 : i1 to i32
        %sign3A_393 = arith.subi %sign3A_389, %sign3A_392 : i32
        %sign3A_394 = arith.constant 0 : i32
        %sign3A_395 = arith.cmpi sgt, %jit3A_385, %sign3A_394 : i32
        %sign3A_396 = arith.extui %sign3A_395 : i1 to i32
        %sign3A_397 = arith.constant 0 : i32
        %sign3A_398 = arith.cmpi slt, %jit3A_385, %sign3A_397 : i32
        %sign3A_399 = arith.extui %sign3A_398 : i1 to i32
        %sign3A_400 = arith.subi %sign3A_396, %sign3A_399 : i32
        %ne3A_401 = arith.cmpi ne, %sign3A_393, %sign3A_400 : i32
        %rem3A_402 = arith.remsi %add3A_384, %jit3A_385 : i32
        %ne3A_403 = arith.constant 0 : i32
        %ne3A_404 = arith.cmpi ne, %rem3A_402, %ne3A_403 : i32
        %and3A_405 = arith.andi %ne3A_401, %ne3A_404 : i1
        %sub3A_406 = arith.constant 1 : i32
        %sub3A_407 = arith.subi %div3A_386, %sub3A_406 : i32
        %select_n3A_408 = arith.select %and3A_405, %sub3A_407, %div3A_386 : i32
        %add3A_409 = arith.constant 3 : i32
        %add3A_410 = arith.addi %mul3A_244, %add3A_409 : i32
        %jit3A_411 = arith.constant 32 : i32
        %eq3A_412 = arith.constant 0 : i32
        %eq3A_413 = arith.cmpi eq, %jit3A_411, %eq3A_412 : i32
        %jit3A_414 = arith.constant 1 : i32
        %select_n3A_415 = arith.select %eq3A_413, %jit3A_414, %jit3A_411 : i32
        %rem3A_416 = arith.remsi %add3A_410, %select_n3A_415 : i32
        %ne3A_417 = arith.constant 0 : i32
        %ne3A_418 = arith.cmpi ne, %rem3A_416, %ne3A_417 : i32
        %lt3A_419 = arith.constant 0 : i32
        %lt3A_420 = arith.cmpi slt, %rem3A_416, %lt3A_419 : i32
        %lt3A_421 = arith.constant 0 : i32
        %lt3A_422 = arith.cmpi slt, %select_n3A_415, %lt3A_421 : i32
        %ne3A_423 = arith.xori %lt3A_420, %lt3A_422 : i1
        %and3A_424 = arith.andi %ne3A_423, %ne3A_418 : i1
        %add3A_425 = arith.addi %rem3A_416, %select_n3A_415 : i32
        %select_n3A_426 = arith.select %and3A_424, %add3A_425, %rem3A_416 : i32
        %mul3A_427 = arith.constant 16 : i32
        %mul3A_428 = arith.muli %select_n3A_426, %mul3A_427 : i32
        %add3A_429 = arith.constant 4 : i32
        %add3A_430 = arith.addi %mul3A_244, %add3A_429 : i32
        %jit3A_431 = arith.constant 32 : i32
        %div3A_432 = arith.divsi %add3A_430, %jit3A_431 : i32
        %sign3A_433 = arith.constant 0 : i32
        %sign3A_434 = arith.cmpi sgt, %add3A_430, %sign3A_433 : i32
        %sign3A_435 = arith.extui %sign3A_434 : i1 to i32
        %sign3A_436 = arith.constant 0 : i32
        %sign3A_437 = arith.cmpi slt, %add3A_430, %sign3A_436 : i32
        %sign3A_438 = arith.extui %sign3A_437 : i1 to i32
        %sign3A_439 = arith.subi %sign3A_435, %sign3A_438 : i32
        %sign3A_440 = arith.constant 0 : i32
        %sign3A_441 = arith.cmpi sgt, %jit3A_431, %sign3A_440 : i32
        %sign3A_442 = arith.extui %sign3A_441 : i1 to i32
        %sign3A_443 = arith.constant 0 : i32
        %sign3A_444 = arith.cmpi slt, %jit3A_431, %sign3A_443 : i32
        %sign3A_445 = arith.extui %sign3A_444 : i1 to i32
        %sign3A_446 = arith.subi %sign3A_442, %sign3A_445 : i32
        %ne3A_447 = arith.cmpi ne, %sign3A_439, %sign3A_446 : i32
        %rem3A_448 = arith.remsi %add3A_430, %jit3A_431 : i32
        %ne3A_449 = arith.constant 0 : i32
        %ne3A_450 = arith.cmpi ne, %rem3A_448, %ne3A_449 : i32
        %and3A_451 = arith.andi %ne3A_447, %ne3A_450 : i1
        %sub3A_452 = arith.constant 1 : i32
        %sub3A_453 = arith.subi %div3A_432, %sub3A_452 : i32
        %select_n3A_454 = arith.select %and3A_451, %sub3A_453, %div3A_432 : i32
        %add3A_455 = arith.constant 4 : i32
        %add3A_456 = arith.addi %mul3A_244, %add3A_455 : i32
        %jit3A_457 = arith.constant 32 : i32
        %eq3A_458 = arith.constant 0 : i32
        %eq3A_459 = arith.cmpi eq, %jit3A_457, %eq3A_458 : i32
        %jit3A_460 = arith.constant 1 : i32
        %select_n3A_461 = arith.select %eq3A_459, %jit3A_460, %jit3A_457 : i32
        %rem3A_462 = arith.remsi %add3A_456, %select_n3A_461 : i32
        %ne3A_463 = arith.constant 0 : i32
        %ne3A_464 = arith.cmpi ne, %rem3A_462, %ne3A_463 : i32
        %lt3A_465 = arith.constant 0 : i32
        %lt3A_466 = arith.cmpi slt, %rem3A_462, %lt3A_465 : i32
        %lt3A_467 = arith.constant 0 : i32
        %lt3A_468 = arith.cmpi slt, %select_n3A_461, %lt3A_467 : i32
        %ne3A_469 = arith.xori %lt3A_466, %lt3A_468 : i1
        %and3A_470 = arith.andi %ne3A_469, %ne3A_464 : i1
        %add3A_471 = arith.addi %rem3A_462, %select_n3A_461 : i32
        %select_n3A_472 = arith.select %and3A_470, %add3A_471, %rem3A_462 : i32
        %mul3A_473 = arith.constant 16 : i32
        %mul3A_474 = arith.muli %select_n3A_472, %mul3A_473 : i32
        %add3A_475 = arith.constant 5 : i32
        %add3A_476 = arith.addi %mul3A_244, %add3A_475 : i32
        %jit3A_477 = arith.constant 32 : i32
        %div3A_478 = arith.divsi %add3A_476, %jit3A_477 : i32
        %sign3A_479 = arith.constant 0 : i32
        %sign3A_480 = arith.cmpi sgt, %add3A_476, %sign3A_479 : i32
        %sign3A_481 = arith.extui %sign3A_480 : i1 to i32
        %sign3A_482 = arith.constant 0 : i32
        %sign3A_483 = arith.cmpi slt, %add3A_476, %sign3A_482 : i32
        %sign3A_484 = arith.extui %sign3A_483 : i1 to i32
        %sign3A_485 = arith.subi %sign3A_481, %sign3A_484 : i32
        %sign3A_486 = arith.constant 0 : i32
        %sign3A_487 = arith.cmpi sgt, %jit3A_477, %sign3A_486 : i32
        %sign3A_488 = arith.extui %sign3A_487 : i1 to i32
        %sign3A_489 = arith.constant 0 : i32
        %sign3A_490 = arith.cmpi slt, %jit3A_477, %sign3A_489 : i32
        %sign3A_491 = arith.extui %sign3A_490 : i1 to i32
        %sign3A_492 = arith.subi %sign3A_488, %sign3A_491 : i32
        %ne3A_493 = arith.cmpi ne, %sign3A_485, %sign3A_492 : i32
        %rem3A_494 = arith.remsi %add3A_476, %jit3A_477 : i32
        %ne3A_495 = arith.constant 0 : i32
        %ne3A_496 = arith.cmpi ne, %rem3A_494, %ne3A_495 : i32
        %and3A_497 = arith.andi %ne3A_493, %ne3A_496 : i1
        %sub3A_498 = arith.constant 1 : i32
        %sub3A_499 = arith.subi %div3A_478, %sub3A_498 : i32
        %select_n3A_500 = arith.select %and3A_497, %sub3A_499, %div3A_478 : i32
        %add3A_501 = arith.constant 5 : i32
        %add3A_502 = arith.addi %mul3A_244, %add3A_501 : i32
        %jit3A_503 = arith.constant 32 : i32
        %eq3A_504 = arith.constant 0 : i32
        %eq3A_505 = arith.cmpi eq, %jit3A_503, %eq3A_504 : i32
        %jit3A_506 = arith.constant 1 : i32
        %select_n3A_507 = arith.select %eq3A_505, %jit3A_506, %jit3A_503 : i32
        %rem3A_508 = arith.remsi %add3A_502, %select_n3A_507 : i32
        %ne3A_509 = arith.constant 0 : i32
        %ne3A_510 = arith.cmpi ne, %rem3A_508, %ne3A_509 : i32
        %lt3A_511 = arith.constant 0 : i32
        %lt3A_512 = arith.cmpi slt, %rem3A_508, %lt3A_511 : i32
        %lt3A_513 = arith.constant 0 : i32
        %lt3A_514 = arith.cmpi slt, %select_n3A_507, %lt3A_513 : i32
        %ne3A_515 = arith.xori %lt3A_512, %lt3A_514 : i1
        %and3A_516 = arith.andi %ne3A_515, %ne3A_510 : i1
        %add3A_517 = arith.addi %rem3A_508, %select_n3A_507 : i32
        %select_n3A_518 = arith.select %and3A_516, %add3A_517, %rem3A_508 : i32
        %mul3A_519 = arith.constant 16 : i32
        %mul3A_520 = arith.muli %select_n3A_518, %mul3A_519 : i32
        %add3A_521 = arith.constant 6 : i32
        %add3A_522 = arith.addi %mul3A_244, %add3A_521 : i32
        %jit3A_523 = arith.constant 32 : i32
        %div3A_524 = arith.divsi %add3A_522, %jit3A_523 : i32
        %sign3A_525 = arith.constant 0 : i32
        %sign3A_526 = arith.cmpi sgt, %add3A_522, %sign3A_525 : i32
        %sign3A_527 = arith.extui %sign3A_526 : i1 to i32
        %sign3A_528 = arith.constant 0 : i32
        %sign3A_529 = arith.cmpi slt, %add3A_522, %sign3A_528 : i32
        %sign3A_530 = arith.extui %sign3A_529 : i1 to i32
        %sign3A_531 = arith.subi %sign3A_527, %sign3A_530 : i32
        %sign3A_532 = arith.constant 0 : i32
        %sign3A_533 = arith.cmpi sgt, %jit3A_523, %sign3A_532 : i32
        %sign3A_534 = arith.extui %sign3A_533 : i1 to i32
        %sign3A_535 = arith.constant 0 : i32
        %sign3A_536 = arith.cmpi slt, %jit3A_523, %sign3A_535 : i32
        %sign3A_537 = arith.extui %sign3A_536 : i1 to i32
        %sign3A_538 = arith.subi %sign3A_534, %sign3A_537 : i32
        %ne3A_539 = arith.cmpi ne, %sign3A_531, %sign3A_538 : i32
        %rem3A_540 = arith.remsi %add3A_522, %jit3A_523 : i32
        %ne3A_541 = arith.constant 0 : i32
        %ne3A_542 = arith.cmpi ne, %rem3A_540, %ne3A_541 : i32
        %and3A_543 = arith.andi %ne3A_539, %ne3A_542 : i1
        %sub3A_544 = arith.constant 1 : i32
        %sub3A_545 = arith.subi %div3A_524, %sub3A_544 : i32
        %select_n3A_546 = arith.select %and3A_543, %sub3A_545, %div3A_524 : i32
        %add3A_547 = arith.constant 6 : i32
        %add3A_548 = arith.addi %mul3A_244, %add3A_547 : i32
        %jit3A_549 = arith.constant 32 : i32
        %eq3A_550 = arith.constant 0 : i32
        %eq3A_551 = arith.cmpi eq, %jit3A_549, %eq3A_550 : i32
        %jit3A_552 = arith.constant 1 : i32
        %select_n3A_553 = arith.select %eq3A_551, %jit3A_552, %jit3A_549 : i32
        %rem3A_554 = arith.remsi %add3A_548, %select_n3A_553 : i32
        %ne3A_555 = arith.constant 0 : i32
        %ne3A_556 = arith.cmpi ne, %rem3A_554, %ne3A_555 : i32
        %lt3A_557 = arith.constant 0 : i32
        %lt3A_558 = arith.cmpi slt, %rem3A_554, %lt3A_557 : i32
        %lt3A_559 = arith.constant 0 : i32
        %lt3A_560 = arith.cmpi slt, %select_n3A_553, %lt3A_559 : i32
        %ne3A_561 = arith.xori %lt3A_558, %lt3A_560 : i1
        %and3A_562 = arith.andi %ne3A_561, %ne3A_556 : i1
        %add3A_563 = arith.addi %rem3A_554, %select_n3A_553 : i32
        %select_n3A_564 = arith.select %and3A_562, %add3A_563, %rem3A_554 : i32
        %mul3A_565 = arith.constant 16 : i32
        %mul3A_566 = arith.muli %select_n3A_564, %mul3A_565 : i32
        %add3A_567 = arith.constant 7 : i32
        %add3A_568 = arith.addi %mul3A_244, %add3A_567 : i32
        %jit3A_569 = arith.constant 32 : i32
        %div3A_570 = arith.divsi %add3A_568, %jit3A_569 : i32
        %sign3A_571 = arith.constant 0 : i32
        %sign3A_572 = arith.cmpi sgt, %add3A_568, %sign3A_571 : i32
        %sign3A_573 = arith.extui %sign3A_572 : i1 to i32
        %sign3A_574 = arith.constant 0 : i32
        %sign3A_575 = arith.cmpi slt, %add3A_568, %sign3A_574 : i32
        %sign3A_576 = arith.extui %sign3A_575 : i1 to i32
        %sign3A_577 = arith.subi %sign3A_573, %sign3A_576 : i32
        %sign3A_578 = arith.constant 0 : i32
        %sign3A_579 = arith.cmpi sgt, %jit3A_569, %sign3A_578 : i32
        %sign3A_580 = arith.extui %sign3A_579 : i1 to i32
        %sign3A_581 = arith.constant 0 : i32
        %sign3A_582 = arith.cmpi slt, %jit3A_569, %sign3A_581 : i32
        %sign3A_583 = arith.extui %sign3A_582 : i1 to i32
        %sign3A_584 = arith.subi %sign3A_580, %sign3A_583 : i32
        %ne3A_585 = arith.cmpi ne, %sign3A_577, %sign3A_584 : i32
        %rem3A_586 = arith.remsi %add3A_568, %jit3A_569 : i32
        %ne3A_587 = arith.constant 0 : i32
        %ne3A_588 = arith.cmpi ne, %rem3A_586, %ne3A_587 : i32
        %and3A_589 = arith.andi %ne3A_585, %ne3A_588 : i1
        %sub3A_590 = arith.constant 1 : i32
        %sub3A_591 = arith.subi %div3A_570, %sub3A_590 : i32
        %select_n3A_592 = arith.select %and3A_589, %sub3A_591, %div3A_570 : i32
        %add3A_593 = arith.constant 7 : i32
        %add3A_594 = arith.addi %mul3A_244, %add3A_593 : i32
        %jit3A_595 = arith.constant 32 : i32
        %eq3A_596 = arith.constant 0 : i32
        %eq3A_597 = arith.cmpi eq, %jit3A_595, %eq3A_596 : i32
        %jit3A_598 = arith.constant 1 : i32
        %select_n3A_599 = arith.select %eq3A_597, %jit3A_598, %jit3A_595 : i32
        %rem3A_600 = arith.remsi %add3A_594, %select_n3A_599 : i32
        %ne3A_601 = arith.constant 0 : i32
        %ne3A_602 = arith.cmpi ne, %rem3A_600, %ne3A_601 : i32
        %lt3A_603 = arith.constant 0 : i32
        %lt3A_604 = arith.cmpi slt, %rem3A_600, %lt3A_603 : i32
        %lt3A_605 = arith.constant 0 : i32
        %lt3A_606 = arith.cmpi slt, %select_n3A_599, %lt3A_605 : i32
        %ne3A_607 = arith.xori %lt3A_604, %lt3A_606 : i1
        %and3A_608 = arith.andi %ne3A_607, %ne3A_602 : i1
        %add3A_609 = arith.addi %rem3A_600, %select_n3A_599 : i32
        %select_n3A_610 = arith.select %and3A_608, %add3A_609, %rem3A_600 : i32
        %mul3A_611 = arith.constant 16 : i32
        %mul3A_612 = arith.muli %select_n3A_610, %mul3A_611 : i32
        %get3A = arith.index_cast %select_n3A_270 : i32 to index
        %get3A_613 = arith.index_cast %mul3A_290 : i32 to index
        %get3A_614 = tpu.vector_load %arg9[%get3A, %get3A_613] {strides = array<i32>} : memref<16x512xf32, #tpu.memory_space<vmem>>, vector<16xf32>,
        %get3A_615 = arith.index_cast %select_n3A_316 : i32 to index
        %get3A_616 = arith.index_cast %mul3A_336 : i32 to index
        %get3A_617 = tpu.vector_load %arg9[%get3A_615, %get3A_616] {strides = array<i32>} : memref<16x512xf32, #tpu.memory_space<vmem>>, vector<16xf32>,
        %get3A_618 = arith.index_cast %select_n3A_362 : i32 to index
        %get3A_619 = arith.index_cast %mul3A_382 : i32 to index
        %get3A_620 = tpu.vector_load %arg9[%get3A_618, %get3A_619] {strides = array<i32>} : memref<16x512xf32, #tpu.memory_space<vmem>>, vector<16xf32>,
        %get3A_621 = arith.index_cast %select_n3A_408 : i32 to index
        %get3A_622 = arith.index_cast %mul3A_428 : i32 to index
        %get3A_623 = tpu.vector_load %arg9[%get3A_621, %get3A_622] {strides = array<i32>} : memref<16x512xf32, #tpu.memory_space<vmem>>, vector<16xf32>,
        %get3A_624 = arith.index_cast %select_n3A_454 : i32 to index
        %get3A_625 = arith.index_cast %mul3A_474 : i32 to index
        %get3A_626 = tpu.vector_load %arg9[%get3A_624, %get3A_625] {strides = array<i32>} : memref<16x512xf32, #tpu.memory_space<vmem>>, vector<16xf32>,
        %get3A_627 = arith.index_cast %select_n3A_500 : i32 to index
        %get3A_628 = arith.index_cast %mul3A_520 : i32 to index
        %get3A_629 = tpu.vector_load %arg9[%get3A_627, %get3A_628] {strides = array<i32>} : memref<16x512xf32, #tpu.memory_space<vmem>>, vector<16xf32>,
        %get3A_630 = arith.index_cast %select_n3A_546 : i32 to index
        %get3A_631 = arith.index_cast %mul3A_566 : i32 to index
        %get3A_632 = tpu.vector_load %arg9[%get3A_630, %get3A_631] {strides = array<i32>} : memref<16x512xf32, #tpu.memory_space<vmem>>, vector<16xf32>,
        %get3A_633 = arith.index_cast %select_n3A_592 : i32 to index
        %get3A_634 = arith.index_cast %mul3A_612 : i32 to index
        %get3A_635 = tpu.vector_load %arg9[%get3A_633, %get3A_634] {strides = array<i32>} : memref<16x512xf32, #tpu.memory_space<vmem>>, vector<16xf32>,
        %get3A_636 = arith.index_cast %select_n3A_270 : i32 to index
        %get3A_637 = arith.index_cast %mul3A_290 : i32 to index
        %get3A_638 = tpu.vector_load %arg10[%get3A_636, %get3A_637] {strides = array<i32>} : memref<16x512xf32, #tpu.memory_space<vmem>>, vector<16xf32>,
        %get3A_639 = arith.index_cast %select_n3A_316 : i32 to index
        %get3A_640 = arith.index_cast %mul3A_336 : i32 to index
        %get3A_641 = tpu.vector_load %arg10[%get3A_639, %get3A_640] {strides = array<i32>} : memref<16x512xf32, #tpu.memory_space<vmem>>, vector<16xf32>,
        %get3A_642 = arith.index_cast %select_n3A_362 : i32 to index
        %get3A_643 = arith.index_cast %mul3A_382 : i32 to index
        %get3A_644 = tpu.vector_load %arg10[%get3A_642, %get3A_643] {strides = array<i32>} : memref<16x512xf32, #tpu.memory_space<vmem>>, vector<16xf32>,
        %get3A_645 = arith.index_cast %select_n3A_408 : i32 to index
        %get3A_646 = arith.index_cast %mul3A_428 : i32 to index
        %get3A_647 = tpu.vector_load %arg10[%get3A_645, %get3A_646] {strides = array<i32>} : memref<16x512xf32, #tpu.memory_space<vmem>>, vector<16xf32>,
        %get3A_648 = arith.index_cast %select_n3A_454 : i32 to index
        %get3A_649 = arith.index_cast %mul3A_474 : i32 to index
        %get3A_650 = tpu.vector_load %arg10[%get3A_648, %get3A_649] {strides = array<i32>} : memref<16x512xf32, #tpu.memory_space<vmem>>, vector<16xf32>,
        %get3A_651 = arith.index_cast %select_n3A_500 : i32 to index
        %get3A_652 = arith.index_cast %mul3A_520 : i32 to index
        %get3A_653 = tpu.vector_load %arg10[%get3A_651, %get3A_652] {strides = array<i32>} : memref<16x512xf32, #tpu.memory_space<vmem>>, vector<16xf32>,
        %get3A_654 = arith.index_cast %select_n3A_546 : i32 to index
        %get3A_655 = arith.index_cast %mul3A_566 : i32 to index
        %get3A_656 = tpu.vector_load %arg10[%get3A_654, %get3A_655] {strides = array<i32>} : memref<16x512xf32, #tpu.memory_space<vmem>>, vector<16xf32>,
        %get3A_657 = arith.index_cast %select_n3A_592 : i32 to index
        %get3A_658 = arith.index_cast %mul3A_612 : i32 to index
        %get3A_659 = tpu.vector_load %arg10[%get3A_657, %get3A_658] {strides = array<i32>} : memref<16x512xf32, #tpu.memory_space<vmem>>, vector<16xf32>,
        %get3A_660 = arith.index_cast %select_n3A_270 : i32 to index
        %get3A_661 = arith.index_cast %mul3A_290 : i32 to index
        %get3A_662 = tpu.vector_load %arg11[%get3A_660, %get3A_661] {strides = array<i32>} : memref<16x512xf32, #tpu.memory_space<vmem>>, vector<16xf32>,
        %get3A_663 = arith.index_cast %select_n3A_316 : i32 to index
        %get3A_664 = arith.index_cast %mul3A_336 : i32 to index
        %get3A_665 = tpu.vector_load %arg11[%get3A_663, %get3A_664] {strides = array<i32>} : memref<16x512xf32, #tpu.memory_space<vmem>>, vector<16xf32>,
        %get3A_666 = arith.index_cast %select_n3A_362 : i32 to index
        %get3A_667 = arith.index_cast %mul3A_382 : i32 to index
        %get3A_668 = tpu.vector_load %arg11[%get3A_666, %get3A_667] {strides = array<i32>} : memref<16x512xf32, #tpu.memory_space<vmem>>, vector<16xf32>,
        %get3A_669 = arith.index_cast %select_n3A_408 : i32 to index
        %get3A_670 = arith.index_cast %mul3A_428 : i32 to index
        %get3A_671 = tpu.vector_load %arg11[%get3A_669, %get3A_670] {strides = array<i32>} : memref<16x512xf32, #tpu.memory_space<vmem>>, vector<16xf32>,
        %get3A_672 = arith.index_cast %select_n3A_454 : i32 to index
        %get3A_673 = arith.index_cast %mul3A_474 : i32 to index
        %get3A_674 = tpu.vector_load %arg11[%get3A_672, %get3A_673] {strides = array<i32>} : memref<16x512xf32, #tpu.memory_space<vmem>>, vector<16xf32>,
        %get3A_675 = arith.index_cast %select_n3A_500 : i32 to index
        %get3A_676 = arith.index_cast %mul3A_520 : i32 to index
        %get3A_677 = tpu.vector_load %arg11[%get3A_675, %get3A_676] {strides = array<i32>} : memref<16x512xf32, #tpu.memory_space<vmem>>, vector<16xf32>,
        %get3A_678 = arith.index_cast %select_n3A_546 : i32 to index
        %get3A_679 = arith.index_cast %mul3A_566 : i32 to index
        %get3A_680 = tpu.vector_load %arg11[%get3A_678, %get3A_679] {strides = array<i32>} : memref<16x512xf32, #tpu.memory_space<vmem>>, vector<16xf32>,
        %get3A_681 = arith.index_cast %select_n3A_592 : i32 to index
        %get3A_682 = arith.index_cast %mul3A_612 : i32 to index
        %get3A_683 = tpu.vector_load %arg11[%get3A_681, %get3A_682] {strides = array<i32>} : memref<16x512xf32, #tpu.memory_space<vmem>>, vector<16xf32>,
        %bitcast_convert_type3A = tpu.bitcast %get3A_614 : vector<16xf32> -> vector<16xi32>
        %shift_right_arithmetic3A = arith.constant 31 : i32
        %shift_right_arithmetic3A_684 = vector.broadcast %shift_right_arithmetic3A : i32 to vector<16xi32>
        %shift_right_arithmetic3A_685 = arith.shrsi %bitcast_convert_type3A, %shift_right_arithmetic3A_684 : vector<16xi32>
        %or3A = arith.constant -2147483648 : i32
        %or3A_686 = vector.broadcast %or3A : i32 to vector<16xi32>
        %or3A_687 = arith.ori %shift_right_arithmetic3A_685, %or3A_686 : vector<16xi32>
        %xor3A = arith.xori %bitcast_convert_type3A, %or3A_687 : vector<16xi32>
        %shift_right_logical3A = arith.constant 20 : i32
        %shift_right_logical3A_688 = vector.broadcast %shift_right_logical3A : i32 to vector<16xi32>
        %shift_right_logical3A_689 = arith.shrui %xor3A, %shift_right_logical3A_688 : vector<16xi32>
        %bitcast_convert_type3A_690 = tpu.bitcast %get3A_617 : vector<16xf32> -> vector<16xi32>
        %shift_right_arithmetic3A_691 = arith.constant 31 : i32
        %shift_right_arithmetic3A_692 = vector.broadcast %shift_right_arithmetic3A_691 : i32 to vector<16xi32>
        %shift_right_arithmetic3A_693 = arith.shrsi %bitcast_convert_type3A_690, %shift_right_arithmetic3A_692 : vector<16xi32>
        %or3A_694 = arith.constant -2147483648 : i32
        %or3A_695 = vector.broadcast %or3A_694 : i32 to vector<16xi32>
        %or3A_696 = arith.ori %shift_right_arithmetic3A_693, %or3A_695 : vector<16xi32>
        %xor3A_697 = arith.xori %bitcast_convert_type3A_690, %or3A_696 : vector<16xi32>
        %shift_right_logical3A_698 = arith.constant 20 : i32
        %shift_right_logical3A_699 = vector.broadcast %shift_right_logical3A_698 : i32 to vector<16xi32>
        %shift_right_logical3A_700 = arith.shrui %xor3A_697, %shift_right_logical3A_699 : vector<16xi32>
        %bitcast_convert_type3A_701 = tpu.bitcast %get3A_620 : vector<16xf32> -> vector<16xi32>
        %shift_right_arithmetic3A_702 = arith.constant 31 : i32
        %shift_right_arithmetic3A_703 = vector.broadcast %shift_right_arithmetic3A_702 : i32 to vector<16xi32>
        %shift_right_arithmetic3A_704 = arith.shrsi %bitcast_convert_type3A_701, %shift_right_arithmetic3A_703 : vector<16xi32>
        %or3A_705 = arith.constant -2147483648 : i32
        %or3A_706 = vector.broadcast %or3A_705 : i32 to vector<16xi32>
        %or3A_707 = arith.ori %shift_right_arithmetic3A_704, %or3A_706 : vector<16xi32>
        %xor3A_708 = arith.xori %bitcast_convert_type3A_701, %or3A_707 : vector<16xi32>
        %shift_right_logical3A_709 = arith.constant 20 : i32
        %shift_right_logical3A_710 = vector.broadcast %shift_right_logical3A_709 : i32 to vector<16xi32>
        %shift_right_logical3A_711 = arith.shrui %xor3A_708, %shift_right_logical3A_710 : vector<16xi32>
        %bitcast_convert_type3A_712 = tpu.bitcast %get3A_623 : vector<16xf32> -> vector<16xi32>
        %shift_right_arithmetic3A_713 = arith.constant 31 : i32
        %shift_right_arithmetic3A_714 = vector.broadcast %shift_right_arithmetic3A_713 : i32 to vector<16xi32>
        %shift_right_arithmetic3A_715 = arith.shrsi %bitcast_convert_type3A_712, %shift_right_arithmetic3A_714 : vector<16xi32>
        %or3A_716 = arith.constant -2147483648 : i32
        %or3A_717 = vector.broadcast %or3A_716 : i32 to vector<16xi32>
        %or3A_718 = arith.ori %shift_right_arithmetic3A_715, %or3A_717 : vector<16xi32>
        %xor3A_719 = arith.xori %bitcast_convert_type3A_712, %or3A_718 : vector<16xi32>
        %shift_right_logical3A_720 = arith.constant 20 : i32
        %shift_right_logical3A_721 = vector.broadcast %shift_right_logical3A_720 : i32 to vector<16xi32>
        %shift_right_logical3A_722 = arith.shrui %xor3A_719, %shift_right_logical3A_721 : vector<16xi32>
        %bitcast_convert_type3A_723 = tpu.bitcast %get3A_626 : vector<16xf32> -> vector<16xi32>
        %shift_right_arithmetic3A_724 = arith.constant 31 : i32
        %shift_right_arithmetic3A_725 = vector.broadcast %shift_right_arithmetic3A_724 : i32 to vector<16xi32>
        %shift_right_arithmetic3A_726 = arith.shrsi %bitcast_convert_type3A_723, %shift_right_arithmetic3A_725 : vector<16xi32>
        %or3A_727 = arith.constant -2147483648 : i32
        %or3A_728 = vector.broadcast %or3A_727 : i32 to vector<16xi32>
        %or3A_729 = arith.ori %shift_right_arithmetic3A_726, %or3A_728 : vector<16xi32>
        %xor3A_730 = arith.xori %bitcast_convert_type3A_723, %or3A_729 : vector<16xi32>
        %shift_right_logical3A_731 = arith.constant 20 : i32
        %shift_right_logical3A_732 = vector.broadcast %shift_right_logical3A_731 : i32 to vector<16xi32>
        %shift_right_logical3A_733 = arith.shrui %xor3A_730, %shift_right_logical3A_732 : vector<16xi32>
        %bitcast_convert_type3A_734 = tpu.bitcast %get3A_629 : vector<16xf32> -> vector<16xi32>
        %shift_right_arithmetic3A_735 = arith.constant 31 : i32
        %shift_right_arithmetic3A_736 = vector.broadcast %shift_right_arithmetic3A_735 : i32 to vector<16xi32>
        %shift_right_arithmetic3A_737 = arith.shrsi %bitcast_convert_type3A_734, %shift_right_arithmetic3A_736 : vector<16xi32>
        %or3A_738 = arith.constant -2147483648 : i32
        %or3A_739 = vector.broadcast %or3A_738 : i32 to vector<16xi32>
        %or3A_740 = arith.ori %shift_right_arithmetic3A_737, %or3A_739 : vector<16xi32>
        %xor3A_741 = arith.xori %bitcast_convert_type3A_734, %or3A_740 : vector<16xi32>
        %shift_right_logical3A_742 = arith.constant 20 : i32
        %shift_right_logical3A_743 = vector.broadcast %shift_right_logical3A_742 : i32 to vector<16xi32>
        %shift_right_logical3A_744 = arith.shrui %xor3A_741, %shift_right_logical3A_743 : vector<16xi32>
        %bitcast_convert_type3A_745 = tpu.bitcast %get3A_632 : vector<16xf32> -> vector<16xi32>
        %shift_right_arithmetic3A_746 = arith.constant 31 : i32
        %shift_right_arithmetic3A_747 = vector.broadcast %shift_right_arithmetic3A_746 : i32 to vector<16xi32>
        %shift_right_arithmetic3A_748 = arith.shrsi %bitcast_convert_type3A_745, %shift_right_arithmetic3A_747 : vector<16xi32>
        %or3A_749 = arith.constant -2147483648 : i32
        %or3A_750 = vector.broadcast %or3A_749 : i32 to vector<16xi32>
        %or3A_751 = arith.ori %shift_right_arithmetic3A_748, %or3A_750 : vector<16xi32>
        %xor3A_752 = arith.xori %bitcast_convert_type3A_745, %or3A_751 : vector<16xi32>
        %shift_right_logical3A_753 = arith.constant 20 : i32
        %shift_right_logical3A_754 = vector.broadcast %shift_right_logical3A_753 : i32 to vector<16xi32>
        %shift_right_logical3A_755 = arith.shrui %xor3A_752, %shift_right_logical3A_754 : vector<16xi32>
        %bitcast_convert_type3A_756 = tpu.bitcast %get3A_635 : vector<16xf32> -> vector<16xi32>
        %shift_right_arithmetic3A_757 = arith.constant 31 : i32
        %shift_right_arithmetic3A_758 = vector.broadcast %shift_right_arithmetic3A_757 : i32 to vector<16xi32>
        %shift_right_arithmetic3A_759 = arith.shrsi %bitcast_convert_type3A_756, %shift_right_arithmetic3A_758 : vector<16xi32>
        %or3A_760 = arith.constant -2147483648 : i32
        %or3A_761 = vector.broadcast %or3A_760 : i32 to vector<16xi32>
        %or3A_762 = arith.ori %shift_right_arithmetic3A_759, %or3A_761 : vector<16xi32>
        %xor3A_763 = arith.xori %bitcast_convert_type3A_756, %or3A_762 : vector<16xi32>
        %shift_right_logical3A_764 = arith.constant 20 : i32
        %shift_right_logical3A_765 = vector.broadcast %shift_right_logical3A_764 : i32 to vector<16xi32>
        %shift_right_logical3A_766 = arith.shrui %xor3A_763, %shift_right_logical3A_765 : vector<16xi32>
        %neg3A = arith.constant 0.000000e+00 : f32
        %neg3A_767 = vector.broadcast %neg3A : f32 to vector<16xf32>
        %neg3A_768 = arith.subf %neg3A_767, %get3A_638 : vector<16xf32>
        %exp3A = math.exp %neg3A_768 : vector<16xf32>
        %add3A_769 = arith.constant 1.000000e+00 : f32
        %add3A_770 = vector.broadcast %add3A_769 : f32 to vector<16xf32>
        %add3A_771 = arith.addf %add3A_770, %exp3A : vector<16xf32>
        %div3A_772 = arith.constant 1.000000e+00 : f32
        %div3A_773 = vector.broadcast %div3A_772 : f32 to vector<16xf32>
        %div3A_774 = arith.divf %div3A_773, %add3A_771 : vector<16xf32>
        %neg3A_775 = arith.constant 0.000000e+00 : f32
        %neg3A_776 = vector.broadcast %neg3A_775 : f32 to vector<16xf32>
        %neg3A_777 = arith.subf %neg3A_776, %get3A_641 : vector<16xf32>
        %exp3A_778 = math.exp %neg3A_777 : vector<16xf32>
        %add3A_779 = arith.constant 1.000000e+00 : f32
        %add3A_780 = vector.broadcast %add3A_779 : f32 to vector<16xf32>
        %add3A_781 = arith.addf %add3A_780, %exp3A_778 : vector<16xf32>
        %div3A_782 = arith.constant 1.000000e+00 : f32
        %div3A_783 = vector.broadcast %div3A_782 : f32 to vector<16xf32>
        %div3A_784 = arith.divf %div3A_783, %add3A_781 : vector<16xf32>
        %neg3A_785 = arith.constant 0.000000e+00 : f32
        %neg3A_786 = vector.broadcast %neg3A_785 : f32 to vector<16xf32>
        %neg3A_787 = arith.subf %neg3A_786, %get3A_644 : vector<16xf32>
        %exp3A_788 = math.exp %neg3A_787 : vector<16xf32>
        %add3A_789 = arith.constant 1.000000e+00 : f32
        %add3A_790 = vector.broadcast %add3A_789 : f32 to vector<16xf32>
        %add3A_791 = arith.addf %add3A_790, %exp3A_788 : vector<16xf32>
        %div3A_792 = arith.constant 1.000000e+00 : f32
        %div3A_793 = vector.broadcast %div3A_792 : f32 to vector<16xf32>
        %div3A_794 = arith.divf %div3A_793, %add3A_791 : vector<16xf32>
        %neg3A_795 = arith.constant 0.000000e+00 : f32
        %neg3A_796 = vector.broadcast %neg3A_795 : f32 to vector<16xf32>
        %neg3A_797 = arith.subf %neg3A_796, %get3A_647 : vector<16xf32>
        %exp3A_798 = math.exp %neg3A_797 : vector<16xf32>
        %add3A_799 = arith.constant 1.000000e+00 : f32
        %add3A_800 = vector.broadcast %add3A_799 : f32 to vector<16xf32>
        %add3A_801 = arith.addf %add3A_800, %exp3A_798 : vector<16xf32>
        %div3A_802 = arith.constant 1.000000e+00 : f32
        %div3A_803 = vector.broadcast %div3A_802 : f32 to vector<16xf32>
        %div3A_804 = arith.divf %div3A_803, %add3A_801 : vector<16xf32>
        %neg3A_805 = arith.constant 0.000000e+00 : f32
        %neg3A_806 = vector.broadcast %neg3A_805 : f32 to vector<16xf32>
        %neg3A_807 = arith.subf %neg3A_806, %get3A_650 : vector<16xf32>
        %exp3A_808 = math.exp %neg3A_807 : vector<16xf32>
        %add3A_809 = arith.constant 1.000000e+00 : f32
        %add3A_810 = vector.broadcast %add3A_809 : f32 to vector<16xf32>
        %add3A_811 = arith.addf %add3A_810, %exp3A_808 : vector<16xf32>
        %div3A_812 = arith.constant 1.000000e+00 : f32
        %div3A_813 = vector.broadcast %div3A_812 : f32 to vector<16xf32>
        %div3A_814 = arith.divf %div3A_813, %add3A_811 : vector<16xf32>
        %neg3A_815 = arith.constant 0.000000e+00 : f32
        %neg3A_816 = vector.broadcast %neg3A_815 : f32 to vector<16xf32>
        %neg3A_817 = arith.subf %neg3A_816, %get3A_653 : vector<16xf32>
        %exp3A_818 = math.exp %neg3A_817 : vector<16xf32>
        %add3A_819 = arith.constant 1.000000e+00 : f32
        %add3A_820 = vector.broadcast %add3A_819 : f32 to vector<16xf32>
        %add3A_821 = arith.addf %add3A_820, %exp3A_818 : vector<16xf32>
        %div3A_822 = arith.constant 1.000000e+00 : f32
        %div3A_823 = vector.broadcast %div3A_822 : f32 to vector<16xf32>
        %div3A_824 = arith.divf %div3A_823, %add3A_821 : vector<16xf32>
        %neg3A_825 = arith.constant 0.000000e+00 : f32
        %neg3A_826 = vector.broadcast %neg3A_825 : f32 to vector<16xf32>
        %neg3A_827 = arith.subf %neg3A_826, %get3A_656 : vector<16xf32>
        %exp3A_828 = math.exp %neg3A_827 : vector<16xf32>
        %add3A_829 = arith.constant 1.000000e+00 : f32
        %add3A_830 = vector.broadcast %add3A_829 : f32 to vector<16xf32>
        %add3A_831 = arith.addf %add3A_830, %exp3A_828 : vector<16xf32>
        %div3A_832 = arith.constant 1.000000e+00 : f32
        %div3A_833 = vector.broadcast %div3A_832 : f32 to vector<16xf32>
        %div3A_834 = arith.divf %div3A_833, %add3A_831 : vector<16xf32>
        %neg3A_835 = arith.constant 0.000000e+00 : f32
        %neg3A_836 = vector.broadcast %neg3A_835 : f32 to vector<16xf32>
        %neg3A_837 = arith.subf %neg3A_836, %get3A_659 : vector<16xf32>
        %exp3A_838 = math.exp %neg3A_837 : vector<16xf32>
        %add3A_839 = arith.constant 1.000000e+00 : f32
        %add3A_840 = vector.broadcast %add3A_839 : f32 to vector<16xf32>
        %add3A_841 = arith.addf %add3A_840, %exp3A_838 : vector<16xf32>
        %div3A_842 = arith.constant 1.000000e+00 : f32
        %div3A_843 = vector.broadcast %div3A_842 : f32 to vector<16xf32>
        %div3A_844 = arith.divf %div3A_843, %add3A_841 : vector<16xf32>
        tpu.vector_store_idx %arg12[%shift_right_logical3A_689], %broadcast_in_dim3A_35 {add = true} : memref<4096xf32, #tpu.memory_space<vmem>>[vector<16xi32>], vector<16xf32>,
        %mul3A_845 = arith.mulf %div3A_774, %get3A_662 : vector<16xf32>
        tpu.vector_store_idx %arg13[%shift_right_logical3A_689], %mul3A_845 {add = true} : memref<4096xf32, #tpu.memory_space<vmem>>[vector<16xi32>], vector<16xf32>,
        %add3A_846 = arith.addf %div3A_774, %get3A_662 : vector<16xf32>
        tpu.vector_store_idx %arg14[%shift_right_logical3A_689], %add3A_846 {add = true} : memref<4096xf32, #tpu.memory_space<vmem>>[vector<16xi32>], vector<16xf32>,
        tpu.vector_store_idx %arg12[%shift_right_logical3A_700], %broadcast_in_dim3A_35 {add = true} : memref<4096xf32, #tpu.memory_space<vmem>>[vector<16xi32>], vector<16xf32>,
        %mul3A_847 = arith.mulf %div3A_784, %get3A_665 : vector<16xf32>
        tpu.vector_store_idx %arg13[%shift_right_logical3A_700], %mul3A_847 {add = true} : memref<4096xf32, #tpu.memory_space<vmem>>[vector<16xi32>], vector<16xf32>,
        %add3A_848 = arith.addf %div3A_784, %get3A_665 : vector<16xf32>
        tpu.vector_store_idx %arg14[%shift_right_logical3A_700], %add3A_848 {add = true} : memref<4096xf32, #tpu.memory_space<vmem>>[vector<16xi32>], vector<16xf32>,
        tpu.vector_store_idx %arg12[%shift_right_logical3A_711], %broadcast_in_dim3A_35 {add = true} : memref<4096xf32, #tpu.memory_space<vmem>>[vector<16xi32>], vector<16xf32>,
        %mul3A_849 = arith.mulf %div3A_794, %get3A_668 : vector<16xf32>
        tpu.vector_store_idx %arg13[%shift_right_logical3A_711], %mul3A_849 {add = true} : memref<4096xf32, #tpu.memory_space<vmem>>[vector<16xi32>], vector<16xf32>,
        %add3A_850 = arith.addf %div3A_794, %get3A_668 : vector<16xf32>
        tpu.vector_store_idx %arg14[%shift_right_logical3A_711], %add3A_850 {add = true} : memref<4096xf32, #tpu.memory_space<vmem>>[vector<16xi32>], vector<16xf32>,
        tpu.vector_store_idx %arg12[%shift_right_logical3A_722], %broadcast_in_dim3A_35 {add = true} : memref<4096xf32, #tpu.memory_space<vmem>>[vector<16xi32>], vector<16xf32>,
        %mul3A_851 = arith.mulf %div3A_804, %get3A_671 : vector<16xf32>
        tpu.vector_store_idx %arg13[%shift_right_logical3A_722], %mul3A_851 {add = true} : memref<4096xf32, #tpu.memory_space<vmem>>[vector<16xi32>], vector<16xf32>,
        %add3A_852 = arith.addf %div3A_804, %get3A_671 : vector<16xf32>
        tpu.vector_store_idx %arg14[%shift_right_logical3A_722], %add3A_852 {add = true} : memref<4096xf32, #tpu.memory_space<vmem>>[vector<16xi32>], vector<16xf32>,
        tpu.vector_store_idx %arg12[%shift_right_logical3A_733], %broadcast_in_dim3A_35 {add = true} : memref<4096xf32, #tpu.memory_space<vmem>>[vector<16xi32>], vector<16xf32>,
        %mul3A_853 = arith.mulf %div3A_814, %get3A_674 : vector<16xf32>
        tpu.vector_store_idx %arg13[%shift_right_logical3A_733], %mul3A_853 {add = true} : memref<4096xf32, #tpu.memory_space<vmem>>[vector<16xi32>], vector<16xf32>,
        %add3A_854 = arith.addf %div3A_814, %get3A_674 : vector<16xf32>
        tpu.vector_store_idx %arg14[%shift_right_logical3A_733], %add3A_854 {add = true} : memref<4096xf32, #tpu.memory_space<vmem>>[vector<16xi32>], vector<16xf32>,
        tpu.vector_store_idx %arg12[%shift_right_logical3A_744], %broadcast_in_dim3A_35 {add = true} : memref<4096xf32, #tpu.memory_space<vmem>>[vector<16xi32>], vector<16xf32>,
        %mul3A_855 = arith.mulf %div3A_824, %get3A_677 : vector<16xf32>
        tpu.vector_store_idx %arg13[%shift_right_logical3A_744], %mul3A_855 {add = true} : memref<4096xf32, #tpu.memory_space<vmem>>[vector<16xi32>], vector<16xf32>,
        %add3A_856 = arith.addf %div3A_824, %get3A_677 : vector<16xf32>
        tpu.vector_store_idx %arg14[%shift_right_logical3A_744], %add3A_856 {add = true} : memref<4096xf32, #tpu.memory_space<vmem>>[vector<16xi32>], vector<16xf32>,
        tpu.vector_store_idx %arg12[%shift_right_logical3A_755], %broadcast_in_dim3A_35 {add = true} : memref<4096xf32, #tpu.memory_space<vmem>>[vector<16xi32>], vector<16xf32>,
        %mul3A_857 = arith.mulf %div3A_834, %get3A_680 : vector<16xf32>
        tpu.vector_store_idx %arg13[%shift_right_logical3A_755], %mul3A_857 {add = true} : memref<4096xf32, #tpu.memory_space<vmem>>[vector<16xi32>], vector<16xf32>,
        %add3A_858 = arith.addf %div3A_834, %get3A_680 : vector<16xf32>
        tpu.vector_store_idx %arg14[%shift_right_logical3A_755], %add3A_858 {add = true} : memref<4096xf32, #tpu.memory_space<vmem>>[vector<16xi32>], vector<16xf32>,
        tpu.vector_store_idx %arg12[%shift_right_logical3A_766], %broadcast_in_dim3A_35 {add = true} : memref<4096xf32, #tpu.memory_space<vmem>>[vector<16xi32>], vector<16xf32>,
        %mul3A_859 = arith.mulf %div3A_844, %get3A_683 : vector<16xf32>
        tpu.vector_store_idx %arg13[%shift_right_logical3A_766], %mul3A_859 {add = true} : memref<4096xf32, #tpu.memory_space<vmem>>[vector<16xi32>], vector<16xf32>,
        %add3A_860 = arith.addf %div3A_844, %get3A_683 : vector<16xf32>
        tpu.vector_store_idx %arg14[%shift_right_logical3A_766], %add3A_860 {add = true} : memref<4096xf32, #tpu.memory_space<vmem>>[vector<16xi32>], vector<16xf32>,
        %scan3A_861 = arith.constant 0 : i32
        scf.yield %scan3A_861 : i32
      }
      %scan3A_239 = arith.constant 64 : i32
      %scan3A_240 = arith.constant 0 : i32
      scf.yield %scan3A_240 : i32
    }
    %scan3A_70 = arith.constant 8 : i32
    %mul3A_71 = arith.constant 3 : i32
    %mul3A_72 = arith.muli %arg1, %mul3A_71 : i32
    %add3A_73 = arith.constant 0 : i32
    %add3A_74 = arith.addi %mul3A_72, %add3A_73 : i32
    %mul3A_75 = arith.constant 4096 : i32
    %mul3A_76 = arith.muli %add3A_74, %mul3A_75 : i32
    "tpu.region"() ({
      %run_scoped3A = tpu.sem_alloc : memref<!tpu.dma_semaphore, #tpu.memory_space<semaphore_mem>>
      %dma_start3A_130 = tpu.memref_slice %arg15[%mul3A_76] : memref<196608xf32, #tpu.memory_space<vmem_shared>> -> memref<4096xf32, #tpu.memory_space<vmem_shared>>
      %dma_start3A_131 = tpu.memref_slice %arg15[%mul3A_76] : memref<196608xf32, #tpu.memory_space<vmem_shared>> -> memref<4096xf32, #tpu.memory_space<vmem_shared>>
      tpu.enqueue_dma source(%arg12 : memref<4096xf32, #tpu.memory_space<vmem>>) target(%dma_start3A_131 : memref<4096xf32, #tpu.memory_space<vmem_shared>>) target_semaphore(%run_scoped3A : memref<!tpu.dma_semaphore, #tpu.memory_space<semaphore_mem>>)
      %dma_wait3A = tpu.memref_slice %arg15[%mul3A_76] : memref<196608xf32, #tpu.memory_space<vmem_shared>> -> memref<4096xf32, #tpu.memory_space<vmem_shared>>
      %dma_wait3A_132 = tpu.memref_slice %arg15[%mul3A_76] : memref<196608xf32, #tpu.memory_space<vmem_shared>> -> memref<4096xf32, #tpu.memory_space<vmem_shared>>
      tpu.wait_dma2 semaphore(%run_scoped3A : memref<!tpu.dma_semaphore, #tpu.memory_space<semaphore_mem>>) src(%arg12 : memref<4096xf32, #tpu.memory_space<vmem>>) dst(%dma_wait3A_132 : memref<4096xf32, #tpu.memory_space<vmem_shared>>)
      tpu.yield
    }) : () -> ()
    %mul3A_77 = arith.constant 3 : i32
    %mul3A_78 = arith.muli %arg1, %mul3A_77 : i32
    %add3A_79 = arith.constant 1 : i32
    %add3A_80 = arith.addi %mul3A_78, %add3A_79 : i32
    %mul3A_81 = arith.constant 4096 : i32
    %mul3A_82 = arith.muli %add3A_80, %mul3A_81 : i32
    "tpu.region"() ({
      %run_scoped3A = tpu.sem_alloc : memref<!tpu.dma_semaphore, #tpu.memory_space<semaphore_mem>>
      %dma_start3A_130 = tpu.memref_slice %arg15[%mul3A_82] : memref<196608xf32, #tpu.memory_space<vmem_shared>> -> memref<4096xf32, #tpu.memory_space<vmem_shared>>
      %dma_start3A_131 = tpu.memref_slice %arg15[%mul3A_82] : memref<196608xf32, #tpu.memory_space<vmem_shared>> -> memref<4096xf32, #tpu.memory_space<vmem_shared>>
      tpu.enqueue_dma source(%arg13 : memref<4096xf32, #tpu.memory_space<vmem>>) target(%dma_start3A_131 : memref<4096xf32, #tpu.memory_space<vmem_shared>>) target_semaphore(%run_scoped3A : memref<!tpu.dma_semaphore, #tpu.memory_space<semaphore_mem>>)
      %dma_wait3A = tpu.memref_slice %arg15[%mul3A_82] : memref<196608xf32, #tpu.memory_space<vmem_shared>> -> memref<4096xf32, #tpu.memory_space<vmem_shared>>
      %dma_wait3A_132 = tpu.memref_slice %arg15[%mul3A_82] : memref<196608xf32, #tpu.memory_space<vmem_shared>> -> memref<4096xf32, #tpu.memory_space<vmem_shared>>
      tpu.wait_dma2 semaphore(%run_scoped3A : memref<!tpu.dma_semaphore, #tpu.memory_space<semaphore_mem>>) src(%arg13 : memref<4096xf32, #tpu.memory_space<vmem>>) dst(%dma_wait3A_132 : memref<4096xf32, #tpu.memory_space<vmem_shared>>)
      tpu.yield
    }) : () -> ()
    %mul3A_83 = arith.constant 3 : i32
    %mul3A_84 = arith.muli %arg1, %mul3A_83 : i32
    %add3A_85 = arith.constant 2 : i32
    %add3A_86 = arith.addi %mul3A_84, %add3A_85 : i32
    %mul3A_87 = arith.constant 4096 : i32
    %mul3A_88 = arith.muli %add3A_86, %mul3A_87 : i32
    "tpu.region"() ({
      %run_scoped3A = tpu.sem_alloc : memref<!tpu.dma_semaphore, #tpu.memory_space<semaphore_mem>>
      %dma_start3A_130 = tpu.memref_slice %arg15[%mul3A_88] : memref<196608xf32, #tpu.memory_space<vmem_shared>> -> memref<4096xf32, #tpu.memory_space<vmem_shared>>
      %dma_start3A_131 = tpu.memref_slice %arg15[%mul3A_88] : memref<196608xf32, #tpu.memory_space<vmem_shared>> -> memref<4096xf32, #tpu.memory_space<vmem_shared>>
      tpu.enqueue_dma source(%arg14 : memref<4096xf32, #tpu.memory_space<vmem>>) target(%dma_start3A_131 : memref<4096xf32, #tpu.memory_space<vmem_shared>>) target_semaphore(%run_scoped3A : memref<!tpu.dma_semaphore, #tpu.memory_space<semaphore_mem>>)
      %dma_wait3A = tpu.memref_slice %arg15[%mul3A_88] : memref<196608xf32, #tpu.memory_space<vmem_shared>> -> memref<4096xf32, #tpu.memory_space<vmem_shared>>
      %dma_wait3A_132 = tpu.memref_slice %arg15[%mul3A_88] : memref<196608xf32, #tpu.memory_space<vmem_shared>> -> memref<4096xf32, #tpu.memory_space<vmem_shared>>
      tpu.wait_dma2 semaphore(%run_scoped3A : memref<!tpu.dma_semaphore, #tpu.memory_space<semaphore_mem>>) src(%arg14 : memref<4096xf32, #tpu.memory_space<vmem>>) dst(%dma_wait3A_132 : memref<4096xf32, #tpu.memory_space<vmem_shared>>)
      tpu.yield
    }) : () -> ()
    %barrier3A = arith.constant 0 : index
    tpu.barrier barrier_id(%barrier3A)
    %scan3A_89 = arith.constant 0 : i32
    %scan3A_90 = arith.constant 0 : i32
    %scan3A_91 = arith.constant 48 : i32
    %scan3A_92 = arith.addi %scan3A_90, %scan3A_91 : i32
    %scan3A_93 = arith.constant 1 : i32
    %scan3A_94 = scf.for %scan3A_130 = %scan3A_90 to %scan3A_92 step %scan3A_93 iter_args(%scan3A_131 = %scan3A_89) -> (i32)  : i32 {
      %mul3A_132 = arith.constant 16 : i32
      %mul3A_133 = arith.muli %scan3A_130, %mul3A_132 : i32
      %swap3A = arith.index_cast %mul3A_133 : i32 to index
      %swap3A_134 = tpu.vector_load %arg17[%swap3A] {strides = array<i32>} : memref<768xf32, #tpu.memory_space<vmem>>, vector<16xf32>,
      tpu.vector_store %arg17[%swap3A], %broadcast_in_dim3A_33 {strides = array<i32>} : memref<768xf32, #tpu.memory_space<vmem>>, vector<16xf32>,
      %scan3A_135 = arith.constant 0 : i32
      scf.yield %scan3A_135 : i32
    }
    %scan3A_95 = arith.constant 48 : i32
    %scan3A_96 = arith.constant 0 : i32
    %scan3A_97 = arith.constant 0 : i32
    %scan3A_98 = arith.constant 16 : i32
    %scan3A_99 = arith.addi %scan3A_97, %scan3A_98 : i32
    %scan3A_100 = arith.constant 1 : i32
    %scan3A_101 = scf.for %scan3A_130 = %scan3A_97 to %scan3A_99 step %scan3A_100 iter_args(%scan3A_131 = %scan3A_96) -> (i32)  : i32 {
      %mul3A_132 = arith.constant 3 : i32
      %mul3A_133 = arith.muli %scan3A_130, %mul3A_132 : i32
      %add3A_134 = arith.constant 0 : i32
      %add3A_135 = arith.addi %mul3A_133, %add3A_134 : i32
      %mul3A_136 = arith.constant 4096 : i32
      %mul3A_137 = arith.muli %add3A_135, %mul3A_136 : i32
      %mul3A_138 = arith.constant 256 : i32
      %mul3A_139 = arith.muli %arg1, %mul3A_138 : i32
      %add3A_140 = arith.addi %mul3A_137, %mul3A_139 : i32
      "tpu.region"() ({
        %run_scoped3A = tpu.sem_alloc : memref<!tpu.dma_semaphore, #tpu.memory_space<semaphore_mem>>
        %dma_start3A_167 = arith.constant 0 : i32
        %dma_start3A_168 = tpu.memref_slice %arg16[%dma_start3A_167] : memref<768xf32, #tpu.memory_space<vmem>> -> memref<256xf32, #tpu.memory_space<vmem>>
        %dma_start3A_169 = tpu.memref_slice %arg15[%add3A_140] : memref<196608xf32, #tpu.memory_space<vmem_shared>> -> memref<256xf32, #tpu.memory_space<vmem_shared>>
        %dma_start3A_170 = arith.constant 0 : i32
        %dma_start3A_171 = tpu.memref_slice %arg16[%dma_start3A_170] : memref<768xf32, #tpu.memory_space<vmem>> -> memref<256xf32, #tpu.memory_space<vmem>>
        %dma_start3A_172 = tpu.memref_slice %arg15[%add3A_140] : memref<196608xf32, #tpu.memory_space<vmem_shared>> -> memref<256xf32, #tpu.memory_space<vmem_shared>>
        tpu.enqueue_dma source(%dma_start3A_172 : memref<256xf32, #tpu.memory_space<vmem_shared>>) target(%dma_start3A_171 : memref<256xf32, #tpu.memory_space<vmem>>) target_semaphore(%run_scoped3A : memref<!tpu.dma_semaphore, #tpu.memory_space<semaphore_mem>>)
        %dma_wait3A = arith.constant 0 : i32
        %dma_wait3A_173 = tpu.memref_slice %arg16[%dma_wait3A] : memref<768xf32, #tpu.memory_space<vmem>> -> memref<256xf32, #tpu.memory_space<vmem>>
        %dma_wait3A_174 = tpu.memref_slice %arg15[%add3A_140] : memref<196608xf32, #tpu.memory_space<vmem_shared>> -> memref<256xf32, #tpu.memory_space<vmem_shared>>
        %dma_wait3A_175 = arith.constant 0 : i32
        %dma_wait3A_176 = tpu.memref_slice %arg16[%dma_wait3A_175] : memref<768xf32, #tpu.memory_space<vmem>> -> memref<256xf32, #tpu.memory_space<vmem>>
        %dma_wait3A_177 = tpu.memref_slice %arg15[%add3A_140] : memref<196608xf32, #tpu.memory_space<vmem_shared>> -> memref<256xf32, #tpu.memory_space<vmem_shared>>
        tpu.wait_dma2 semaphore(%run_scoped3A : memref<!tpu.dma_semaphore, #tpu.memory_space<semaphore_mem>>) src(%dma_wait3A_177 : memref<256xf32, #tpu.memory_space<vmem_shared>>) dst(%dma_wait3A_176 : memref<256xf32, #tpu.memory_space<vmem>>)
        tpu.yield
      }) : () -> ()
      %mul3A_141 = arith.constant 3 : i32
      %mul3A_142 = arith.muli %scan3A_130, %mul3A_141 : i32
      %add3A_143 = arith.constant 1 : i32
      %add3A_144 = arith.addi %mul3A_142, %add3A_143 : i32
      %mul3A_145 = arith.constant 4096 : i32
      %mul3A_146 = arith.muli %add3A_144, %mul3A_145 : i32
      %mul3A_147 = arith.constant 256 : i32
      %mul3A_148 = arith.muli %arg1, %mul3A_147 : i32
      %add3A_149 = arith.addi %mul3A_146, %mul3A_148 : i32
      "tpu.region"() ({
        %run_scoped3A = tpu.sem_alloc : memref<!tpu.dma_semaphore, #tpu.memory_space<semaphore_mem>>
        %dma_start3A_167 = arith.constant 256 : i32
        %dma_start3A_168 = tpu.memref_slice %arg16[%dma_start3A_167] : memref<768xf32, #tpu.memory_space<vmem>> -> memref<256xf32, #tpu.memory_space<vmem>>
        %dma_start3A_169 = tpu.memref_slice %arg15[%add3A_149] : memref<196608xf32, #tpu.memory_space<vmem_shared>> -> memref<256xf32, #tpu.memory_space<vmem_shared>>
        %dma_start3A_170 = arith.constant 256 : i32
        %dma_start3A_171 = tpu.memref_slice %arg16[%dma_start3A_170] : memref<768xf32, #tpu.memory_space<vmem>> -> memref<256xf32, #tpu.memory_space<vmem>>
        %dma_start3A_172 = tpu.memref_slice %arg15[%add3A_149] : memref<196608xf32, #tpu.memory_space<vmem_shared>> -> memref<256xf32, #tpu.memory_space<vmem_shared>>
        tpu.enqueue_dma source(%dma_start3A_172 : memref<256xf32, #tpu.memory_space<vmem_shared>>) target(%dma_start3A_171 : memref<256xf32, #tpu.memory_space<vmem>>) target_semaphore(%run_scoped3A : memref<!tpu.dma_semaphore, #tpu.memory_space<semaphore_mem>>)
        %dma_wait3A = arith.constant 256 : i32
        %dma_wait3A_173 = tpu.memref_slice %arg16[%dma_wait3A] : memref<768xf32, #tpu.memory_space<vmem>> -> memref<256xf32, #tpu.memory_space<vmem>>
        %dma_wait3A_174 = tpu.memref_slice %arg15[%add3A_149] : memref<196608xf32, #tpu.memory_space<vmem_shared>> -> memref<256xf32, #tpu.memory_space<vmem_shared>>
        %dma_wait3A_175 = arith.constant 256 : i32
        %dma_wait3A_176 = tpu.memref_slice %arg16[%dma_wait3A_175] : memref<768xf32, #tpu.memory_space<vmem>> -> memref<256xf32, #tpu.memory_space<vmem>>
        %dma_wait3A_177 = tpu.memref_slice %arg15[%add3A_149] : memref<196608xf32, #tpu.memory_space<vmem_shared>> -> memref<256xf32, #tpu.memory_space<vmem_shared>>
        tpu.wait_dma2 semaphore(%run_scoped3A : memref<!tpu.dma_semaphore, #tpu.memory_space<semaphore_mem>>) src(%dma_wait3A_177 : memref<256xf32, #tpu.memory_space<vmem_shared>>) dst(%dma_wait3A_176 : memref<256xf32, #tpu.memory_space<vmem>>)
        tpu.yield
      }) : () -> ()
      %mul3A_150 = arith.constant 3 : i32
      %mul3A_151 = arith.muli %scan3A_130, %mul3A_150 : i32
      %add3A_152 = arith.constant 2 : i32
      %add3A_153 = arith.addi %mul3A_151, %add3A_152 : i32
      %mul3A_154 = arith.constant 4096 : i32
      %mul3A_155 = arith.muli %add3A_153, %mul3A_154 : i32
      %mul3A_156 = arith.constant 256 : i32
      %mul3A_157 = arith.muli %arg1, %mul3A_156 : i32
      %add3A_158 = arith.addi %mul3A_155, %mul3A_157 : i32
      "tpu.region"() ({
        %run_scoped3A = tpu.sem_alloc : memref<!tpu.dma_semaphore, #tpu.memory_space<semaphore_mem>>
        %dma_start3A_167 = arith.constant 512 : i32
        %dma_start3A_168 = tpu.memref_slice %arg16[%dma_start3A_167] : memref<768xf32, #tpu.memory_space<vmem>> -> memref<256xf32, #tpu.memory_space<vmem>>
        %dma_start3A_169 = tpu.memref_slice %arg15[%add3A_158] : memref<196608xf32, #tpu.memory_space<vmem_shared>> -> memref<256xf32, #tpu.memory_space<vmem_shared>>
        %dma_start3A_170 = arith.constant 512 : i32
        %dma_start3A_171 = tpu.memref_slice %arg16[%dma_start3A_170] : memref<768xf32, #tpu.memory_space<vmem>> -> memref<256xf32, #tpu.memory_space<vmem>>
        %dma_start3A_172 = tpu.memref_slice %arg15[%add3A_158] : memref<196608xf32, #tpu.memory_space<vmem_shared>> -> memref<256xf32, #tpu.memory_space<vmem_shared>>
        tpu.enqueue_dma source(%dma_start3A_172 : memref<256xf32, #tpu.memory_space<vmem_shared>>) target(%dma_start3A_171 : memref<256xf32, #tpu.memory_space<vmem>>) target_semaphore(%run_scoped3A : memref<!tpu.dma_semaphore, #tpu.memory_space<semaphore_mem>>)
        %dma_wait3A = arith.constant 512 : i32
        %dma_wait3A_173 = tpu.memref_slice %arg16[%dma_wait3A] : memref<768xf32, #tpu.memory_space<vmem>> -> memref<256xf32, #tpu.memory_space<vmem>>
        %dma_wait3A_174 = tpu.memref_slice %arg15[%add3A_158] : memref<196608xf32, #tpu.memory_space<vmem_shared>> -> memref<256xf32, #tpu.memory_space<vmem_shared>>
        %dma_wait3A_175 = arith.constant 512 : i32
        %dma_wait3A_176 = tpu.memref_slice %arg16[%dma_wait3A_175] : memref<768xf32, #tpu.memory_space<vmem>> -> memref<256xf32, #tpu.memory_space<vmem>>
        %dma_wait3A_177 = tpu.memref_slice %arg15[%add3A_158] : memref<196608xf32, #tpu.memory_space<vmem_shared>> -> memref<256xf32, #tpu.memory_space<vmem_shared>>
        tpu.wait_dma2 semaphore(%run_scoped3A : memref<!tpu.dma_semaphore, #tpu.memory_space<semaphore_mem>>) src(%dma_wait3A_177 : memref<256xf32, #tpu.memory_space<vmem_shared>>) dst(%dma_wait3A_176 : memref<256xf32, #tpu.memory_space<vmem>>)
        tpu.yield
      }) : () -> ()
      %scan3A_159 = arith.constant 0 : i32
      %scan3A_160 = arith.constant 0 : i32
      %scan3A_161 = arith.constant 48 : i32
      %scan3A_162 = arith.addi %scan3A_160, %scan3A_161 : i32
      %scan3A_163 = arith.constant 1 : i32
      %scan3A_164 = scf.for %scan3A_167 = %scan3A_160 to %scan3A_162 step %scan3A_163 iter_args(%scan3A_168 = %scan3A_159) -> (i32)  : i32 {
        %mul3A_169 = arith.constant 16 : i32
        %mul3A_170 = arith.muli %scan3A_167, %mul3A_169 : i32
        %get3A = arith.index_cast %mul3A_170 : i32 to index
        %get3A_171 = tpu.vector_load %arg17[%get3A] {strides = array<i32>} : memref<768xf32, #tpu.memory_space<vmem>>, vector<16xf32>,
        %mul3A_172 = arith.constant 16 : i32
        %mul3A_173 = arith.muli %scan3A_167, %mul3A_172 : i32
        %get3A_174 = arith.index_cast %mul3A_173 : i32 to index
        %get3A_175 = tpu.vector_load %arg16[%get3A_174] {strides = array<i32>} : memref<768xf32, #tpu.memory_space<vmem>>, vector<16xf32>,
        %add3A_176 = arith.addf %get3A_171, %get3A_175 : vector<16xf32>
        %mul3A_177 = arith.constant 16 : i32
        %mul3A_178 = arith.muli %scan3A_167, %mul3A_177 : i32
        %swap3A = arith.index_cast %mul3A_178 : i32 to index
        %swap3A_179 = tpu.vector_load %arg17[%swap3A] {strides = array<i32>} : memref<768xf32, #tpu.memory_space<vmem>>, vector<16xf32>,
        tpu.vector_store %arg17[%swap3A], %add3A_176 {strides = array<i32>} : memref<768xf32, #tpu.memory_space<vmem>>, vector<16xf32>,
        %scan3A_180 = arith.constant 0 : i32
        scf.yield %scan3A_180 : i32
      }
      %scan3A_165 = arith.constant 48 : i32
      %scan3A_166 = arith.constant 0 : i32
      scf.yield %scan3A_166 : i32
    }
    %scan3A_102 = arith.constant 16 : i32
    %mul3A_103 = arith.constant 3 : i32
    %mul3A_104 = arith.muli %arg0, %mul3A_103 : i32
    %add3A_105 = arith.constant 0 : i32
    %add3A_106 = arith.addi %mul3A_104, %add3A_105 : i32
    %mul3A_107 = arith.constant 4096 : i32
    %mul3A_108 = arith.muli %add3A_106, %mul3A_107 : i32
    %mul3A_109 = arith.constant 256 : i32
    %mul3A_110 = arith.muli %arg1, %mul3A_109 : i32
    %add3A_111 = arith.addi %mul3A_108, %mul3A_110 : i32
    "tpu.region"() ({
      %run_scoped3A = tpu.sem_alloc : memref<!tpu.dma_semaphore, #tpu.memory_space<semaphore_mem>>
      %dma_start3A_130 = arith.constant 0 : i32
      %dma_start3A_131 = tpu.memref_slice %arg17[%dma_start3A_130] : memref<768xf32, #tpu.memory_space<vmem>> -> memref<256xf32, #tpu.memory_space<vmem>>
      %dma_start3A_132 = tpu.memref_slice %arg5[%add3A_111] : memref<24576xf32, #tpu.memory_space<hbm>> -> memref<256xf32, #tpu.memory_space<hbm>>
      %dma_start3A_133 = tpu.memref_slice %arg5[%add3A_111] : memref<24576xf32, #tpu.memory_space<hbm>> -> memref<256xf32, #tpu.memory_space<hbm>>
      %dma_start3A_134 = arith.constant 0 : i32
      %dma_start3A_135 = tpu.memref_slice %arg17[%dma_start3A_134] : memref<768xf32, #tpu.memory_space<vmem>> -> memref<256xf32, #tpu.memory_space<vmem>>
      tpu.enqueue_dma source(%dma_start3A_135 : memref<256xf32, #tpu.memory_space<vmem>>) target(%dma_start3A_133 : memref<256xf32, #tpu.memory_space<hbm>>) target_semaphore(%run_scoped3A : memref<!tpu.dma_semaphore, #tpu.memory_space<semaphore_mem>>)
      %dma_wait3A = arith.constant 0 : i32
      %dma_wait3A_136 = tpu.memref_slice %arg17[%dma_wait3A] : memref<768xf32, #tpu.memory_space<vmem>> -> memref<256xf32, #tpu.memory_space<vmem>>
      %dma_wait3A_137 = tpu.memref_slice %arg5[%add3A_111] : memref<24576xf32, #tpu.memory_space<hbm>> -> memref<256xf32, #tpu.memory_space<hbm>>
      %dma_wait3A_138 = tpu.memref_slice %arg5[%add3A_111] : memref<24576xf32, #tpu.memory_space<hbm>> -> memref<256xf32, #tpu.memory_space<hbm>>
      %dma_wait3A_139 = arith.constant 0 : i32
      %dma_wait3A_140 = tpu.memref_slice %arg17[%dma_wait3A_139] : memref<768xf32, #tpu.memory_space<vmem>> -> memref<256xf32, #tpu.memory_space<vmem>>
      tpu.wait_dma2 semaphore(%run_scoped3A : memref<!tpu.dma_semaphore, #tpu.memory_space<semaphore_mem>>) src(%dma_wait3A_140 : memref<256xf32, #tpu.memory_space<vmem>>) dst(%dma_wait3A_138 : memref<256xf32, #tpu.memory_space<hbm>>)
      tpu.yield
    }) : () -> ()
    %mul3A_112 = arith.constant 3 : i32
    %mul3A_113 = arith.muli %arg0, %mul3A_112 : i32
    %add3A_114 = arith.constant 1 : i32
    %add3A_115 = arith.addi %mul3A_113, %add3A_114 : i32
    %mul3A_116 = arith.constant 4096 : i32
    %mul3A_117 = arith.muli %add3A_115, %mul3A_116 : i32
    %mul3A_118 = arith.constant 256 : i32
    %mul3A_119 = arith.muli %arg1, %mul3A_118 : i32
    %add3A_120 = arith.addi %mul3A_117, %mul3A_119 : i32
    "tpu.region"() ({
      %run_scoped3A = tpu.sem_alloc : memref<!tpu.dma_semaphore, #tpu.memory_space<semaphore_mem>>
      %dma_start3A_130 = arith.constant 256 : i32
      %dma_start3A_131 = tpu.memref_slice %arg17[%dma_start3A_130] : memref<768xf32, #tpu.memory_space<vmem>> -> memref<256xf32, #tpu.memory_space<vmem>>
      %dma_start3A_132 = tpu.memref_slice %arg5[%add3A_120] : memref<24576xf32, #tpu.memory_space<hbm>> -> memref<256xf32, #tpu.memory_space<hbm>>
      %dma_start3A_133 = tpu.memref_slice %arg5[%add3A_120] : memref<24576xf32, #tpu.memory_space<hbm>> -> memref<256xf32, #tpu.memory_space<hbm>>
      %dma_start3A_134 = arith.constant 256 : i32
      %dma_start3A_135 = tpu.memref_slice %arg17[%dma_start3A_134] : memref<768xf32, #tpu.memory_space<vmem>> -> memref<256xf32, #tpu.memory_space<vmem>>
      tpu.enqueue_dma source(%dma_start3A_135 : memref<256xf32, #tpu.memory_space<vmem>>) target(%dma_start3A_133 : memref<256xf32, #tpu.memory_space<hbm>>) target_semaphore(%run_scoped3A : memref<!tpu.dma_semaphore, #tpu.memory_space<semaphore_mem>>)
      %dma_wait3A = arith.constant 256 : i32
      %dma_wait3A_136 = tpu.memref_slice %arg17[%dma_wait3A] : memref<768xf32, #tpu.memory_space<vmem>> -> memref<256xf32, #tpu.memory_space<vmem>>
      %dma_wait3A_137 = tpu.memref_slice %arg5[%add3A_120] : memref<24576xf32, #tpu.memory_space<hbm>> -> memref<256xf32, #tpu.memory_space<hbm>>
      %dma_wait3A_138 = tpu.memref_slice %arg5[%add3A_120] : memref<24576xf32, #tpu.memory_space<hbm>> -> memref<256xf32, #tpu.memory_space<hbm>>
      %dma_wait3A_139 = arith.constant 256 : i32
      %dma_wait3A_140 = tpu.memref_slice %arg17[%dma_wait3A_139] : memref<768xf32, #tpu.memory_space<vmem>> -> memref<256xf32, #tpu.memory_space<vmem>>
      tpu.wait_dma2 semaphore(%run_scoped3A : memref<!tpu.dma_semaphore, #tpu.memory_space<semaphore_mem>>) src(%dma_wait3A_140 : memref<256xf32, #tpu.memory_space<vmem>>) dst(%dma_wait3A_138 : memref<256xf32, #tpu.memory_space<hbm>>)
      tpu.yield
    }) : () -> ()
    %mul3A_121 = arith.constant 3 : i32
    %mul3A_122 = arith.muli %arg0, %mul3A_121 : i32
    %add3A_123 = arith.constant 2 : i32
    %add3A_124 = arith.addi %mul3A_122, %add3A_123 : i32
    %mul3A_125 = arith.constant 4096 : i32
    %mul3A_126 = arith.muli %add3A_124, %mul3A_125 : i32
    %mul3A_127 = arith.constant 256 : i32
    %mul3A_128 = arith.muli %arg1, %mul3A_127 : i32
    %add3A_129 = arith.addi %mul3A_126, %mul3A_128 : i32
    "tpu.region"() ({
      %run_scoped3A = tpu.sem_alloc : memref<!tpu.dma_semaphore, #tpu.memory_space<semaphore_mem>>
      %dma_start3A_130 = arith.constant 512 : i32
      %dma_start3A_131 = tpu.memref_slice %arg17[%dma_start3A_130] : memref<768xf32, #tpu.memory_space<vmem>> -> memref<256xf32, #tpu.memory_space<vmem>>
      %dma_start3A_132 = tpu.memref_slice %arg5[%add3A_129] : memref<24576xf32, #tpu.memory_space<hbm>> -> memref<256xf32, #tpu.memory_space<hbm>>
      %dma_start3A_133 = tpu.memref_slice %arg5[%add3A_129] : memref<24576xf32, #tpu.memory_space<hbm>> -> memref<256xf32, #tpu.memory_space<hbm>>
      %dma_start3A_134 = arith.constant 512 : i32
      %dma_start3A_135 = tpu.memref_slice %arg17[%dma_start3A_134] : memref<768xf32, #tpu.memory_space<vmem>> -> memref<256xf32, #tpu.memory_space<vmem>>
      tpu.enqueue_dma source(%dma_start3A_135 : memref<256xf32, #tpu.memory_space<vmem>>) target(%dma_start3A_133 : memref<256xf32, #tpu.memory_space<hbm>>) target_semaphore(%run_scoped3A : memref<!tpu.dma_semaphore, #tpu.memory_space<semaphore_mem>>)
      %dma_wait3A = arith.constant 512 : i32
      %dma_wait3A_136 = tpu.memref_slice %arg17[%dma_wait3A] : memref<768xf32, #tpu.memory_space<vmem>> -> memref<256xf32, #tpu.memory_space<vmem>>
      %dma_wait3A_137 = tpu.memref_slice %arg5[%add3A_129] : memref<24576xf32, #tpu.memory_space<hbm>> -> memref<256xf32, #tpu.memory_space<hbm>>
      %dma_wait3A_138 = tpu.memref_slice %arg5[%add3A_129] : memref<24576xf32, #tpu.memory_space<hbm>> -> memref<256xf32, #tpu.memory_space<hbm>>
      %dma_wait3A_139 = arith.constant 512 : i32
      %dma_wait3A_140 = tpu.memref_slice %arg17[%dma_wait3A_139] : memref<768xf32, #tpu.memory_space<vmem>> -> memref<256xf32, #tpu.memory_space<vmem>>
      tpu.wait_dma2 semaphore(%run_scoped3A : memref<!tpu.dma_semaphore, #tpu.memory_space<semaphore_mem>>) src(%dma_wait3A_140 : memref<256xf32, #tpu.memory_space<vmem>>) dst(%dma_wait3A_138 : memref<256xf32, #tpu.memory_space<hbm>>)
      tpu.yield
    }) : () -> ()
    return
  }
}

#map = affine_map<(d0, d1) -> (0)>
module attributes {stable_mosaic.version = 14 : i64} {
  func.func @_final_body(%arg0: i32, %arg1: i32, %arg2: memref<24576xf32, #tpu.memory_space<hbm>>, %arg3: memref<16xf32, #tpu.memory_space<hbm>>, %arg4: memref<24576xf32, #tpu.memory_space<vmem>>, %arg5: memref<12288xf32, #tpu.memory_space<vmem>>, %arg6: memref<16xf32, #tpu.memory_space<vmem>>) attributes {dimension_semantics = [#tpu.dimension_semantics<core_parallel>, #tpu.dimension_semantics<subcore_parallel>], iteration_bounds = array<i64: 2, 16>, scalar_prefetch = 0 : i64, scratch_operands = 3 : i64, tpu.core_type = #tpu.core_type<sc_vector_subcore>, window_params = [{transform_indices = #map}, {transform_indices = #map}]} {
    %eq3A = arith.constant 0 : i32
    %eq3A_0 = arith.cmpi eq, %arg0, %eq3A : i32
    %eq3A_1 = arith.constant 0 : i32
    %eq3A_2 = arith.cmpi eq, %arg1, %eq3A_1 : i32
    %and3A = arith.andi %eq3A_0, %eq3A_2 : i1
    %convert_element_type3A = arith.extui %and3A : i1 to i32
    %cond3A = arith.constant 0 : i32
    %cond3A_3 = arith.cmpi ne, %convert_element_type3A, %cond3A : i32
    scf.if %cond3A_3 {
      "tpu.region"() ({
        %run_scoped3A = tpu.sem_alloc : memref<!tpu.dma_semaphore, #tpu.memory_space<semaphore_mem>>
        tpu.enqueue_dma source(%arg2 : memref<24576xf32, #tpu.memory_space<hbm>>) target(%arg4 : memref<24576xf32, #tpu.memory_space<vmem>>) target_semaphore(%run_scoped3A : memref<!tpu.dma_semaphore, #tpu.memory_space<semaphore_mem>>)
        tpu.wait_dma2 semaphore(%run_scoped3A : memref<!tpu.dma_semaphore, #tpu.memory_space<semaphore_mem>>) src(%arg2 : memref<24576xf32, #tpu.memory_space<hbm>>) dst(%arg4 : memref<24576xf32, #tpu.memory_space<vmem>>)
        tpu.yield
      }) : () -> ()
      %scan3A = arith.constant 0 : i32
      %scan3A_4 = arith.constant 0 : i32
      %scan3A_5 = arith.constant 768 : i32
      %scan3A_6 = arith.addi %scan3A_4, %scan3A_5 : i32
      %scan3A_7 = arith.constant 1 : i32
      %scan3A_8 = scf.for %scan3A_79 = %scan3A_4 to %scan3A_6 step %scan3A_7 iter_args(%scan3A_80 = %scan3A) -> (i32)  : i32 {
        %mul3A_81 = arith.constant 16 : i32
        %mul3A_82 = arith.muli %scan3A_79, %mul3A_81 : i32
        %get3A = arith.index_cast %mul3A_82 : i32 to index
        %get3A_83 = tpu.vector_load %arg4[%get3A] {strides = array<i32>} : memref<24576xf32, #tpu.memory_space<vmem>>, vector<16xf32>,
        %mul3A_84 = arith.constant 16 : i32
        %mul3A_85 = arith.muli %scan3A_79, %mul3A_84 : i32
        %add3A_86 = arith.constant 12288 : i32
        %add3A_87 = arith.addi %add3A_86, %mul3A_85 : i32
        %get3A_88 = arith.index_cast %add3A_87 : i32 to index
        %get3A_89 = tpu.vector_load %arg4[%get3A_88] {strides = array<i32>} : memref<24576xf32, #tpu.memory_space<vmem>>, vector<16xf32>,
        %add3A_90 = arith.addf %get3A_83, %get3A_89 : vector<16xf32>
        %mul3A_91 = arith.constant 16 : i32
        %mul3A_92 = arith.muli %scan3A_79, %mul3A_91 : i32
        %swap3A_93 = arith.index_cast %mul3A_92 : i32 to index
        %swap3A_94 = tpu.vector_load %arg5[%swap3A_93] {strides = array<i32>} : memref<12288xf32, #tpu.memory_space<vmem>>, vector<16xf32>,
        tpu.vector_store %arg5[%swap3A_93], %add3A_90 {strides = array<i32>} : memref<12288xf32, #tpu.memory_space<vmem>>, vector<16xf32>,
        %scan3A_95 = arith.constant 0 : i32
        scf.yield %scan3A_95 : i32
      }
      %scan3A_9 = arith.constant 768 : i32
      %iota3A = tpu.iota {dimensions = array<i32: 0>} : vector<16xi32>
      %scan3A_10 = arith.constant 0x49CCCCC8 : f32
      %scan3A_11 = arith.constant 0.000000e+00 : f32
      %scan3A_12 = arith.constant -1 : i32
      %scan3A_13 = arith.constant 0 : i32
      %scan3A_14 = arith.constant 256 : i32
      %scan3A_15 = arith.addi %scan3A_13, %scan3A_14 : i32
      %scan3A_16 = arith.constant 1 : i32
      %scan3A_17:2 = scf.for %scan3A_79 = %scan3A_13 to %scan3A_15 step %scan3A_16 iter_args(%scan3A_80 = %scan3A_11, %scan3A_81 = %scan3A_12) -> (f32, i32)  : i32 {
        %sub3A_82 = arith.constant 255 : i32
        %sub3A_83 = arith.subi %sub3A_82, %scan3A_79 : i32
        %mul3A_84 = arith.constant 16 : i32
        %mul3A_85 = arith.muli %sub3A_83, %mul3A_84 : i32
        %get3A = arith.index_cast %mul3A_85 : i32 to index
        %get3A_86 = tpu.vector_load %arg5[%get3A] {strides = array<i32>} : memref<12288xf32, #tpu.memory_space<vmem>>, vector<16xf32>,
        %rev3A = arith.constant 15 : i32
        %rev3A_87 = vector.broadcast %rev3A : i32 to vector<16xi32>
        %rev3A_88 = tpu.iota {dimensions = array<i32: 0>} : vector<16xi32>
        %rev3A_89 = arith.subi %rev3A_87, %rev3A_88 : vector<16xi32>
        %rev3A_90 = tpu.dynamic_gather %get3A_86[%rev3A_89] in [0] : vector<16xf32>, vector<16xi32> -> vector<16xf32>
        %broadcast_in_dim3A_91 = arith.constant true
        %broadcast_in_dim3A_92 = vector.broadcast %broadcast_in_dim3A_91 : i1 to vector<16xi1>
        %masked_cumsum3A = tpu.scan <sum>, %rev3A_90 masked %broadcast_in_dim3A_92 : vector<16xf32>, vector<16xi1> -> vector<16xf32>
        %rev3A_93 = arith.constant 15 : i32
        %rev3A_94 = vector.broadcast %rev3A_93 : i32 to vector<16xi32>
        %rev3A_95 = tpu.iota {dimensions = array<i32: 0>} : vector<16xi32>
        %rev3A_96 = arith.subi %rev3A_94, %rev3A_95 : vector<16xi32>
        %rev3A_97 = tpu.dynamic_gather %masked_cumsum3A[%rev3A_96] in [0] : vector<16xf32>, vector<16xi32> -> vector<16xf32>
        %add3A_98 = vector.broadcast %scan3A_80 : f32 to vector<16xf32>
        %add3A_99 = arith.addf %rev3A_97, %add3A_98 : vector<16xf32>
        %ge3A = vector.broadcast %scan3A_10 : f32 to vector<16xf32>
        %ge3A_100 = arith.cmpf oge, %add3A_99, %ge3A : vector<16xf32>
        %lt3A = arith.cmpf olt, %scan3A_80, %scan3A_10 : f32
        %and3A_101 = vector.broadcast %lt3A : i1 to vector<16xi1>
        %and3A_102 = arith.andi %ge3A_100, %and3A_101 : vector<16xi1>
        %mul3A_103 = arith.constant 16 : i32
        %mul3A_104 = arith.muli %sub3A_83, %mul3A_103 : i32
        %add3A_105 = vector.broadcast %mul3A_104 : i32 to vector<16xi32>
        %add3A_106 = arith.addi %iota3A, %add3A_105 : vector<16xi32>
        %jit3A = arith.constant -1 : i32
        %broadcast_in_dim3A_107 = vector.broadcast %jit3A : i32 to vector<16xi32>
        %select_n3A = arith.select %and3A_102, %add3A_106, %broadcast_in_dim3A_107 : vector<16xi1>, vector<16xi32>
        %reduce_max3A = arith.constant true
        %reduce_max3A_108 = vector.broadcast %reduce_max3A : i1 to vector<16xi1>
        %reduce_max3A_109 = arith.constant -2147483648 : i32
        %reduce_max3A_110 = vector.broadcast %reduce_max3A_109 : i32 to vector<16xi32>
        %reduce_max3A_111 = arith.xori %select_n3A, %reduce_max3A_110 : vector<16xi32>
        %reduce_max3A_112 = tpu.scan <max>, %reduce_max3A_111 masked %reduce_max3A_108 : vector<16xi32>, vector<16xi1> -> vector<16xi32>
        %reduce_max3A_113 = arith.xori %reduce_max3A_112, %reduce_max3A_110 : vector<16xi32>
        %reduce_max3A_114 = vector.extract %reduce_max3A_113[15] : i32 from vector<16xi32>
        %max3A = arith.maxsi %scan3A_81, %reduce_max3A_114 : i32
        %reduce_sum3A_115 = arith.constant true
        %reduce_sum3A_116 = vector.broadcast %reduce_sum3A_115 : i1 to vector<16xi1>
        %reduce_sum3A_117 = tpu.scan <sum>, %get3A_86 masked %reduce_sum3A_116 : vector<16xf32>, vector<16xi1> -> vector<16xf32>
        %reduce_sum3A_118 = vector.extract %reduce_sum3A_117[15] : f32 from vector<16xf32>
        %add3A_119 = arith.addf %scan3A_80, %reduce_sum3A_118 : f32
        scf.yield %add3A_119, %max3A : f32, i32
      }
      %scan3A_18 = arith.constant 256 : i32
      %broadcast_in_dim3A = arith.constant 0.000000e+00 : f32
      %broadcast_in_dim3A_19 = vector.broadcast %broadcast_in_dim3A : f32 to vector<16xf32>
      %scan3A_20 = arith.constant 0 : i32
      %scan3A_21 = arith.constant 256 : i32
      %scan3A_22 = arith.addi %scan3A_20, %scan3A_21 : i32
      %scan3A_23 = arith.constant 1 : i32
      %scan3A_24:6 = scf.for %scan3A_79 = %scan3A_20 to %scan3A_22 step %scan3A_23 iter_args(%scan3A_80 = %broadcast_in_dim3A_19, %scan3A_81 = %broadcast_in_dim3A_19, %scan3A_82 = %broadcast_in_dim3A_19, %scan3A_83 = %broadcast_in_dim3A_19, %scan3A_84 = %broadcast_in_dim3A_19, %scan3A_85 = %broadcast_in_dim3A_19) -> (vector<16xf32>, vector<16xf32>, vector<16xf32>, vector<16xf32>, vector<16xf32>, vector<16xf32>)  : i32 {
        %mul3A_86 = arith.constant 16 : i32
        %mul3A_87 = arith.muli %scan3A_79, %mul3A_86 : i32
        %add3A_88 = vector.broadcast %mul3A_87 : i32 to vector<16xi32>
        %add3A_89 = arith.addi %iota3A, %add3A_88 : vector<16xi32>
        %mul3A_90 = arith.constant 16 : i32
        %mul3A_91 = arith.muli %scan3A_79, %mul3A_90 : i32
        %get3A = arith.index_cast %mul3A_91 : i32 to index
        %get3A_92 = tpu.vector_load %arg5[%get3A] {strides = array<i32>} : memref<12288xf32, #tpu.memory_space<vmem>>, vector<16xf32>,
        %mul3A_93 = arith.constant 16 : i32
        %mul3A_94 = arith.muli %scan3A_79, %mul3A_93 : i32
        %add3A_95 = arith.constant 4096 : i32
        %add3A_96 = arith.addi %add3A_95, %mul3A_94 : i32
        %get3A_97 = arith.index_cast %add3A_96 : i32 to index
        %get3A_98 = tpu.vector_load %arg5[%get3A_97] {strides = array<i32>} : memref<12288xf32, #tpu.memory_space<vmem>>, vector<16xf32>,
        %mul3A_99 = arith.constant 16 : i32
        %mul3A_100 = arith.muli %scan3A_79, %mul3A_99 : i32
        %add3A_101 = arith.constant 8192 : i32
        %add3A_102 = arith.addi %add3A_101, %mul3A_100 : i32
        %get3A_103 = arith.index_cast %add3A_102 : i32 to index
        %get3A_104 = tpu.vector_load %arg5[%get3A_103] {strides = array<i32>} : memref<12288xf32, #tpu.memory_space<vmem>>, vector<16xf32>,
        %gt3A = vector.broadcast %scan3A_17#1 : i32 to vector<16xi32>
        %gt3A_105 = arith.cmpi sgt, %add3A_89, %gt3A : vector<16xi32>
        %eq3A_106 = vector.broadcast %scan3A_17#1 : i32 to vector<16xi32>
        %eq3A_107 = arith.cmpi eq, %add3A_89, %eq3A_106 : vector<16xi32>
        %jit3A = arith.constant 0.000000e+00 : f32
        %broadcast_in_dim3A_108 = vector.broadcast %jit3A : f32 to vector<16xf32>
        %select_n3A = arith.select %gt3A_105, %get3A_92, %broadcast_in_dim3A_108 : vector<16xi1>, vector<16xf32>
        %add3A_109 = arith.addf %scan3A_80, %select_n3A : vector<16xf32>
        %jit3A_110 = arith.constant 0.000000e+00 : f32
        %broadcast_in_dim3A_111 = vector.broadcast %jit3A_110 : f32 to vector<16xf32>
        %select_n3A_112 = arith.select %eq3A_107, %get3A_92, %broadcast_in_dim3A_111 : vector<16xi1>, vector<16xf32>
        %add3A_113 = arith.addf %scan3A_81, %select_n3A_112 : vector<16xf32>
        %jit3A_114 = arith.constant 0.000000e+00 : f32
        %broadcast_in_dim3A_115 = vector.broadcast %jit3A_114 : f32 to vector<16xf32>
        %select_n3A_116 = arith.select %gt3A_105, %get3A_98, %broadcast_in_dim3A_115 : vector<16xi1>, vector<16xf32>
        %add3A_117 = arith.addf %scan3A_82, %select_n3A_116 : vector<16xf32>
        %jit3A_118 = arith.constant 0.000000e+00 : f32
        %broadcast_in_dim3A_119 = vector.broadcast %jit3A_118 : f32 to vector<16xf32>
        %select_n3A_120 = arith.select %eq3A_107, %get3A_98, %broadcast_in_dim3A_119 : vector<16xi1>, vector<16xf32>
        %add3A_121 = arith.addf %scan3A_83, %select_n3A_120 : vector<16xf32>
        %jit3A_122 = arith.constant 0.000000e+00 : f32
        %broadcast_in_dim3A_123 = vector.broadcast %jit3A_122 : f32 to vector<16xf32>
        %select_n3A_124 = arith.select %gt3A_105, %get3A_104, %broadcast_in_dim3A_123 : vector<16xi1>, vector<16xf32>
        %add3A_125 = arith.addf %scan3A_84, %select_n3A_124 : vector<16xf32>
        %jit3A_126 = arith.constant 0.000000e+00 : f32
        %broadcast_in_dim3A_127 = vector.broadcast %jit3A_126 : f32 to vector<16xf32>
        %select_n3A_128 = arith.select %eq3A_107, %get3A_104, %broadcast_in_dim3A_127 : vector<16xi1>, vector<16xf32>
        %add3A_129 = arith.addf %scan3A_85, %select_n3A_128 : vector<16xf32>
        scf.yield %add3A_109, %add3A_113, %add3A_117, %add3A_121, %add3A_125, %add3A_129 : vector<16xf32>, vector<16xf32>, vector<16xf32>, vector<16xf32>, vector<16xf32>, vector<16xf32>
      }
      %scan3A_25 = arith.constant 256 : i32
      %reduce_sum3A = arith.constant true
      %reduce_sum3A_26 = vector.broadcast %reduce_sum3A : i1 to vector<16xi1>
      %reduce_sum3A_27 = tpu.scan <sum>, %scan3A_24#0 masked %reduce_sum3A_26 : vector<16xf32>, vector<16xi1> -> vector<16xf32>
      %reduce_sum3A_28 = vector.extract %reduce_sum3A_27[15] : f32 from vector<16xf32>
      %add3A = vector.broadcast %reduce_sum3A_28 : f32 to vector<16xf32>
      %add3A_29 = arith.addf %broadcast_in_dim3A_19, %add3A : vector<16xf32>
      %reduce_sum3A_30 = arith.constant true
      %reduce_sum3A_31 = vector.broadcast %reduce_sum3A_30 : i1 to vector<16xi1>
      %reduce_sum3A_32 = tpu.scan <sum>, %scan3A_24#1 masked %reduce_sum3A_31 : vector<16xf32>, vector<16xi1> -> vector<16xf32>
      %reduce_sum3A_33 = vector.extract %reduce_sum3A_32[15] : f32 from vector<16xf32>
      %add3A_34 = vector.broadcast %reduce_sum3A_33 : f32 to vector<16xf32>
      %add3A_35 = arith.addf %broadcast_in_dim3A_19, %add3A_34 : vector<16xf32>
      %sub3A = arith.constant 0x49CCCCC8 : f32
      %sub3A_36 = vector.broadcast %sub3A : f32 to vector<16xf32>
      %sub3A_37 = arith.subf %sub3A_36, %add3A_29 : vector<16xf32>
      %div3A = arith.divf %sub3A_37, %add3A_35 : vector<16xf32>
      %reduce_sum3A_38 = arith.constant true
      %reduce_sum3A_39 = vector.broadcast %reduce_sum3A_38 : i1 to vector<16xi1>
      %reduce_sum3A_40 = tpu.scan <sum>, %scan3A_24#2 masked %reduce_sum3A_39 : vector<16xf32>, vector<16xi1> -> vector<16xf32>
      %reduce_sum3A_41 = vector.extract %reduce_sum3A_40[15] : f32 from vector<16xf32>
      %add3A_42 = vector.broadcast %reduce_sum3A_41 : f32 to vector<16xf32>
      %add3A_43 = arith.addf %broadcast_in_dim3A_19, %add3A_42 : vector<16xf32>
      %reduce_sum3A_44 = arith.constant true
      %reduce_sum3A_45 = vector.broadcast %reduce_sum3A_44 : i1 to vector<16xi1>
      %reduce_sum3A_46 = tpu.scan <sum>, %scan3A_24#3 masked %reduce_sum3A_45 : vector<16xf32>, vector<16xi1> -> vector<16xf32>
      %reduce_sum3A_47 = vector.extract %reduce_sum3A_46[15] : f32 from vector<16xf32>
      %add3A_48 = vector.broadcast %reduce_sum3A_47 : f32 to vector<16xf32>
      %add3A_49 = arith.addf %broadcast_in_dim3A_19, %add3A_48 : vector<16xf32>
      %mul3A = arith.mulf %div3A, %add3A_49 : vector<16xf32>
      %add3A_50 = arith.addf %add3A_43, %mul3A : vector<16xf32>
      %reduce_sum3A_51 = arith.constant true
      %reduce_sum3A_52 = vector.broadcast %reduce_sum3A_51 : i1 to vector<16xi1>
      %reduce_sum3A_53 = tpu.scan <sum>, %scan3A_24#4 masked %reduce_sum3A_52 : vector<16xf32>, vector<16xi1> -> vector<16xf32>
      %reduce_sum3A_54 = vector.extract %reduce_sum3A_53[15] : f32 from vector<16xf32>
      %add3A_55 = vector.broadcast %reduce_sum3A_54 : f32 to vector<16xf32>
      %add3A_56 = arith.addf %broadcast_in_dim3A_19, %add3A_55 : vector<16xf32>
      %reduce_sum3A_57 = arith.constant true
      %reduce_sum3A_58 = vector.broadcast %reduce_sum3A_57 : i1 to vector<16xi1>
      %reduce_sum3A_59 = tpu.scan <sum>, %scan3A_24#5 masked %reduce_sum3A_58 : vector<16xf32>, vector<16xi1> -> vector<16xf32>
      %reduce_sum3A_60 = vector.extract %reduce_sum3A_59[15] : f32 from vector<16xf32>
      %add3A_61 = vector.broadcast %reduce_sum3A_60 : f32 to vector<16xf32>
      %add3A_62 = arith.addf %broadcast_in_dim3A_19, %add3A_61 : vector<16xf32>
      %mul3A_63 = arith.mulf %div3A, %add3A_62 : vector<16xf32>
      %add3A_64 = arith.addf %add3A_56, %mul3A_63 : vector<16xf32>
      %mul3A_65 = arith.constant 2.000000e+00 : f32
      %mul3A_66 = vector.broadcast %mul3A_65 : f32 to vector<16xf32>
      %mul3A_67 = arith.mulf %mul3A_66, %add3A_50 : vector<16xf32>
      %add3A_68 = arith.constant 1.000000e+00 : f32
      %add3A_69 = vector.broadcast %add3A_68 : f32 to vector<16xf32>
      %add3A_70 = arith.addf %mul3A_67, %add3A_69 : vector<16xf32>
      %add3A_71 = arith.constant 1.000000e+00 : f32
      %add3A_72 = vector.broadcast %add3A_71 : f32 to vector<16xf32>
      %add3A_73 = arith.addf %add3A_64, %add3A_72 : vector<16xf32>
      %div3A_74 = arith.divf %add3A_70, %add3A_73 : vector<16xf32>
      %sub3A_75 = arith.constant 1.000000e+00 : f32
      %sub3A_76 = vector.broadcast %sub3A_75 : f32 to vector<16xf32>
      %sub3A_77 = arith.subf %sub3A_76, %div3A_74 : vector<16xf32>
      %swap3A = arith.constant 0 : index
      %swap3A_78 = tpu.vector_load %arg6[%swap3A] {strides = array<i32>} : memref<16xf32, #tpu.memory_space<vmem>>, vector<16xf32>,
      tpu.vector_store %arg6[%swap3A], %sub3A_77 {strides = array<i32>} : memref<16xf32, #tpu.memory_space<vmem>>, vector<16xf32>,
      "tpu.region"() ({
        %run_scoped3A = tpu.sem_alloc : memref<!tpu.dma_semaphore, #tpu.memory_space<semaphore_mem>>
        tpu.enqueue_dma source(%arg6 : memref<16xf32, #tpu.memory_space<vmem>>) target(%arg3 : memref<16xf32, #tpu.memory_space<hbm>>) target_semaphore(%run_scoped3A : memref<!tpu.dma_semaphore, #tpu.memory_space<semaphore_mem>>)
        tpu.wait_dma2 semaphore(%run_scoped3A : memref<!tpu.dma_semaphore, #tpu.memory_space<semaphore_mem>>) src(%arg6 : memref<16xf32, #tpu.memory_space<vmem>>) dst(%arg3 : memref<16xf32, #tpu.memory_space<hbm>>)
        tpu.yield
      }) : () -> ()
    } else {
    }
    return
  }
}

</mosaic_0001>

<sc_bundles>
// kernel: kernel.4.cloned.1.call-start
scs
__scs_entry_jumppad:
0x0: {  	(pc) =	sbr.rel $0x88, $3  }
0x1: {  	(tag) =	ssettag $0x0;
	lr =	simm.s32 $0x1  }
0x2: {  	[smem:$0x3F9E] =	sst lr;
	_ =	strace $0xD0000000  }
0x3: {  	_ = 	snop  }
0x4: {  	_ = 	snop  }
0x5: {  	_ = 	snop  }
0x6: {  	_ = 	snop  }
0x7: {  	_ = 	snop  }
__scs_overlays_trampoline_lowered:
0x8: {  	[smem:$0x3FAD] =	sst s0  }
0x9: {  	[smem:$0x3FAE] =	sst s1  }
0xa: {  	[smem:$0x3FAF] =	sst s2  }
0xb: {  	[smem:$0x3FB0] =	sst s3  }
0xc: {  	[smem:$0x3FB1] =	sst s4  }
0xd: {  	[smem:$0x3FB2] =	sst s5  }
0xe: {  	[smem:$0x3FB3] =	sst s6  }
0xf: {  	[smem:$0x3FB4] =	sst s7  }
0x10: {  	[smem:$0x3FB5] =	sst s8  }
0x11: {  	[smem:$0x3FB6] =	sst s9;
	s0 =	simm.s32 @!p0 $0x0  }
0x12: {  	s1 =	sld [smem:$0x3F9C];
	s0 =	simm.s32 @p0 $0x1  }
0x13: {  	[smem:$0x3FB7] =	sst s0;
	s0 =	simm.s32 @!p1 $0x0  }
0x14: {  	s2 =	sld [smem:$0x3F9B];
	s0 =	simm.s32 @p1 $0x1  }
0x15: {  	[smem:$0x3FB8] =	sst s0;
	s0 =	simm.s32 @!p2 $0x0  }
0x16: {  	s3 =	sld [smem:$0x3FDB];
	s0 =	simm.s32 @p2 $0x1  }
0x17: {  	s4 =	simm.s32 $0x1BF5;
	[smem:$0x3FBA] =	sst s0  }
0x18: {  	s0 =	sld [smem:$0x3F9D];
	_ =	swait.ge [sflag:s4], $0x0  }
0x19: {  	s7 =	sld [smem:$0x3F9E]  }
0x1a: {  	s8 =	sadd.s32 $0xFFFFE003, lr  }
0x1b: {  	s9 =	sadd.s32 $0xFFFFFEF7, lr;
	s5 =	simm.s32 $0xFFFFFFFF;
	p2 =	slt.u32 s8, $0xFFFFF086  }
0x1c: {  	p1 =	slt.u32 s9, $0xF7A;
	s5 =	simm.s32 @!p2 $0x0  }
0x1d: {  	s5 =	simm.s32 @p1 $0x1;
	p0 =	seq.s32 s7, s2  }
0x1e: {  	s7 =	smul.u32 @!p0 $0xF7A, s2;
	p2 =	seq.s32 @!p0 s5, $0x0  }
0x1f: {  	s9 =	smul.u32 $0xF7A, s1;
	s8 =	simm.s32 @!p0 $0x1BF5;
	p2 =	por !p2, p0  }
0x20: {  	[sflag:s8] =	ssyncset.s32 @!p0 $0xFFFFF086;
	s6 =	sadd.s32 @!p0 s3, s7;
	s7 =	simm.s32 @!p0 $0x108  }
0x21: {  	s3 =	sadd.s32 s3, s9;
	s6 =	sadd.s32 @!p0 $0x88, s6;
	s7 =	simm.s32 @p2 $0x1082  }
0x22: {  	[simem:s7], [sflag:s8] =	dma.local @!p0 [hbm:s6], $0xF7A  }
0x23: {  	s9 =	sor.u32 $0xD0000000, s2;
	s6 =	simm.s32 $0x108;
	_ =	swait.ge @!p0 [sflag:s8], $0x0  }
0x24: {  	s3 =	sadd.s32 $0x88, s3;
	s6 =	simm.s32 @!p1 $0x1082;
	[sflag:s4] =	ssyncset.s32 $0xFFFFF086  }
0x25: {  	[simem:s6], [sflag:s4] =	dma.local [hbm:s3], $0xF7A  }
0x26: {  	[smem:$0x3F9E] =	sst s1;
	(tag) =	ssettag s2;
	_ =	strace s9  }
0x27: {  	s1 =	sld [smem:$0x3FAE]  }
0x28: {  	s2 =	sld [smem:$0x3FAF]  }
0x29: {  	s4 =	sld [smem:$0x3FB1]  }
0x2a: {  	p0 =	seq.s32 s5, $0x0;
	s5 =	sld [smem:$0x3FB2]  }
0x2b: {  	s6 =	sld [smem:$0x3FB3]  }
0x2c: {  	s7 =	sld [smem:$0x3FB4]  }
0x2d: {  	s3 =	simm.s32 $0x108;
	s8 =	sld [smem:$0x3FB5]  }
0x2e: {  	s3 =	simm.s32 @!p0 $0x1082;
	s9 =	sld [smem:$0x3FB6]  }
0x2f: {  	lr =	sadd.s32 s0, s3;
	s0 =	sld [smem:$0x3FAD]  }
0x30: {  	s3 =	sld [smem:$0x3FB0]  }
0x31: {  	[smem:$0x3FB9] =	sst s10  }
0x32: {  	s10 =	sld [smem:$0x3FB7];
	_ =	sdelay $0x3  }
0x33: {  	p0 =	seq.s32 s10, $0x1;
	s10 =	sld [smem:$0x3FB9];
	_ =	sdelay $0x3  }
0x34: {  	[smem:$0x3FB9] =	sst s10  }
0x35: {  	s10 =	sld [smem:$0x3FB8];
	_ =	sdelay $0x3  }
0x36: {  	p1 =	seq.s32 s10, $0x1;
	s10 =	sld [smem:$0x3FB9];
	_ =	sdelay $0x3  }
0x37: {  	[smem:$0x3FB9] =	sst s10  }
0x38: {  	s10 =	sld [smem:$0x3FBA]  }
0x39: {  	_ = 	snop;
	(pc) =	sbr.ind lr, $3  }
0x3a: {  	_ = 	snop  }
0x3b: {  	_ = 	snop  }
0x3c: {  	p2 =	seq.s32 s10, $0x1;
	s10 =	sld [smem:$0x3FB9]  }
0x3d: {  	_ =	shalt  }
0x3e: {  	_ =	shalt  }
0x3f: {  	_ =	shalt  }
0x40: {  	_ =	shalt  }
0x41: {  	_ =	shalt  }
0x42: {  	_ =	shalt  }
0x43: {  	_ =	shalt  }
0x44: {  	_ =	shalt  }
0x45: {  	_ =	shalt  }
0x46: {  	_ =	shalt  }
0x47: {  	_ =	shalt  }
0x48: {  	_ =	shalt  }
0x49: {  	_ =	shalt  }
0x4a: {  	_ =	shalt  }
0x4b: {  	_ =	shalt  }
0x4c: {  	_ =	shalt  }
0x4d: {  	_ =	shalt  }
0x4e: {  	_ =	shalt  }
0x4f: {  	_ =	shalt  }
0x50: {  	_ =	shalt  }
0x51: {  	_ =	shalt  }
0x52: {  	_ =	shalt  }
0x53: {  	_ =	shalt  }
0x54: {  	_ =	shalt  }
0x55: {  	_ =	shalt  }
0x56: {  	_ =	shalt  }
0x57: {  	_ =	shalt  }
0x58: {  	_ =	shalt  }
0x59: {  	_ =	shalt  }
0x5a: {  	_ =	shalt  }
0x5b: {  	_ =	shalt  }
0x5c: {  	_ =	shalt  }
0x5d: {  	_ =	shalt  }
0x5e: {  	_ =	shalt  }
0x5f: {  	_ =	shalt  }
0x60: {  	_ =	shalt  }
0x61: {  	_ =	shalt  }
0x62: {  	_ =	shalt  }
0x63: {  	_ =	shalt  }
0x64: {  	_ =	shalt  }
0x65: {  	_ =	shalt  }
0x66: {  	_ =	shalt  }
0x67: {  	_ =	shalt  }
0x68: {  	_ =	shalt  }
0x69: {  	_ =	shalt  }
0x6a: {  	_ =	shalt  }
0x6b: {  	_ =	shalt  }
0x6c: {  	_ =	shalt  }
0x6d: {  	_ =	shalt  }
0x6e: {  	_ =	shalt  }
0x6f: {  	_ =	shalt  }
0x70: {  	_ =	shalt  }
0x71: {  	_ =	shalt  }
0x72: {  	_ =	shalt  }
0x73: {  	_ =	shalt  }
0x74: {  	_ =	shalt  }
0x75: {  	_ =	shalt  }
0x76: {  	_ =	shalt  }
0x77: {  	_ =	shalt  }
0x78: {  	_ =	shalt  }
0x79: {  	_ =	shalt  }
0x7a: {  	_ =	shalt  }
0x7b: {  	_ =	shalt  }
0x7c: {  	_ =	shalt  }
0x7d: {  	_ =	shalt  }
0x7e: {  	_ =	shalt  }
0x7f: {  	_ =	shalt  }
0x80: {  	_ =	shalt  }
0x81: {  	_ =	shalt  }
0x82: {  	_ =	shalt  }
0x83: {  	_ =	shalt  }
0x84: {  	_ =	shalt  }
0x85: {  	_ =	shalt  }
0x86: {  	_ =	shalt  }
0x87: {  	_ =	shalt  }
.Lfunc_end0:
.L_simem_size_0:
called_computation_lowered:
.L_overlay_start_0:
0x88: {  	s2 =	sld [smem:$0x3FD9]  }
0x89: {  	s3 =	sld [smem:$0x3FFE];
	_ =	sdelay $0x1  }
0x8a: {  	s1 =	srdreg.scid  }
0x8b: {  	s0 =	sand.u32 $0x1, s1  }
0x8c: {  	s17 =	sshll.u32 s0, $0xA;
	s2 =	sadd.s32 s3, s2  }
0x8d: {  	s2 =	sadd.s32 s2, s17  }
0x8e: {  	[smem:$0x3FC5] =	sst s2  }
0x8f: {  	_ = 	snop  }
0x90: {  	s2 =	sld [smem:$0x3FC9]  }
0x91: {  	s18 =	sld [smem:$0x3FC8]  }
0x92: {  	s4 =	sld [smem:$0x3FC7];
	(tm) =	ssettm $0x1  }
0x93: {  	s5 =	sld [smem:$0x3FFB];
	_ =	sdelay $0x3  }
0x94: {  	_ =	strace s5  }
0x95: {  	s5 =	sld [smem:$0x3FFC];
	_ =	sdelay $0x3  }
0x96: {  	_ =	strace s5  }
0x97: {  	s5 =	sld [smem:$0x3FFD];
	_ =	sdelay $0x3  }
0x98: {  	_ =	strace s5  }
0x99: {  	_ =	strace $0x8FFFFFFF  }
0x9a: {  	s19 =	sld [smem:$0x3FDB];
	_ =	sdelay $0x1  }
0x9b: {  	s6 =	simm.s32 $_scs_section_size  }
0x9c: {  	s7 =	simm.s32 $_size__tile_overlayer_lowered;
	s8 =	simm.s32 $_tile_overlayer_lowered  }
0x9d: {  	s22 =	simm.s32 $0x1BFF;
	s21 =	sshll.u32 s8, $0x1;
	s5 =	sadd.s32 s6, s19  }
0x9e: {  	s9 =	simm.s32 $0x0;
	s20 =	sshll.u32 s7, $0x1;
	s7 =	sadd.s32 s21, s5  }
0x9f: {  	[timem:s9], [sflag:s22] =	dma.local [hbm:s7], s20  }
0xa0: {  	_ =	swait.ge [sflag:s22], s20  }
0xa1: {  	s6 =	ssub.s32 $0x0, s20;
	[sflag:s22] =	ssyncset.done $0x0  }
0xa2: {  	[sflag:s22] =	ssyncadd.s32 s6;
	_ =	sdelay $0x1  }
0xa3: {  	s23 =	simm.s32 $0x1B8B  }
0xa4: {  	_ =	swait.ge [sflag:s23], $0x1  }
0xa5: {  	[sflag:s23] =	ssyncset.done $0x0  }
0xa6: {  	s25 =	simm.s32 $0x1B8E;
	s24 =	sld [smem:$0x3FFE];
	[sflag:s23] =	ssyncadd.s32 $0xFFFFFFFF  }
0xa7: {  	s26 =	simm.s32 $execute0_lowered;
	[smem:$0x3FD2] =	sst s25  }
0xa8: {  	s7 =	sshll.u32 s26, $0x1;
	_ =	strace $0x80000046;
	[dreg:$0x1] =	wrdreg $0xFFFFFFFF  }
0xa9: {  	s28 =	simm.s32 $_size_execute0_lowered;
	s5 =	sadd.s32 s5, s7;
	[dreg:$0x0] =	wrdreg $0x0  }
0xaa: {  	s7 =	sshll.u32 s28, $0x1;
	[dreg:$0x2] =	wrdreg s5  }
0xab: {  	[dreg:$0x3] =	wrdreg s7  }
0xac: {  	[dreg:$0x4] =	wrdreg $0xC0  }
0xad: {  	_ =	task [dreg:s9], $0x5FFFF  }
0xae: {  	[dreg:$0x1] =	wrdreg $0xFFFFFFFF  }
0xaf: {  	[dreg:$0x0] =	wrdreg $0x60  }
0xb0: {  	[dreg:$0x2] =	wrdreg s4  }
0xb1: {  	[dreg:$0x3] =	wrdreg s2  }
0xb2: {  	[dreg:$0x4] =	wrdreg s18  }
0xb3: {  	[dreg:$0x5] =	wrdreg s24  }
0xb4: {  	[dreg:$0x6] =	wrdreg $0xF0000  }
0xb5: {  	[dreg:$0x7] =	wrdreg $0x9  }
0xb6: {  	_ =	task.clear_ibuf [dreg:s9], $0x8FFFF;
	_ =	strace $0x90000046  }
0xb7: {  	s29 =	simm.s32 $0x9;
	_ =	strace $0x80000048  }
0xb8: {  	_ =	swait.ge [sflag:s29], $0x1  }
0xb9: {  	[sflag:s29] =	ssyncadd.s32 $0xFFFFFFFF  }
0xba: {  	_ =	strace $0x90000048  }
0xbb: {  	_ =	sfence  }
0xbc: {  	s30 =	sld [smem:$0x0];
	_ =	sdelay $0x2  }
0xbd: {  	s31 =	sshll.u32 s1, $0xD;
	s1 =	sshrl.u32 s1, $0x2  }
0xbe: {  	s3 =	sand.u32 $0x4000, s31;
	s1 =	sadd.s32 s1, s30  }
0xbf: {  	s0 =	sor.u32 s3, s0;
	s1 =	sshll.u32 s1, $0x11  }
0xc0: {  	s0 =	sor.u32 s1, s0  }
0xc1: {  	s0 =	sadd.s32 $0x8F2B, s0  }
0xc2: {  	[sflag:s0] =	ssyncadd.remote.s32 $0x1  }
0xc3: {  	_ =	sfence.sel $0xFFFF  }
0xc4: {  	[dreg:$0x0] =	wrdreg $0xFFFFFFFF;
	(pc) =	sbr.abs _section_cstart, $3  }
0xc5: {  	[dreg:$0x1] =	wrdreg $0xFFFFFFFF  }
0xc6: {  	_ =	task.clear_ibuf [dreg:s9], $0x2FFFF;
	_ =	strace $0x9FFFFFFF  }
0xc7: {  	(tm) =	ssettm $0x7FFFFFFF  }
tec
execute0_lowered:
.L_overlay_start_1:
0x0: {  	(tag) =	ssettag $0x1  }
0x1: {  	s0 =	rddreg [dreg:$0x0]  }
0x2: {  	s2 =	rddreg [dreg:$0x1]  }
0x3: {  	s1 =	srdreg.scid;
	s3 =	rddreg [dreg:$0x2]  }
0x4: {  	s13 =	stileid.u32;
	s7 =	rddreg [dreg:$0x3]  }
0x5: {  	s5 =	rddreg [dreg:$0x4];
	s8 =	simm.s32 $0x1;
	s28 =	simm.s32 $0xD000  }
0x6: {  	s29 =	simm.s32 $0xE000;
	s30 =	simm.s32 $0x2;
	s31 =	simm.s32 $0x3  }
0x7: {  	s1 =	sand.u32 $0x1, s1;
	s6 =	sand.u32 $0x1, s13;
	s17 =	sshll.u32 s13, $0x11  }
0x8: {  	s10 =	sadd.s32 $0x800, s7;
	s12 =	smul.u32 $0xC000, s13;
	s4 =	sshll.u32 s1, $0x4  }
0x9: {  	s7 =	simm.s32 $0x1;
	p1 =	seq.s32 s6, $0x1;
	s4 =	sor.u32 s13, s4  }
0xa: {  	s6 =	simm.s32 $0x0;
	s9 =	ssub.s32 $0x2, s1;
	p0 =	seq.s32 s4, $0x0  }
0xb: {  	s1 =	smul.u32 $0x3000, s1;
	[smem:$0x7FF] =	sst s6;
	p0 =	por !p0, !p1  }
0xc: {  	s18 =	sshrl.u32 s9, $0x1;
	s21 =	sshrl.u32 s12, $0x2;
	p0 =	por !p0, !p0  }
0xd: {  	s4 =	sshrl.u32 s4, $0x1;
	s9 =	ssub.s32 s9, s18;
	s8 =	simm.s32 @!p0 $0x0  }
0xe: {  	_ =	strace $0x80000047;
	s26 =	smax.u32 s9, $0x1;
	s4 =	ssub.s32 s4, s8  }
0xf: {  	[dreg:$0xe] =	wrdreg s26;
	s8 =	sand.u32 $0x20000, s17;
	s4 =	sshll.u32 s4, $0x12  }
0x10: {  	s26 =	simm.s32 $0xC000;
	s4 =	sor.u32 s8, s4;
	s8 =	sshll.u32 s13, $0x8  }
0x11: {  	s13 =	sadd.s32 s21, s5;
	s21 =	simm.s32 $0x12200;
	s11 =	sshrl.u32 s4, $0x3  }
0x12: {  	s12 =	sor.u32 $0x4000, s4;
	s22 =	sadd.s32 $0x1000, s13;
	s23 =	sadd.s32 $0x2000, s13  }
0x13: {  	s1 =	sor.u32 s8, s1;
	s19 =	sadd.s32 s0, s11;
	[dreg:$0x9] =	wrdreg s22  }
0x14: {  	s20 =	sadd.s32 s2, s11;
	s11 =	sadd.s32 s3, s11;
	[dreg:$0xa] =	wrdreg s23  }
0x15: {  	s24 =	sshrl.u32 s1, $0x3;
	s14 =	sadd.s32 $0x1000, s1;
	[dreg:$0x6] =	wrdreg s19  }
0x16: {  	s1 =	sadd.s32 $0x2000, s1;
	s23 =	simm.s32 $0x6000;
	[dreg:$0x7] =	wrdreg s20  }
0x17: {  	s22 =	simm.s32 $0x0;
	[dreg:$0x8] =	wrdreg s11;
	s11 =	sadd.s32 s10, s24  }
0x18: {  	s25 =	sshrl.u32 s14, $0x3;
	s1 =	sshrl.u32 s1, $0x3;
	s20 =	sor.u32 $0x2000, s4  }
0x19: {  	s24 =	simm.s32 $0x8000;
	[dreg:$0xb] =	wrdreg s11;
	s11 =	sadd.s32 s10, s25  }
0x1a: {  	s4 =	simm.s32 $0x12000;
	s1 =	sadd.s32 s10, s1;
	[dreg:$0xc] =	wrdreg s11  }
0x1b: {  	v0 =	vimm.f32 $0.0e+00;
	v1 =	vimm.f32 $1.000000000e+00;
	s25 =	simm.s32 $0xA000;
	[dreg:$0xd] =	wrdreg s1;
	s1 =	simm.s32 $0x12100  }
.LBB2_1:
0x1c: {  	s9 =	simm.s32 $0x40;
	s10 =	simm.s32 $0x0  }
.LBB2_2:
0x1d: {  	p0 =	sne.s32 s9, $0x3FC0;
	[tilespmem:s10+$0xE000] =	vst v0;
	s11 =	smov.u32 s9;
	s9 =	sadd.s32 $0x40, s9  }
.Ltmp0:
0x1e: {  	[tilespmem:s10+$0xC000] =	vst v0;
	(pc) =	sbr.rel @p0 .LBB2_2-.Ltmp0, $2  }
0x1f: {  	[tilespmem:s10+$0xD000] =	vst v0;
	_ =	sdelay $0x2  }
0x20: {  	s10 =	sshra.s32 s11, $0x2  }
0x21: {  	[tilespmem:s10+$0xE000] =	vst v0  }
0x22: {  	[tilespmem:s10+$0xC000] =	vst v0  }
0x23: {  	[tilespmem:s10+$0xD000] =	vst v0;
	s9 =	simm.s32 $0x0;
	s16 =	rddreg [dreg:$0x6]  }
0x24: {  	[tilespmem:s9], [sflag:$0x1] =	stream.linear.gather [hbm4b:s16+s9], $0x2000, $0x38;
	[tilespmem:$0x12600] =	vst v63  }
0x25: {  	s17 =	rddreg [dreg:$0x7];
	s11 =	simm.s32 $0x2000  }
0x26: {  	[tilespmem:s11], [sflag:$0x1] =	stream.linear.gather [hbm4b:s17+s9], $0x2000, $0x38;
	[tilespmem:$0x12600] =	vst v63  }
0x27: {  	s18 =	rddreg [dreg:$0x8];
	s19 =	simm.s32 $0x4000;
	s10 =	simm.s32 $0x0  }
0x28: {  	[tilespmem:s19], [sflag:$0x1] =	stream.linear.gather [hbm4b:s18+s9], $0x2000, $0x38;
	[tilespmem:$0x12600] =	vst v63  }
.LBB2_4:
0x29: {  	s11 =	sshll.u32 s10, $0xE  }
0x2a: {  	s14 =	sadd.s32 s20, s11  }
0x2b: {  	s14 =	sshrl.u32 s14, $0x3  }
0x2c: {  	s15 =	sadd.s32 s0, s14  }
0x2d: {  	[tilespmem:s23], [sflag:$0x2] =	stream.linear.gather [hbm4b:s15+s9], $0x2000, $0x38;
	[tilespmem:$0x12600] =	vst v63  }
0x2e: {  	s17 =	sadd.s32 s2, s14  }
0x2f: {  	[tilespmem:s24], [sflag:$0x2] =	stream.linear.gather [hbm4b:s17+s9], $0x2000, $0x38;
	[tilespmem:$0x12600] =	vst v63  }
0x30: {  	s14 =	sadd.s32 s3, s14  }
0x31: {  	[tilespmem:s25], [sflag:$0x2] =	stream.linear.gather [hbm4b:s14+s9], $0x2000, $0x38;
	[tilespmem:$0x12600] =	vst v63  }
0x32: {  	_ =	swait.ge [sflag:s7], $0x2000  }
0x33: {  	[sflag:s7] =	ssyncset.done $0x0  }
0x34: {  	[sflag:s7] =	ssyncadd.s32 $0xFFFFE000  }
0x35: {  	_ =	swait.ge [sflag:s7], $0x2000  }
0x36: {  	[sflag:s7] =	ssyncset.done $0x0  }
0x37: {  	s18 =	simm.s32 $0x0;
	s19 =	sand.u32 $0xC00, s9;
	[sflag:s7] =	ssyncadd.s32 $0xFFFFE000  }
0x38: {  	s16 =	simm.s32 $0x0;
	s14 =	sand.u32 $0x1000, s18;
	_ =	swait.ge [sflag:s7], $0x2000  }
0x39: {  	s17 =	sand.u32 $0x380, s16;
	s14 =	sor.u32 s19, s14;
	[sflag:s7] =	ssyncset.done $0x0  }
0x3a: {  	s14 =	sor.u32 s17, s14;
	[sflag:s7] =	ssyncadd.s32 $0xFFFFE000  }
0x3b: {  	v2 =	vld [tilespmem:s14+$0x2000];
	_ =	sdelay $0x2  }
0x3c: {  	v3 =	vld [tilespmem:s14+$0x2010];
	_ =	sdelay $0x1  }
0x3d: {  	v2 =	vsub.f32 $0.0e+00, v2  }
0x3e: {  	v4 =	vld [tilespmem:s14+$0x2020]  }
0x3f: {  	v2 =	vmul.f32 $1.442695020e+00, v2  }
0x40: {  	v3 =	vsub.f32 $0.0e+00, v3  }
0x41: {  	v5 =	vld [tilespmem:s14+$0x2030];
	(erf) = vpow2.f32 v2  }
0x42: {  	v3 =	vmul.f32 $1.442695020e+00, v3  }
0x43: {  	v6 =	vld [tilespmem:s14+$0x2040];
	v4 =	vsub.f32 $0.0e+00, v4  }
0x44: {  	(erf) = vpow2.f32 v3  }
0x45: {  	v7 =	vld [tilespmem:s14+$0x4050];
	v2 =	vmul.f32 $1.442695020e+00, v4  }
0x46: {  	v8 =	vld [tilespmem:s14+$0x4040];
	v5 =	vsub.f32 $0.0e+00, v5  }
0x47: {  	v10 =	vld [tilespmem:s14+$0x0];
	(erf) = vpow2.f32 v2  }
0x48: {  	v6 =	vsub.f32 $0.0e+00, v6;
	v5 =	vmul.f32 $1.442695020e+00, v5;
	v4 =	vld [tilespmem:s14+$0x2050]  }
0x49: {  	v12 =	vld [tilespmem:s14+$0x2070]  }
0x4a: {  	v40 =	vld [tilespmem:s14+$0x10];
	(erf) = vpow2.f32 v5;
	v5 =	vmul.f32 $1.442695020e+00, v6;
	v9 =	vpop (erf)  }
0x4b: {  	v6 =	vld [tilespmem:s14+$0x2060];
	v9 =	vadd.f32 $1.000000000e+00, v9  }
0x4c: {  	v41 =	vld [tilespmem:s14+$0x4020];
	(erf) = vpow2.f32 v5  }
0x4d: {  	v15 =	vld [tilespmem:s14+$0x20];
	v4 =	vsub.f32 $0.0e+00, v4;
	v11 =	vpop (erf);
	(erf) = vrcp.f32 v9  }
0x4e: {  	v42 =	vld [tilespmem:s14+$0x4000];
	v11 =	vadd.f32 $1.000000000e+00, v11  }
0x4f: {  	v16 =	vld [tilespmem:s14+$0x60];
	v4 =	vmul.f32 $1.442695020e+00, v4  }
0x50: {  	v19 =	vld [tilespmem:s14+$0x4010];
	v14 =	vshra.s32 v10, $0x1F;
	v6 =	vsub.f32 $0.0e+00, v6;
	v13 =	vpop (erf);
	(erf) = vrcp.f32 v11  }
0x51: {  	v44 =	vld [tilespmem:s14+$0x50];
	v14 =	vor.u32 $0x80000000, v14;
	v13 =	vadd.f32 $1.000000000e+00, v13;
	(erf) = vpow2.f32 v4  }
0x52: {  	v21 =	vld [tilespmem:s14+$0x40];
	v12 =	vsub.f32 $0.0e+00, v12;
	v10 =	vxor.u32 v10, v14;
	v6 =	vmul.f32 $1.442695020e+00, v6  }
0x53: {  	v17 =	vshra.s32 v40, $0x1F;
	v10 =	vshrl.u32 v10, $0x14;
	v3 =	vld [tilespmem:s14+$0x4060];
	v43 =	vpop (erf);
	(erf) = vrcp.f32 v13  }
0x54: {  	v17 =	vor.u32 $0x80000000, v17;
	v14 =	vadd.f32 $1.000000000e+00, v43;
	(erf) = vpow2.f32 v6;
	v6 =	vld [tilespmem:s14+$0x30]  }
0x55: {  	v45 =	vshra.s32 v15, $0x1F;
	v2 =	vld [tilespmem:s14+$0x4070];
	v9 =	vxor.u32 v40, v17;
	v18 =	vpop (erf)  }
0x56: {  	v12 =	vmul.f32 $1.442695020e+00, v12;
	v5 =	vld [tilespmem:s14+$0x4030];
	v9 =	vshrl.u32 v9, $0x14;
	(erf) = vrcp.f32 v14;
	v20 =	vpop (erf)  }
0x57: {  	v17 =	vor.u32 $0x80000000, v45;
	v4 =	vld [tilespmem:s14+$0x70];
	v18 =	vadd.f32 $1.000000000e+00, v18;
	v22 =	vmul.f32 v42, v20  }
0x58: {  	v15 =	vxor.u32 v15, v17;
	[tilespmem:v10+s26+$0x0] =	vst.idx.add.f32.msk $0xffff, v1;
	(erf) = vpow2.f32 v12;
	v13 =	vadd.f32 v42, v20  }
0x59: {  	v15 =	vshrl.u32 v15, $0x14;
	v48 =	vshra.s32 v6, $0x1F;
	v46 =	vpop (erf);
	(erf) = vrcp.f32 v18;
	[tilespmem:v10+s28+$0x0] =	vst.idx.add.f32.msk $0xffff, v22  }
0x5a: {  	v18 =	vor.u32 $0x80000000, v48;
	v47 =	vpop (erf);
	v49 =	vmul.f32 v19, v46;
	[tilespmem:v10+s29+$0x0] =	vst.idx.add.f32.msk $0xffff, v13  }
0x5b: {  	v6 =	vxor.u32 v6, v18;
	v12 =	vadd.f32 v19, v46;
	v17 =	vadd.f32 $1.000000000e+00, v47;
	[tilespmem:v9+s26+$0x0] =	vst.idx.add.f32.msk $0xffff, v1  }
0x5c: {  	v51 =	vshra.s32 v21, $0x1F;
	v50 =	vpop (erf);
	v6 =	vshrl.u32 v6, $0x14;
	[tilespmem:v9+s28+$0x0] =	vst.idx.add.f32.msk $0xffff, v49  }
0x5d: {  	v53 =	vmul.f32 v41, v50;
	(erf) = vrcp.f32 v17;
	v17 =	vor.u32 $0x80000000, v51;
	[tilespmem:v9+s29+$0x0] =	vst.idx.add.f32.msk $0xffff, v12  }
0x5e: {  	v52 =	vpop (erf);
	v11 =	vadd.f32 v41, v50;
	v54 =	vxor.u32 v21, v17;
	[tilespmem:v15+s26+$0x0] =	vst.idx.add.f32.msk $0xffff, v1  }
0x5f: {  	v10 =	vadd.f32 $1.000000000e+00, v52;
	v56 =	vpop (erf);
	v12 =	vshrl.u32 v54, $0x14;
	[tilespmem:v15+s28+$0x0] =	vst.idx.add.f32.msk $0xffff, v53  }
0x60: {  	v55 =	vshra.s32 v44, $0x1F;
	v58 =	vmul.f32 v5, v56;
	[tilespmem:v15+s29+$0x0] =	vst.idx.add.f32.msk $0xffff, v11  }
0x61: {  	v57 =	vor.u32 $0x80000000, v55;
	(erf) = vrcp.f32 v10;
	v5 =	vadd.f32 v5, v56;
	v59 =	vpop (erf);
	[tilespmem:v6+s26+$0x0] =	vst.idx.add.f32.msk $0xffff, v1  }
0x62: {  	v9 =	vxor.u32 v44, v57;
	v61 =	vpop (erf);
	v11 =	vadd.f32 $1.000000000e+00, v59;
	[tilespmem:v6+s28+$0x0] =	vst.idx.add.f32.msk $0xffff, v58  }
0x63: {  	v60 =	vshra.s32 v16, $0x1F;
	v9 =	vshrl.u32 v9, $0x14;
	[tilespmem:v6+s29+$0x0] =	vst.idx.add.f32.msk $0xffff, v5;
	v6 =	vmul.f32 v8, v61  }
0x64: {  	v62 =	vor.u32 $0x80000000, v60;
	(erf) = vrcp.f32 v11;
	v8 =	vadd.f32 v8, v61;
	[tilespmem:v12+s26+$0x0] =	vst.idx.add.f32.msk $0xffff, v1  }
0x65: {  	v5 =	vxor.u32 v16, v62;
	[tilespmem:v12+s28+$0x0] =	vst.idx.add.f32.msk $0xffff, v6  }
0x66: {  	v63 =	vpop (erf);
	v5 =	vshrl.u32 v5, $0x14;
	[tilespmem:v12+s29+$0x0] =	vst.idx.add.f32.msk $0xffff, v8;
	v8 =	vshra.s32 v4, $0x1F  }
0x67: {  	v6 =	vmul.f32 v7, v63;
	v8 =	vor.u32 $0x80000000, v8  }
0x68: {  	v7 =	vadd.f32 v7, v63;
	[tilespmem:v9+s26+$0x0] =	vst.idx.add.f32.msk $0xffff, v1  }
0x69: {  	s18 =	simm.s32 $0x80;
	s14 =	simm.s32 $0x400;
	[tilespmem:v9+s28+$0x0] =	vst.idx.add.f32.msk $0xffff, v6;
	v4 =	vxor.u32 v4, v8  }
0x6a: {  	s17 =	sand.u32 $0x1000, s18;
	s18 =	simm.s32 $0x20;
	s19 =	sand.u32 $0xC00, s14;
	[tilespmem:v9+s29+$0x0] =	vst.idx.add.f32.msk $0xffff, v7;
	v4 =	vshrl.u32 v4, $0x14;
	v8 =	vpop (erf)  }
0x6b: {  	s15 =	simm.s32 $0x2;
	s16 =	sor.u32 s19, s17;
	s17 =	sand.u32 $0x380, s18;
	[tilespmem:v5+s26+$0x0] =	vst.idx.add.f32.msk $0xffff, v1;
	v6 =	vmul.f32 v3, v8;
	v3 =	vadd.f32 v3, v8  }
.LBB2_5:
0x6c: {  	p0 =	sne.s32 s15, $0x3F  }
0x6d: {  	s17 =	sor.u32 s17, s16;
	[tilespmem:v5+s28+$0x0] =	vst.idx.add.f32.msk $0xffff, v6;
	v6 =	vpop (erf);
	s16 =	smov.u32 s15;
	s15 =	sadd.s32 $0x1, s15  }
0x6e: {  	[tilespmem:v5+s29+$0x0] =	vst.idx.add.f32.msk $0xffff, v3;
	v3 =	vmul.f32 v2, v6  }
0x6f: {  	v2 =	vadd.f32 v2, v6;
	[tilespmem:v4+s26+$0x0] =	vst.idx.add.f32.msk $0xffff, v1  }
0x70: {  	[tilespmem:v4+s28+$0x0] =	vst.idx.add.f32.msk $0xffff, v3  }
0x71: {  	[tilespmem:v4+s29+$0x0] =	vst.idx.add.f32.msk $0xffff, v2  }
0x72: {  	v2 =	vld [tilespmem:s17+$0x2000]  }
0x73: {  	v3 =	vld [tilespmem:s17+$0x2010];
	_ =	sdelay $0x2  }
0x74: {  	v4 =	vld [tilespmem:s17+$0x2020]  }
0x75: {  	v2 =	vsub.f32 $0.0e+00, v2  }
0x76: {  	v3 =	vsub.f32 $0.0e+00, v3  }
0x77: {  	v5 =	vld [tilespmem:s17+$0x2030];
	v2 =	vmul.f32 $1.442695020e+00, v2  }
0x78: {  	v3 =	vmul.f32 $1.442695020e+00, v3  }
0x79: {  	v4 =	vsub.f32 $0.0e+00, v4;
	(erf) = vpow2.f32 v2  }
0x7a: {  	v6 =	vld [tilespmem:s17+$0x2040];
	(erf) = vpow2.f32 v3  }
0x7b: {  	v2 =	vmul.f32 $1.442695020e+00, v4  }
0x7c: {  	v3 =	vsub.f32 $0.0e+00, v5  }
0x7d: {  	v7 =	vld [tilespmem:s17+$0x2050];
	(erf) = vpow2.f32 v2  }
0x7e: {  	v2 =	vld [tilespmem:s17+$0x4070];
	v5 =	vmul.f32 $1.442695020e+00, v3  }
0x7f: {  	v3 =	vld [tilespmem:s17+$0x4060];
	v6 =	vsub.f32 $0.0e+00, v6  }
0x80: {  	v4 =	vld [tilespmem:s17+$0x4050];
	(erf) = vpow2.f32 v5  }
0x81: {  	v5 =	vld [tilespmem:s17+$0x4040];
	v6 =	vmul.f32 $1.442695020e+00, v6  }
0x82: {  	v8 =	vld [tilespmem:s17+$0x2060];
	v7 =	vsub.f32 $0.0e+00, v7;
	v9 =	vpop (erf)  }
0x83: {  	v10 =	vld [tilespmem:s17+$0x0];
	v9 =	vadd.f32 $1.000000000e+00, v9;
	v11 =	vpop (erf);
	(erf) = vpow2.f32 v6  }
0x84: {  	v6 =	vld [tilespmem:s17+$0x4030];
	v13 =	vadd.f32 $1.000000000e+00, v11;
	v7 =	vmul.f32 $1.442695020e+00, v7  }
0x85: {  	v12 =	vld [tilespmem:s17+$0x2070];
	(erf) = vrcp.f32 v9  }
0x86: {  	v9 =	vld [tilespmem:s17+$0x10];
	(erf) = vrcp.f32 v13;
	v11 =	vpop (erf)  }
0x87: {  	v13 =	vld [tilespmem:s17+$0x4020];
	v16 =	vadd.f32 $1.000000000e+00, v11;
	v8 =	vsub.f32 $0.0e+00, v8;
	(erf) = vpow2.f32 v7  }
0x88: {  	v7 =	vld [tilespmem:s17+$0x70];
	v14 =	vshra.s32 v10, $0x1F  }
0x89: {  	v15 =	vld [tilespmem:s17+$0x20];
	v14 =	vor.u32 $0x80000000, v14;
	v8 =	vmul.f32 $1.442695020e+00, v8;
	(erf) = vrcp.f32 v16;
	v11 =	vpop (erf)  }
0x8a: {  	v16 =	vld [tilespmem:s17+$0x4000];
	v10 =	vxor.u32 v10, v14;
	v18 =	vadd.f32 $1.000000000e+00, v11;
	v12 =	vsub.f32 $0.0e+00, v12  }
0x8b: {  	v14 =	vld [tilespmem:s17+$0x60];
	v10 =	vshrl.u32 v10, $0x14;
	v17 =	vshra.s32 v9, $0x1F;
	(erf) = vpow2.f32 v8  }
0x8c: {  	v8 =	vld [tilespmem:s17+$0x30];
	v17 =	vor.u32 $0x80000000, v17;
	v12 =	vmul.f32 $1.442695020e+00, v12;
	(erf) = vrcp.f32 v18;
	v11 =	vpop (erf)  }
0x8d: {  	v18 =	vld [tilespmem:s17+$0x4010];
	v9 =	vxor.u32 v9, v17;
	v17 =	vshra.s32 v7, $0x1F;
	v11 =	vadd.f32 $1.000000000e+00, v11  }
0x8e: {  	v19 =	vld [tilespmem:s17+$0x50];
	v9 =	vshrl.u32 v9, $0x14;
	v25 =	vshra.s32 v15, $0x1F;
	v21 =	vpop (erf);
	(erf) = vpow2.f32 v12  }
0x8f: {  	v12 =	vld [tilespmem:s17+$0x40];
	v24 =	vor.u32 $0x80000000, v25;
	v22 =	vmul.f32 v16, v21;
	v23 =	vpop (erf);
	(erf) = vrcp.f32 v11  }
0x90: {  	v11 =	vxor.u32 v15, v24;
	v15 =	vshra.s32 v14, $0x1F;
	[tilespmem:v10+s26+$0x0] =	vst.idx.add.f32.msk $0xffff, v1;
	v24 =	vadd.f32 v16, v21;
	v20 =	vpop (erf)  }
0x91: {  	v11 =	vshrl.u32 v11, $0x14;
	v21 =	vshra.s32 v8, $0x1F;
	v20 =	vadd.f32 $1.000000000e+00, v20;
	[tilespmem:v10+s28+$0x0] =	vst.idx.add.f32.msk $0xffff, v22  }
0x92: {  	v15 =	vor.u32 $0x80000000, v15;
	v21 =	vor.u32 $0x80000000, v21;
	[tilespmem:v10+s29+$0x0] =	vst.idx.add.f32.msk $0xffff, v24;
	v22 =	vmul.f32 v18, v23;
	v16 =	vpop (erf)  }
0x93: {  	v23 =	vadd.f32 v18, v23;
	v8 =	vxor.u32 v8, v21;
	[tilespmem:v9+s26+$0x0] =	vst.idx.add.f32.msk $0xffff, v1;
	(erf) = vrcp.f32 v20  }
0x94: {  	v21 =	vshra.s32 v19, $0x1F;
	v8 =	vshrl.u32 v8, $0x14;
	v20 =	vshra.s32 v12, $0x1F;
	[tilespmem:v9+s28+$0x0] =	vst.idx.add.f32.msk $0xffff, v22;
	v10 =	vpop (erf)  }
0x95: {  	v22 =	vmul.f32 v13, v16;
	v20 =	vor.u32 $0x80000000, v20;
	v10 =	vadd.f32 $1.000000000e+00, v10;
	[tilespmem:v9+s29+$0x0] =	vst.idx.add.f32.msk $0xffff, v23;
	v18 =	vpop (erf)  }
0x96: {  	v12 =	vxor.u32 v12, v20;
	v20 =	vor.u32 $0x80000000, v21;
	[tilespmem:v11+s26+$0x0] =	vst.idx.add.f32.msk $0xffff, v1;
	v21 =	vadd.f32 v13, v16  }
0x97: {  	v12 =	vshrl.u32 v12, $0x14;
	v16 =	vxor.u32 v19, v20;
	[tilespmem:v11+s28+$0x0] =	vst.idx.add.f32.msk $0xffff, v22;
	(erf) = vrcp.f32 v10;
	v9 =	vpop (erf)  }
0x98: {  	v10 =	vxor.u32 v14, v15;
	v9 =	vadd.f32 $1.000000000e+00, v9;
	[tilespmem:v11+s29+$0x0] =	vst.idx.add.f32.msk $0xffff, v21;
	v11 =	vmul.f32 v6, v18;
	v13 =	vpop (erf)  }
0x99: {  	v14 =	vor.u32 $0x80000000, v17;
	v6 =	vadd.f32 v6, v18;
	[tilespmem:v8+s26+$0x0] =	vst.idx.add.f32.msk $0xffff, v1  }
0x9a: {  	v15 =	vshrl.u32 v16, $0x14;
	v7 =	vxor.u32 v7, v14;
	[tilespmem:v8+s28+$0x0] =	vst.idx.add.f32.msk $0xffff, v11;
	(erf) = vrcp.f32 v9  }
0x9b: {  	[tilespmem:v8+s29+$0x0] =	vst.idx.add.f32.msk $0xffff, v6;
	v6 =	vmul.f32 v5, v13  }
0x9c: {  	v8 =	vadd.f32 v5, v13;
	[tilespmem:v12+s26+$0x0] =	vst.idx.add.f32.msk $0xffff, v1;
	v9 =	vpop (erf)  }
0x9d: {  	v5 =	vshrl.u32 v10, $0x14;
	[tilespmem:v12+s28+$0x0] =	vst.idx.add.f32.msk $0xffff, v6  }
.Ltmp1:
0x9e: {  	v6 =	vmul.f32 v4, v9;
	[tilespmem:v12+s29+$0x0] =	vst.idx.add.f32.msk $0xffff, v8;
	(pc) =	sbr.rel @p0 .LBB2_5-.Ltmp1, $4  }
0x9f: {  	v8 =	vadd.f32 v4, v9;
	[tilespmem:v15+s26+$0x0] =	vst.idx.add.f32.msk $0xffff, v1  }
0xa0: {  	s14 =	sadd.s32 $0x400, s14;
	s17 =	sshll.u32 s16, $0x7;
	v4 =	vshrl.u32 v7, $0x14;
	[tilespmem:v15+s28+$0x0] =	vst.idx.add.f32.msk $0xffff, v6;
	v7 =	vpop (erf)  }
0xa1: {  	s18 =	sand.u32 $0xC00, s14;
	s19 =	sshll.u32 s16, $0x5;
	s17 =	sand.u32 $0x1000, s17;
	[tilespmem:v15+s29+$0x0] =	vst.idx.add.f32.msk $0xffff, v8;
	v6 =	vmul.f32 v3, v7  }
0xa2: {  	s16 =	sor.u32 s18, s17;
	s17 =	sand.u32 $0x380, s19;
	v3 =	vadd.f32 v3, v7;
	[tilespmem:v5+s26+$0x0] =	vst.idx.add.f32.msk $0xffff, v1  }
0xa3: {  	_ =	sdelay $0x3  }
0xa4: {  	[tilespmem:v5+s28+$0x0] =	vst.idx.add.f32.msk $0xffff, v6;
	v6 =	vpop (erf)  }
0xa5: {  	[tilespmem:v5+s29+$0x0] =	vst.idx.add.f32.msk $0xffff, v3;
	v3 =	vmul.f32 v2, v6  }
0xa6: {  	v2 =	vadd.f32 v2, v6;
	[tilespmem:v4+s26+$0x0] =	vst.idx.add.f32.msk $0xffff, v1  }
0xa7: {  	[tilespmem:v4+s28+$0x0] =	vst.idx.add.f32.msk $0xffff, v3  }
0xa8: {  	s14 =	sor.u32 s17, s16;
	[tilespmem:v4+s29+$0x0] =	vst.idx.add.f32.msk $0xffff, v2  }
0xa9: {  	v2 =	vld [tilespmem:s14+$0x2000];
	_ =	sdelay $0x1  }
0xaa: {  	v3 =	vld [tilespmem:s14+$0x2010];
	_ =	sdelay $0x2  }
0xab: {  	v4 =	vld [tilespmem:s14+$0x2020];
	v2 =	vsub.f32 $0.0e+00, v2;
	_ =	sdelay $0x1  }
0xac: {  	v3 =	vsub.f32 $0.0e+00, v3;
	v2 =	vmul.f32 $1.442695020e+00, v2;
	_ =	sdelay $0x1  }
0xad: {  	v5 =	vld [tilespmem:s14+$0x2030];
	v3 =	vmul.f32 $1.442695020e+00, v3;
	(erf) = vpow2.f32 v2  }
0xae: {  	v4 =	vsub.f32 $0.0e+00, v4  }
0xaf: {  	v6 =	vld [tilespmem:s14+$0x2040];
	(erf) = vpow2.f32 v3  }
0xb0: {  	v2 =	vmul.f32 $1.442695020e+00, v4  }
0xb1: {  	v7 =	vld [tilespmem:s14+$0x4050]  }
0xb2: {  	v8 =	vld [tilespmem:s14+$0x2060];
	v3 =	vsub.f32 $0.0e+00, v5;
	(erf) = vpow2.f32 v2  }
0xb3: {  	v4 =	vld [tilespmem:s14+$0x2050]  }
0xb4: {  	v10 =	vld [tilespmem:s14+$0x0];
	v6 =	vsub.f32 $0.0e+00, v6;
	v3 =	vmul.f32 $1.442695020e+00, v3  }
0xb5: {  	v12 =	vld [tilespmem:s14+$0x2070]  }
0xb6: {  	v47 =	vld [tilespmem:s14+$0x10];
	v6 =	vmul.f32 $1.442695020e+00, v6;
	(erf) = vpow2.f32 v3;
	v9 =	vpop (erf)  }
0xb7: {  	v48 =	vld [tilespmem:s14+$0x4020];
	v9 =	vadd.f32 $1.000000000e+00, v9  }
0xb8: {  	v15 =	vld [tilespmem:s14+$0x20];
	v4 =	vsub.f32 $0.0e+00, v4;
	(erf) = vpow2.f32 v6;
	v11 =	vpop (erf)  }
0xb9: {  	v16 =	vld [tilespmem:s14+$0x4000];
	v11 =	vadd.f32 $1.000000000e+00, v11;
	(erf) = vrcp.f32 v9  }
0xba: {  	v50 =	vld [tilespmem:s14+$0x60];
	v4 =	vmul.f32 $1.442695020e+00, v4  }
0xbb: {  	v18 =	vld [tilespmem:s14+$0x4010];
	v13 =	vpop (erf);
	(erf) = vrcp.f32 v11  }
0xbc: {  	v52 =	vld [tilespmem:s14+$0x50];
	v8 =	vsub.f32 $0.0e+00, v8;
	v14 =	vshra.s32 v10, $0x1F;
	(erf) = vpow2.f32 v4  }
0xbd: {  	v54 =	vld [tilespmem:s14+$0x40];
	v14 =	vor.u32 $0x80000000, v14;
	v13 =	vadd.f32 $1.000000000e+00, v13  }
0xbe: {  	v12 =	vsub.f32 $0.0e+00, v12;
	v8 =	vmul.f32 $1.442695020e+00, v8;
	v10 =	vxor.u32 v10, v14;
	v5 =	vld [tilespmem:s14+$0x4060]  }
0xbf: {  	v17 =	vshra.s32 v47, $0x1F;
	v10 =	vshrl.u32 v10, $0x14;
	v2 =	vld [tilespmem:s14+$0x4070];
	v49 =	vpop (erf);
	(erf) = vrcp.f32 v13  }
0xc0: {  	v17 =	vor.u32 $0x80000000, v17;
	v13 =	vadd.f32 $1.000000000e+00, v49;
	(erf) = vpow2.f32 v8;
	v8 =	vld [tilespmem:s14+$0x30]  }
0xc1: {  	v19 =	vshra.s32 v15, $0x1F;
	v3 =	vld [tilespmem:s14+$0x4040];
	v9 =	vxor.u32 v47, v17;
	v51 =	vpop (erf)  }
0xc2: {  	v12 =	vmul.f32 $1.442695020e+00, v12;
	v6 =	vld [tilespmem:s14+$0x4030];
	v9 =	vshrl.u32 v9, $0x14;
	(erf) = vrcp.f32 v13;
	v20 =	vpop (erf)  }
0xc3: {  	v19 =	vor.u32 $0x80000000, v19;
	v4 =	vld [tilespmem:s14+$0x70];
	v53 =	vadd.f32 $1.000000000e+00, v51;
	v21 =	vmul.f32 v16, v20  }
0xc4: {  	v15 =	vxor.u32 v15, v19;
	[tilespmem:v10+s26+$0x0] =	vst.idx.add.f32.msk $0xffff, v1;
	(erf) = vpow2.f32 v12;
	v22 =	vpop (erf);
	v16 =	vadd.f32 v16, v20  }
0xc5: {  	v15 =	vshrl.u32 v15, $0x14;
	v56 =	vshra.s32 v8, $0x1F;
	(erf) = vrcp.f32 v53;
	v55 =	vpop (erf);
	[tilespmem:v10+s28+$0x0] =	vst.idx.add.f32.msk $0xffff, v21  }
0xc6: {  	v19 =	vor.u32 $0x80000000, v56;
	v57 =	vmul.f32 v18, v22;
	v12 =	vadd.f32 $1.000000000e+00, v55;
	[tilespmem:v10+s29+$0x0] =	vst.idx.add.f32.msk $0xffff, v16  }
0xc7: {  	v8 =	vxor.u32 v8, v19;
	v18 =	vadd.f32 v18, v22;
	[tilespmem:v9+s26+$0x0] =	vst.idx.add.f32.msk $0xffff, v1  }
0xc8: {  	v59 =	vshra.s32 v54, $0x1F;
	v58 =	vpop (erf);
	v8 =	vshrl.u32 v8, $0x14;
	(erf) = vrcp.f32 v12;
	[tilespmem:v9+s28+$0x0] =	vst.idx.add.f32.msk $0xffff, v57  }
0xc9: {  	v61 =	vmul.f32 v48, v58;
	v12 =	vor.u32 $0x80000000, v59;
	[tilespmem:v9+s29+$0x0] =	vst.idx.add.f32.msk $0xffff, v18  }
0xca: {  	v60 =	vpop (erf);
	v11 =	vadd.f32 v48, v58;
	v12 =	vxor.u32 v54, v12;
	[tilespmem:v15+s26+$0x0] =	vst.idx.add.f32.msk $0xffff, v1  }
0xcb: {  	v10 =	vadd.f32 $1.000000000e+00, v60;
	v62 =	vpop (erf);
	v12 =	vshrl.u32 v12, $0x14;
	[tilespmem:v15+s28+$0x0] =	vst.idx.add.f32.msk $0xffff, v61  }
0xcc: {  	v20 =	vmul.f32 v6, v62;
	[tilespmem:v15+s29+$0x0] =	vst.idx.add.f32.msk $0xffff, v11  }
0xcd: {  	v63 =	vshra.s32 v52, $0x1F;
	v6 =	vadd.f32 v6, v62;
	(erf) = vrcp.f32 v10;
	v16 =	vpop (erf);
	[tilespmem:v8+s26+$0x0] =	vst.idx.add.f32.msk $0xffff, v1  }
0xce: {  	v19 =	vor.u32 $0x80000000, v63;
	v9 =	vadd.f32 $1.000000000e+00, v16;
	v22 =	vpop (erf);
	[tilespmem:v8+s28+$0x0] =	vst.idx.add.f32.msk $0xffff, v20  }
0xcf: {  	v21 =	vshra.s32 v50, $0x1F;
	v10 =	vxor.u32 v52, v19;
	[tilespmem:v8+s29+$0x0] =	vst.idx.add.f32.msk $0xffff, v6;
	v6 =	vmul.f32 v3, v22  }
0xd0: {  	v10 =	vshrl.u32 v10, $0x14;
	(erf) = vrcp.f32 v9;
	v3 =	vadd.f32 v3, v22;
	[tilespmem:v12+s26+$0x0] =	vst.idx.add.f32.msk $0xffff, v1  }
0xd1: {  	v23 =	vor.u32 $0x80000000, v21;
	v25 =	vpop (erf);
	[tilespmem:v12+s28+$0x0] =	vst.idx.add.f32.msk $0xffff, v6  }
0xd2: {  	v8 =	vxor.u32 v50, v23;
	[tilespmem:v12+s29+$0x0] =	vst.idx.add.f32.msk $0xffff, v3;
	v3 =	vmul.f32 v7, v25  }
0xd3: {  	v24 =	vshra.s32 v4, $0x1F;
	v8 =	vshrl.u32 v8, $0x14  }
0xd4: {  	v6 =	vor.u32 $0x80000000, v24  }
0xd5: {  	v4 =	vxor.u32 v4, v6;
	v6 =	vadd.f32 v7, v25;
	[tilespmem:v10+s26+$0x0] =	vst.idx.add.f32.msk $0xffff, v1  }
0xd6: {  	v4 =	vshrl.u32 v4, $0x14;
	[tilespmem:v10+s28+$0x0] =	vst.idx.add.f32.msk $0xffff, v3;
	v3 =	vpop (erf)  }
0xd7: {  	[tilespmem:v10+s29+$0x0] =	vst.idx.add.f32.msk $0xffff, v6;
	v6 =	vmul.f32 v5, v3  }
0xd8: {  	[tilespmem:v8+s26+$0x0] =	vst.idx.add.f32.msk $0xffff, v1;
	v3 =	vadd.f32 v5, v3  }
0xd9: {  	v5 =	vpop (erf);
	[tilespmem:v8+s28+$0x0] =	vst.idx.add.f32.msk $0xffff, v6  }
0xda: {  	p0 =	seq.s32 s10, $0x7;
	[tilespmem:v8+s29+$0x0] =	vst.idx.add.f32.msk $0xffff, v3;
	v3 =	vmul.f32 v2, v5  }
0xdb: {  	s11 =	sadd.s32 @!p0 s11, s12;
	v2 =	vadd.f32 v2, v5;
	[tilespmem:v4+s26+$0x0] =	vst.idx.add.f32.msk $0xffff, v1  }
0xdc: {  	s11 =	sshrl.u32 @!p0 s11, $0x3;
	[tilespmem:v4+s28+$0x0] =	vst.idx.add.f32.msk $0xffff, v3  }
0xdd: {  	s15 =	simm.s32 @!p0 $0x0;
	s14 =	sadd.s32 @!p0 s0, s11;
	[tilespmem:v4+s29+$0x0] =	vst.idx.add.f32.msk $0xffff, v2  }
0xde: {  	[tilespmem:s15], [sflag:$0x1] =	stream.linear.gather @!p0 [hbm4b:s14+s15], $0x2000, $0x38;
	[tilespmem:$0x12600] =	vst v63  }
0xdf: {  	s16 =	simm.s32 @!p0 $0x2000;
	s14 =	sadd.s32 @!p0 s2, s11  }
0xe0: {  	[tilespmem:s16], [sflag:$0x1] =	stream.linear.gather @!p0 [hbm4b:s14+s15], $0x2000, $0x38;
	[tilespmem:$0x12600] =	vst v63  }
0xe1: {  	s11 =	sadd.s32 @!p0 s3, s11;
	s14 =	simm.s32 @!p0 $0x4000  }
0xe2: {  	[tilespmem:s14], [sflag:$0x1] =	stream.linear.gather @!p0 [hbm4b:s11+s15], $0x2000, $0x38;
	[tilespmem:$0x12600] =	vst v63  }
0xe3: {  	_ =	swait.ge [sflag:s30], $0x2000  }
0xe4: {  	[sflag:s30] =	ssyncset.done $0x0  }
0xe5: {  	[sflag:s30] =	ssyncadd.s32 $0xFFFFE000  }
0xe6: {  	_ =	swait.ge [sflag:s30], $0x2000  }
0xe7: {  	s17 =	simm.s32 $0x0;
	[sflag:s30] =	ssyncset.done $0x0  }
0xe8: {  	s18 =	simm.s32 $0x0;
	s19 =	simm.s32 $0x0;
	[sflag:s30] =	ssyncadd.s32 $0xFFFFE000  }
0xe9: {  	s11 =	sand.u32 $0xC00, s17;
	s14 =	sand.u32 $0x1000, s18;
	_ =	swait.ge [sflag:s30], $0x2000  }
0xea: {  	s15 =	sand.u32 $0x380, s19;
	s11 =	sor.u32 s11, s14;
	[sflag:s30] =	ssyncset.done $0x0  }
0xeb: {  	s11 =	sor.u32 s15, s11;
	[sflag:s30] =	ssyncadd.s32 $0xFFFFE000  }
0xec: {  	v2 =	vld [tilespmem:s11+$0x8000];
	_ =	sdelay $0x2  }
0xed: {  	v3 =	vld [tilespmem:s11+$0x8010];
	_ =	sdelay $0x1  }
0xee: {  	v2 =	vsub.f32 $0.0e+00, v2  }
0xef: {  	v4 =	vld [tilespmem:s11+$0x8020]  }
0xf0: {  	v2 =	vmul.f32 $1.442695020e+00, v2  }
0xf1: {  	v3 =	vsub.f32 $0.0e+00, v3  }
0xf2: {  	v5 =	vld [tilespmem:s11+$0x8030];
	(erf) = vpow2.f32 v2  }
0xf3: {  	v3 =	vmul.f32 $1.442695020e+00, v3  }
0xf4: {  	v6 =	vld [tilespmem:s11+$0x8040];
	v4 =	vsub.f32 $0.0e+00, v4  }
0xf5: {  	(erf) = vpow2.f32 v3  }
0xf6: {  	v7 =	vld [tilespmem:s11+$0xA050];
	v2 =	vmul.f32 $1.442695020e+00, v4  }
0xf7: {  	v8 =	vld [tilespmem:s11+$0xA040];
	v5 =	vsub.f32 $0.0e+00, v5  }
0xf8: {  	v27 =	vld [tilespmem:s11+$0x6000];
	(erf) = vpow2.f32 v2  }
0xf9: {  	v6 =	vsub.f32 $0.0e+00, v6;
	v5 =	vmul.f32 $1.442695020e+00, v5;
	v4 =	vld [tilespmem:s11+$0x8050]  }
0xfa: {  	v29 =	vld [tilespmem:s11+$0x8070]  }
0xfb: {  	v30 =	vld [tilespmem:s11+$0x6010];
	(erf) = vpow2.f32 v5;
	v5 =	vmul.f32 $1.442695020e+00, v6;
	v26 =	vpop (erf)  }
0xfc: {  	v6 =	vld [tilespmem:s11+$0x8060];
	v9 =	vadd.f32 $1.000000000e+00, v26  }
0xfd: {  	v32 =	vld [tilespmem:s11+$0xA020];
	(erf) = vpow2.f32 v5  }
0xfe: {  	v34 =	vld [tilespmem:s11+$0x6020];
	v4 =	vsub.f32 $0.0e+00, v4;
	v28 =	vpop (erf);
	(erf) = vrcp.f32 v9  }
0xff: {  	v35 =	vld [tilespmem:s11+$0xA000];
	v11 =	vadd.f32 $1.000000000e+00, v28  }
0x100: {  	v37 =	vld [tilespmem:s11+$0x6060];
	v4 =	vmul.f32 $1.442695020e+00, v4  }
0x101: {  	v40 =	vld [tilespmem:s11+$0xA010];
	v33 =	vshra.s32 v27, $0x1F;
	v6 =	vsub.f32 $0.0e+00, v6;
	v31 =	vpop (erf);
	(erf) = vrcp.f32 v11  }
0x102: {  	v41 =	vld [tilespmem:s11+$0x6050];
	v14 =	vor.u32 $0x80000000, v33;
	v13 =	vadd.f32 $1.000000000e+00, v31;
	(erf) = vpow2.f32 v4  }
0x103: {  	v44 =	vld [tilespmem:s11+$0x6040];
	v12 =	vsub.f32 $0.0e+00, v29;
	v10 =	vxor.u32 v27, v14;
	v6 =	vmul.f32 $1.442695020e+00, v6  }
0x104: {  	v38 =	vshra.s32 v30, $0x1F;
	v10 =	vshrl.u32 v10, $0x14;
	v3 =	vld [tilespmem:s11+$0xA060];
	v36 =	vpop (erf);
	(erf) = vrcp.f32 v13  }
0x105: {  	v17 =	vor.u32 $0x80000000, v38;
	v14 =	vadd.f32 $1.000000000e+00, v36;
	(erf) = vpow2.f32 v6;
	v6 =	vld [tilespmem:s11+$0x6030]  }
0x106: {  	v42 =	vshra.s32 v34, $0x1F;
	v2 =	vld [tilespmem:s11+$0xA070];
	v9 =	vxor.u32 v30, v17;
	v39 =	vpop (erf)  }
0x107: {  	v12 =	vmul.f32 $1.442695020e+00, v12;
	v5 =	vld [tilespmem:s11+$0xA030];
	v9 =	vshrl.u32 v9, $0x14;
	(erf) = vrcp.f32 v14;
	v43 =	vpop (erf)  }
0x108: {  	v17 =	vor.u32 $0x80000000, v42;
	v4 =	vld [tilespmem:s11+$0x6070];
	v18 =	vadd.f32 $1.000000000e+00, v39;
	v45 =	vmul.f32 v35, v43  }
0x109: {  	v15 =	vxor.u32 v34, v17;
	[tilespmem:v10+s26+$0x0] =	vst.idx.add.f32.msk $0xffff, v1;
	(erf) = vpow2.f32 v12;
	v13 =	vadd.f32 v35, v43  }
0x10a: {  	v15 =	vshrl.u32 v15, $0x14;
	v48 =	vshra.s32 v6, $0x1F;
	v46 =	vpop (erf);
	(erf) = vrcp.f32 v18;
	[tilespmem:v10+s28+$0x0] =	vst.idx.add.f32.msk $0xffff, v45  }
0x10b: {  	v18 =	vor.u32 $0x80000000, v48;
	v47 =	vpop (erf);
	v49 =	vmul.f32 v40, v46;
	[tilespmem:v10+s29+$0x0] =	vst.idx.add.f32.msk $0xffff, v13  }
0x10c: {  	v6 =	vxor.u32 v6, v18;
	v12 =	vadd.f32 v40, v46;
	v17 =	vadd.f32 $1.000000000e+00, v47;
	[tilespmem:v9+s26+$0x0] =	vst.idx.add.f32.msk $0xffff, v1  }
0x10d: {  	v51 =	vshra.s32 v44, $0x1F;
	v50 =	vpop (erf);
	v6 =	vshrl.u32 v6, $0x14;
	[tilespmem:v9+s28+$0x0] =	vst.idx.add.f32.msk $0xffff, v49  }
0x10e: {  	v53 =	vmul.f32 v32, v50;
	(erf) = vrcp.f32 v17;
	v17 =	vor.u32 $0x80000000, v51;
	[tilespmem:v9+s29+$0x0] =	vst.idx.add.f32.msk $0xffff, v12  }
0x10f: {  	v52 =	vpop (erf);
	v11 =	vadd.f32 v32, v50;
	v54 =	vxor.u32 v44, v17;
	[tilespmem:v15+s26+$0x0] =	vst.idx.add.f32.msk $0xffff, v1  }
0x110: {  	v10 =	vadd.f32 $1.000000000e+00, v52;
	v56 =	vpop (erf);
	v12 =	vshrl.u32 v54, $0x14;
	[tilespmem:v15+s28+$0x0] =	vst.idx.add.f32.msk $0xffff, v53  }
0x111: {  	v55 =	vshra.s32 v41, $0x1F;
	v58 =	vmul.f32 v5, v56;
	[tilespmem:v15+s29+$0x0] =	vst.idx.add.f32.msk $0xffff, v11  }
0x112: {  	v57 =	vor.u32 $0x80000000, v55;
	v5 =	vadd.f32 v5, v56;
	(erf) = vrcp.f32 v10;
	v59 =	vpop (erf);
	[tilespmem:v6+s26+$0x0] =	vst.idx.add.f32.msk $0xffff, v1  }
0x113: {  	v9 =	vxor.u32 v41, v57;
	v61 =	vpop (erf);
	v11 =	vadd.f32 $1.000000000e+00, v59;
	[tilespmem:v6+s28+$0x0] =	vst.idx.add.f32.msk $0xffff, v58  }
0x114: {  	v60 =	vshra.s32 v37, $0x1F;
	v9 =	vshrl.u32 v9, $0x14;
	[tilespmem:v6+s29+$0x0] =	vst.idx.add.f32.msk $0xffff, v5;
	v6 =	vmul.f32 v8, v61  }
0x115: {  	v62 =	vor.u32 $0x80000000, v60;
	(erf) = vrcp.f32 v11;
	v8 =	vadd.f32 v8, v61;
	[tilespmem:v12+s26+$0x0] =	vst.idx.add.f32.msk $0xffff, v1  }
0x116: {  	v5 =	vxor.u32 v37, v62;
	[tilespmem:v12+s28+$0x0] =	vst.idx.add.f32.msk $0xffff, v6  }
0x117: {  	v63 =	vpop (erf);
	v5 =	vshrl.u32 v5, $0x14;
	[tilespmem:v12+s29+$0x0] =	vst.idx.add.f32.msk $0xffff, v8;
	v8 =	vshra.s32 v4, $0x1F  }
0x118: {  	v6 =	vmul.f32 v7, v63;
	v8 =	vor.u32 $0x80000000, v8  }
0x119: {  	v7 =	vadd.f32 v7, v63;
	[tilespmem:v9+s26+$0x0] =	vst.idx.add.f32.msk $0xffff, v1  }
0x11a: {  	s16 =	simm.s32 $0x80;
	s11 =	simm.s32 $0x400;
	[tilespmem:v9+s28+$0x0] =	vst.idx.add.f32.msk $0xffff, v6;
	v4 =	vxor.u32 v4, v8  }
0x11b: {  	s18 =	sand.u32 $0x1000, s16;
	s19 =	simm.s32 $0x20;
	s17 =	sand.u32 $0xC00, s11;
	[tilespmem:v9+s29+$0x0] =	vst.idx.add.f32.msk $0xffff, v7;
	v4 =	vshrl.u32 v4, $0x14;
	v8 =	vpop (erf)  }
0x11c: {  	s14 =	simm.s32 $0x2;
	s16 =	sand.u32 $0x380, s19;
	s15 =	sor.u32 s17, s18;
	[tilespmem:v5+s26+$0x0] =	vst.idx.add.f32.msk $0xffff, v1;
	v6 =	vmul.f32 v3, v8;
	v3 =	vadd.f32 v3, v8  }
.LBB2_7:
0x11d: {  	p0 =	sne.s32 s14, $0x3F  }
0x11e: {  	s16 =	sor.u32 s16, s15;
	[tilespmem:v5+s28+$0x0] =	vst.idx.add.f32.msk $0xffff, v6;
	v6 =	vpop (erf);
	s15 =	smov.u32 s14;
	s14 =	sadd.s32 $0x1, s14  }
0x11f: {  	[tilespmem:v5+s29+$0x0] =	vst.idx.add.f32.msk $0xffff, v3;
	v3 =	vmul.f32 v2, v6  }
0x120: {  	v2 =	vadd.f32 v2, v6;
	[tilespmem:v4+s26+$0x0] =	vst.idx.add.f32.msk $0xffff, v1  }
0x121: {  	[tilespmem:v4+s28+$0x0] =	vst.idx.add.f32.msk $0xffff, v3  }
0x122: {  	[tilespmem:v4+s29+$0x0] =	vst.idx.add.f32.msk $0xffff, v2  }
0x123: {  	v2 =	vld [tilespmem:s16+$0x8000]  }
0x124: {  	v3 =	vld [tilespmem:s16+$0x8010];
	_ =	sdelay $0x2  }
0x125: {  	v4 =	vld [tilespmem:s16+$0x8020]  }
0x126: {  	v2 =	vsub.f32 $0.0e+00, v2  }
0x127: {  	v3 =	vsub.f32 $0.0e+00, v3  }
0x128: {  	v5 =	vld [tilespmem:s16+$0x8030];
	v2 =	vmul.f32 $1.442695020e+00, v2  }
0x129: {  	v3 =	vmul.f32 $1.442695020e+00, v3  }
0x12a: {  	v4 =	vsub.f32 $0.0e+00, v4;
	(erf) = vpow2.f32 v2  }
0x12b: {  	v6 =	vld [tilespmem:s16+$0x8040];
	(erf) = vpow2.f32 v3  }
0x12c: {  	v2 =	vmul.f32 $1.442695020e+00, v4  }
0x12d: {  	v3 =	vsub.f32 $0.0e+00, v5  }
0x12e: {  	v7 =	vld [tilespmem:s16+$0x8050];
	(erf) = vpow2.f32 v2  }
0x12f: {  	v2 =	vld [tilespmem:s16+$0xA070];
	v5 =	vmul.f32 $1.442695020e+00, v3  }
0x130: {  	v3 =	vld [tilespmem:s16+$0xA060];
	v6 =	vsub.f32 $0.0e+00, v6  }
0x131: {  	v4 =	vld [tilespmem:s16+$0xA050];
	(erf) = vpow2.f32 v5  }
0x132: {  	v5 =	vld [tilespmem:s16+$0xA040];
	v6 =	vmul.f32 $1.442695020e+00, v6  }
0x133: {  	v8 =	vld [tilespmem:s16+$0x8060];
	v7 =	vsub.f32 $0.0e+00, v7;
	v9 =	vpop (erf)  }
0x134: {  	v10 =	vld [tilespmem:s16+$0x6000];
	v9 =	vadd.f32 $1.000000000e+00, v9;
	v11 =	vpop (erf);
	(erf) = vpow2.f32 v6  }
0x135: {  	v6 =	vld [tilespmem:s16+$0xA030];
	v13 =	vadd.f32 $1.000000000e+00, v11;
	v7 =	vmul.f32 $1.442695020e+00, v7  }
0x136: {  	v12 =	vld [tilespmem:s16+$0x8070];
	(erf) = vrcp.f32 v9  }
0x137: {  	v9 =	vld [tilespmem:s16+$0x6010];
	(erf) = vrcp.f32 v13;
	v11 =	vpop (erf)  }
0x138: {  	v13 =	vld [tilespmem:s16+$0xA020];
	v16 =	vadd.f32 $1.000000000e+00, v11;
	v8 =	vsub.f32 $0.0e+00, v8;
	(erf) = vpow2.f32 v7  }
0x139: {  	v7 =	vld [tilespmem:s16+$0x6070];
	v14 =	vshra.s32 v10, $0x1F  }
0x13a: {  	v15 =	vld [tilespmem:s16+$0x6020];
	v14 =	vor.u32 $0x80000000, v14;
	v8 =	vmul.f32 $1.442695020e+00, v8;
	(erf) = vrcp.f32 v16;
	v11 =	vpop (erf)  }
0x13b: {  	v16 =	vld [tilespmem:s16+$0xA000];
	v10 =	vxor.u32 v10, v14;
	v18 =	vadd.f32 $1.000000000e+00, v11;
	v12 =	vsub.f32 $0.0e+00, v12  }
0x13c: {  	v14 =	vld [tilespmem:s16+$0x6060];
	v10 =	vshrl.u32 v10, $0x14;
	v17 =	vshra.s32 v9, $0x1F;
	(erf) = vpow2.f32 v8  }
0x13d: {  	v8 =	vld [tilespmem:s16+$0x6030];
	v17 =	vor.u32 $0x80000000, v17;
	v12 =	vmul.f32 $1.442695020e+00, v12;
	(erf) = vrcp.f32 v18;
	v11 =	vpop (erf)  }
0x13e: {  	v18 =	vld [tilespmem:s16+$0xA010];
	v9 =	vxor.u32 v9, v17;
	v17 =	vshra.s32 v7, $0x1F;
	v11 =	vadd.f32 $1.000000000e+00, v11  }
0x13f: {  	v19 =	vld [tilespmem:s16+$0x6050];
	v9 =	vshrl.u32 v9, $0x14;
	v25 =	vshra.s32 v15, $0x1F;
	v21 =	vpop (erf);
	(erf) = vpow2.f32 v12  }
0x140: {  	v12 =	vld [tilespmem:s16+$0x6040];
	v24 =	vor.u32 $0x80000000, v25;
	v22 =	vmul.f32 v16, v21;
	v23 =	vpop (erf);
	(erf) = vrcp.f32 v11  }
0x141: {  	v11 =	vxor.u32 v15, v24;
	v15 =	vshra.s32 v14, $0x1F;
	[tilespmem:v10+s26+$0x0] =	vst.idx.add.f32.msk $0xffff, v1;
	v24 =	vadd.f32 v16, v21;
	v20 =	vpop (erf)  }
0x142: {  	v11 =	vshrl.u32 v11, $0x14;
	v21 =	vshra.s32 v8, $0x1F;
	v20 =	vadd.f32 $1.000000000e+00, v20;
	[tilespmem:v10+s28+$0x0] =	vst.idx.add.f32.msk $0xffff, v22  }
0x143: {  	v15 =	vor.u32 $0x80000000, v15;
	v21 =	vor.u32 $0x80000000, v21;
	[tilespmem:v10+s29+$0x0] =	vst.idx.add.f32.msk $0xffff, v24;
	v22 =	vmul.f32 v18, v23;
	v16 =	vpop (erf)  }
0x144: {  	v23 =	vadd.f32 v18, v23;
	v8 =	vxor.u32 v8, v21;
	[tilespmem:v9+s26+$0x0] =	vst.idx.add.f32.msk $0xffff, v1;
	(erf) = vrcp.f32 v20  }
0x145: {  	v21 =	vshra.s32 v19, $0x1F;
	v8 =	vshrl.u32 v8, $0x14;
	v20 =	vshra.s32 v12, $0x1F;
	[tilespmem:v9+s28+$0x0] =	vst.idx.add.f32.msk $0xffff, v22;
	v10 =	vpop (erf)  }
0x146: {  	v22 =	vmul.f32 v13, v16;
	v20 =	vor.u32 $0x80000000, v20;
	v10 =	vadd.f32 $1.000000000e+00, v10;
	[tilespmem:v9+s29+$0x0] =	vst.idx.add.f32.msk $0xffff, v23;
	v18 =	vpop (erf)  }
0x147: {  	v12 =	vxor.u32 v12, v20;
	v20 =	vor.u32 $0x80000000, v21;
	[tilespmem:v11+s26+$0x0] =	vst.idx.add.f32.msk $0xffff, v1;
	v21 =	vadd.f32 v13, v16  }
0x148: {  	v12 =	vshrl.u32 v12, $0x14;
	v16 =	vxor.u32 v19, v20;
	[tilespmem:v11+s28+$0x0] =	vst.idx.add.f32.msk $0xffff, v22;
	(erf) = vrcp.f32 v10;
	v9 =	vpop (erf)  }
0x149: {  	v10 =	vxor.u32 v14, v15;
	v9 =	vadd.f32 $1.000000000e+00, v9;
	[tilespmem:v11+s29+$0x0] =	vst.idx.add.f32.msk $0xffff, v21;
	v11 =	vmul.f32 v6, v18;
	v13 =	vpop (erf)  }
0x14a: {  	v14 =	vor.u32 $0x80000000, v17;
	v6 =	vadd.f32 v6, v18;
	[tilespmem:v8+s26+$0x0] =	vst.idx.add.f32.msk $0xffff, v1  }
0x14b: {  	v15 =	vshrl.u32 v16, $0x14;
	v7 =	vxor.u32 v7, v14;
	[tilespmem:v8+s28+$0x0] =	vst.idx.add.f32.msk $0xffff, v11;
	(erf) = vrcp.f32 v9  }
0x14c: {  	[tilespmem:v8+s29+$0x0] =	vst.idx.add.f32.msk $0xffff, v6;
	v6 =	vmul.f32 v5, v13  }
0x14d: {  	v8 =	vadd.f32 v5, v13;
	[tilespmem:v12+s26+$0x0] =	vst.idx.add.f32.msk $0xffff, v1;
	v9 =	vpop (erf)  }
0x14e: {  	v5 =	vshrl.u32 v10, $0x14;
	[tilespmem:v12+s28+$0x0] =	vst.idx.add.f32.msk $0xffff, v6  }
.Ltmp2:
0x14f: {  	v6 =	vmul.f32 v4, v9;
	[tilespmem:v12+s29+$0x0] =	vst.idx.add.f32.msk $0xffff, v8;
	(pc) =	sbr.rel @p0 .LBB2_7-.Ltmp2, $4  }
0x150: {  	v8 =	vadd.f32 v4, v9;
	[tilespmem:v15+s26+$0x0] =	vst.idx.add.f32.msk $0xffff, v1  }
0x151: {  	s11 =	sadd.s32 $0x400, s11;
	s16 =	sshll.u32 s15, $0x7;
	v4 =	vshrl.u32 v7, $0x14;
	[tilespmem:v15+s28+$0x0] =	vst.idx.add.f32.msk $0xffff, v6;
	v7 =	vpop (erf)  }
0x152: {  	s17 =	sand.u32 $0xC00, s11;
	s18 =	sshll.u32 s15, $0x5;
	s16 =	sand.u32 $0x1000, s16;
	[tilespmem:v15+s29+$0x0] =	vst.idx.add.f32.msk $0xffff, v8;
	v6 =	vmul.f32 v3, v7  }
0x153: {  	s15 =	sor.u32 s17, s16;
	s16 =	sand.u32 $0x380, s18;
	v3 =	vadd.f32 v3, v7;
	[tilespmem:v5+s26+$0x0] =	vst.idx.add.f32.msk $0xffff, v1  }
0x154: {  	_ =	sdelay $0x3  }
0x155: {  	[tilespmem:v5+s28+$0x0] =	vst.idx.add.f32.msk $0xffff, v6;
	v26 =	vpop (erf)  }
0x156: {  	[tilespmem:v5+s29+$0x0] =	vst.idx.add.f32.msk $0xffff, v3;
	v3 =	vmul.f32 v2, v26  }
0x157: {  	v2 =	vadd.f32 v2, v26;
	[tilespmem:v4+s26+$0x0] =	vst.idx.add.f32.msk $0xffff, v1  }
0x158: {  	[tilespmem:v4+s28+$0x0] =	vst.idx.add.f32.msk $0xffff, v3  }
0x159: {  	s11 =	sor.u32 s16, s15;
	[tilespmem:v4+s29+$0x0] =	vst.idx.add.f32.msk $0xffff, v2  }
0x15a: {  	v2 =	vld [tilespmem:s11+$0x8000];
	_ =	sdelay $0x1  }
0x15b: {  	v3 =	vld [tilespmem:s11+$0x8010];
	_ =	sdelay $0x2  }
0x15c: {  	v4 =	vld [tilespmem:s11+$0x8020];
	v2 =	vsub.f32 $0.0e+00, v2;
	_ =	sdelay $0x1  }
0x15d: {  	v3 =	vsub.f32 $0.0e+00, v3;
	v2 =	vmul.f32 $1.442695020e+00, v2;
	_ =	sdelay $0x1  }
0x15e: {  	v5 =	vld [tilespmem:s11+$0x8030];
	v3 =	vmul.f32 $1.442695020e+00, v3;
	(erf) = vpow2.f32 v2  }
0x15f: {  	v4 =	vsub.f32 $0.0e+00, v4  }
0x160: {  	v27 =	vld [tilespmem:s11+$0x8040];
	(erf) = vpow2.f32 v3  }
0x161: {  	v2 =	vmul.f32 $1.442695020e+00, v4  }
0x162: {  	v28 =	vld [tilespmem:s11+$0x8050]  }
0x163: {  	v29 =	vld [tilespmem:s11+$0xA060];
	v3 =	vsub.f32 $0.0e+00, v5;
	(erf) = vpow2.f32 v2  }
0x164: {  	v7 =	vld [tilespmem:s11+$0xA050]  }
0x165: {  	v8 =	vld [tilespmem:s11+$0x8060];
	v6 =	vsub.f32 $0.0e+00, v27;
	v3 =	vmul.f32 $1.442695020e+00, v3  }
0x166: {  	v10 =	vld [tilespmem:s11+$0x6000]  }
0x167: {  	v30 =	vld [tilespmem:s11+$0xA030];
	v6 =	vmul.f32 $1.442695020e+00, v6;
	(erf) = vpow2.f32 v3;
	v9 =	vpop (erf)  }
0x168: {  	v12 =	vld [tilespmem:s11+$0x8070];
	v9 =	vadd.f32 $1.000000000e+00, v9  }
0x169: {  	v31 =	vld [tilespmem:s11+$0x6010];
	v4 =	vsub.f32 $0.0e+00, v28;
	(erf) = vpow2.f32 v6;
	v11 =	vpop (erf)  }
0x16a: {  	v32 =	vld [tilespmem:s11+$0xA020];
	v11 =	vadd.f32 $1.000000000e+00, v11;
	(erf) = vrcp.f32 v9  }
0x16b: {  	v33 =	vld [tilespmem:s11+$0x6070];
	v4 =	vmul.f32 $1.442695020e+00, v4  }
0x16c: {  	v15 =	vld [tilespmem:s11+$0x6020];
	v13 =	vpop (erf);
	(erf) = vrcp.f32 v11  }
0x16d: {  	v16 =	vld [tilespmem:s11+$0xA000];
	v14 =	vshra.s32 v10, $0x1F;
	(erf) = vpow2.f32 v4  }
0x16e: {  	v35 =	vld [tilespmem:s11+$0x6060];
	v8 =	vsub.f32 $0.0e+00, v8;
	v14 =	vor.u32 $0x80000000, v14;
	v13 =	vadd.f32 $1.000000000e+00, v13  }
0x16f: {  	v36 =	vld [tilespmem:s11+$0x6030];
	v17 =	vshra.s32 v31, $0x1F;
	v10 =	vxor.u32 v10, v14  }
0x170: {  	v18 =	vld [tilespmem:s11+$0xA010];
	v8 =	vmul.f32 $1.442695020e+00, v8;
	v10 =	vshrl.u32 v10, $0x14;
	v34 =	vpop (erf);
	(erf) = vrcp.f32 v13  }
0x171: {  	v38 =	vld [tilespmem:s11+$0x6050];
	v12 =	vsub.f32 $0.0e+00, v12;
	v17 =	vor.u32 $0x80000000, v17;
	v13 =	vadd.f32 $1.000000000e+00, v34  }
0x172: {  	v40 =	vld [tilespmem:s11+$0x6040];
	v19 =	vshra.s32 v15, $0x1F;
	v9 =	vxor.u32 v31, v17;
	v37 =	vpop (erf);
	(erf) = vpow2.f32 v8  }
0x173: {  	v12 =	vmul.f32 $1.442695020e+00, v12;
	v2 =	vld [tilespmem:s11+$0xA070];
	v9 =	vshrl.u32 v9, $0x14;
	(erf) = vrcp.f32 v13;
	v20 =	vpop (erf)  }
0x174: {  	v19 =	vor.u32 $0x80000000, v19;
	v3 =	vld [tilespmem:s11+$0xA040];
	v39 =	vadd.f32 $1.000000000e+00, v37;
	v21 =	vmul.f32 v16, v20  }
0x175: {  	v15 =	vxor.u32 v15, v19;
	[tilespmem:v10+s26+$0x0] =	vst.idx.add.f32.msk $0xffff, v1;
	(erf) = vpow2.f32 v12;
	v22 =	vpop (erf);
	v16 =	vadd.f32 v16, v20  }
0x176: {  	v42 =	vshra.s32 v36, $0x1F;
	v15 =	vshrl.u32 v15, $0x14;
	(erf) = vrcp.f32 v39;
	v41 =	vpop (erf);
	[tilespmem:v10+s28+$0x0] =	vst.idx.add.f32.msk $0xffff, v21  }
0x177: {  	v19 =	vor.u32 $0x80000000, v42;
	v43 =	vmul.f32 v18, v22;
	v12 =	vadd.f32 $1.000000000e+00, v41;
	[tilespmem:v10+s29+$0x0] =	vst.idx.add.f32.msk $0xffff, v16  }
0x178: {  	v8 =	vxor.u32 v36, v19;
	v18 =	vadd.f32 v18, v22;
	[tilespmem:v9+s26+$0x0] =	vst.idx.add.f32.msk $0xffff, v1  }
0x179: {  	v45 =	vshra.s32 v40, $0x1F;
	v8 =	vshrl.u32 v8, $0x14;
	v44 =	vpop (erf);
	(erf) = vrcp.f32 v12;
	[tilespmem:v9+s28+$0x0] =	vst.idx.add.f32.msk $0xffff, v43  }
0x17a: {  	v47 =	vmul.f32 v32, v44;
	v12 =	vor.u32 $0x80000000, v45;
	[tilespmem:v9+s29+$0x0] =	vst.idx.add.f32.msk $0xffff, v18  }
0x17b: {  	v46 =	vpop (erf);
	v11 =	vadd.f32 v32, v44;
	v12 =	vxor.u32 v40, v12;
	[tilespmem:v15+s26+$0x0] =	vst.idx.add.f32.msk $0xffff, v1  }
0x17c: {  	v10 =	vadd.f32 $1.000000000e+00, v46;
	v48 =	vpop (erf);
	v12 =	vshrl.u32 v12, $0x14;
	[tilespmem:v15+s28+$0x0] =	vst.idx.add.f32.msk $0xffff, v47  }
0x17d: {  	v52 =	vmul.f32 v30, v48;
	[tilespmem:v15+s29+$0x0] =	vst.idx.add.f32.msk $0xffff, v11  }
0x17e: {  	v49 =	vshra.s32 v38, $0x1F;
	v50 =	vpop (erf);
	v6 =	vadd.f32 v30, v48;
	(erf) = vrcp.f32 v10;
	[tilespmem:v8+s26+$0x0] =	vst.idx.add.f32.msk $0xffff, v1  }
0x17f: {  	v51 =	vor.u32 $0x80000000, v49;
	v9 =	vadd.f32 $1.000000000e+00, v50;
	v54 =	vpop (erf);
	[tilespmem:v8+s28+$0x0] =	vst.idx.add.f32.msk $0xffff, v52  }
0x180: {  	v53 =	vshra.s32 v35, $0x1F;
	v10 =	vxor.u32 v38, v51;
	v56 =	vmul.f32 v3, v54;
	[tilespmem:v8+s29+$0x0] =	vst.idx.add.f32.msk $0xffff, v6  }
0x181: {  	v10 =	vshrl.u32 v10, $0x14;
	(erf) = vrcp.f32 v9;
	v3 =	vadd.f32 v3, v54;
	[tilespmem:v12+s26+$0x0] =	vst.idx.add.f32.msk $0xffff, v1  }
0x182: {  	v55 =	vor.u32 $0x80000000, v53;
	v59 =	vpop (erf);
	[tilespmem:v12+s28+$0x0] =	vst.idx.add.f32.msk $0xffff, v56  }
0x183: {  	v57 =	vxor.u32 v35, v55;
	[tilespmem:v12+s29+$0x0] =	vst.idx.add.f32.msk $0xffff, v3;
	v3 =	vmul.f32 v7, v59  }
0x184: {  	v58 =	vshra.s32 v33, $0x1F;
	v8 =	vshrl.u32 v57, $0x14  }
0x185: {  	v60 =	vor.u32 $0x80000000, v58  }
0x186: {  	v4 =	vxor.u32 v33, v60;
	v61 =	vadd.f32 v7, v59;
	[tilespmem:v10+s26+$0x0] =	vst.idx.add.f32.msk $0xffff, v1  }
0x187: {  	v4 =	vshrl.u32 v4, $0x14;
	[tilespmem:v10+s28+$0x0] =	vst.idx.add.f32.msk $0xffff, v3;
	v3 =	vpop (erf)  }
0x188: {  	s10 =	sadd.s32 $0x1, s10;
	[tilespmem:v10+s29+$0x0] =	vst.idx.add.f32.msk $0xffff, v61;
	v62 =	vmul.f32 v29, v3  }
0x189: {  	p0 =	sne.s32 s10, $0x8;
	[tilespmem:v8+s26+$0x0] =	vst.idx.add.f32.msk $0xffff, v1;
	v3 =	vadd.f32 v29, v3  }
.Ltmp3:
0x18a: {  	v63 =	vpop (erf);
	[tilespmem:v8+s28+$0x0] =	vst.idx.add.f32.msk $0xffff, v62;
	(pc) =	sbr.rel @p0 .LBB2_4-.Ltmp3, $4  }
0x18b: {  	[tilespmem:v8+s29+$0x0] =	vst.idx.add.f32.msk $0xffff, v3;
	v3 =	vmul.f32 v2, v63  }
0x18c: {  	v2 =	vadd.f32 v2, v63;
	[tilespmem:v4+s26+$0x0] =	vst.idx.add.f32.msk $0xffff, v1  }
0x18d: {  	[tilespmem:v4+s28+$0x0] =	vst.idx.add.f32.msk $0xffff, v3  }
0x18e: {  	[tilespmem:v4+s29+$0x0] =	vst.idx.add.f32.msk $0xffff, v2  }
0x18f: {  	[spmem:s13] =	stream.linear.scatter [tilespmem:s26], [sflag:$0x3], $0x1000, $0x38;
	[tilespmem:$0x12600] =	vst v63  }
0x190: {  	_ =	swait.ge [sflag:s31], $0x1000  }
0x191: {  	[sflag:s31] =	ssyncset.done $0x0  }
0x192: {  	s9 =	rddreg [dreg:$0x9];
	[sflag:s31] =	ssyncadd.s32 $0xFFFFF000  }
0x193: {  	[spmem:s9] =	stream.linear.scatter [tilespmem:s28], [sflag:$0x3], $0x1000, $0x38;
	[tilespmem:$0x12600] =	vst v63  }
0x194: {  	_ =	swait.ge [sflag:s31], $0x1000  }
0x195: {  	[sflag:s31] =	ssyncset.done $0x0  }
0x196: {  	s19 =	rddreg [dreg:$0xa];
	[sflag:s31] =	ssyncadd.s32 $0xFFFFF000  }
0x197: {  	[spmem:s19] =	stream.linear.scatter [tilespmem:s29], [sflag:$0x3], $0x1000, $0x38;
	[tilespmem:$0x12600] =	vst v63  }
0x198: {  	_ =	swait.ge [sflag:s31], $0x1000  }
0x199: {  	[sflag:s31] =	ssyncset.done $0x0  }
0x19a: {  	[sflag:s31] =	ssyncadd.s32 $0xFFFFF000  }
0x19b: {  	[bflag:$0x0] =	sbarrier.arrive $0xFFFF  }
0x19c: {  	[tilespmem:$0x12300] =	vst v0  }
0x19d: {  	[tilespmem:$0x12310] =	vst v0  }
0x19e: {  	[tilespmem:$0x12320] =	vst v0  }
0x19f: {  	[tilespmem:$0x12330] =	vst v0  }
0x1a0: {  	[tilespmem:$0x12340] =	vst v0  }
0x1a1: {  	[tilespmem:$0x12350] =	vst v0  }
0x1a2: {  	[tilespmem:$0x12360] =	vst v0  }
0x1a3: {  	[tilespmem:$0x12370] =	vst v0  }
0x1a4: {  	[tilespmem:$0x12380] =	vst v0  }
0x1a5: {  	[tilespmem:$0x12390] =	vst v0  }
0x1a6: {  	[tilespmem:$0x123A0] =	vst v0  }
0x1a7: {  	[tilespmem:$0x123B0] =	vst v0  }
0x1a8: {  	[tilespmem:$0x123C0] =	vst v0  }
0x1a9: {  	[tilespmem:$0x123D0] =	vst v0  }
0x1aa: {  	[tilespmem:$0x123E0] =	vst v0  }
0x1ab: {  	[tilespmem:$0x123F0] =	vst v0  }
0x1ac: {  	[tilespmem:$0x12400] =	vst v0  }
0x1ad: {  	[tilespmem:$0x12410] =	vst v0  }
0x1ae: {  	[tilespmem:$0x12420] =	vst v0  }
0x1af: {  	[tilespmem:$0x12430] =	vst v0  }
0x1b0: {  	[tilespmem:$0x12440] =	vst v0  }
0x1b1: {  	[tilespmem:$0x12450] =	vst v0  }
0x1b2: {  	[tilespmem:$0x12460] =	vst v0  }
0x1b3: {  	[tilespmem:$0x12470] =	vst v0  }
0x1b4: {  	[tilespmem:$0x12480] =	vst v0  }
0x1b5: {  	[tilespmem:$0x12490] =	vst v0  }
0x1b6: {  	[tilespmem:$0x124A0] =	vst v0  }
0x1b7: {  	[tilespmem:$0x124B0] =	vst v0  }
0x1b8: {  	[tilespmem:$0x124C0] =	vst v0  }
0x1b9: {  	[tilespmem:$0x124D0] =	vst v0  }
0x1ba: {  	[tilespmem:$0x124E0] =	vst v0  }
0x1bb: {  	[tilespmem:$0x124F0] =	vst v0  }
0x1bc: {  	[tilespmem:$0x12500] =	vst v0  }
0x1bd: {  	[tilespmem:$0x12510] =	vst v0  }
0x1be: {  	[tilespmem:$0x12520] =	vst v0  }
0x1bf: {  	[tilespmem:$0x12530] =	vst v0  }
0x1c0: {  	[tilespmem:$0x12540] =	vst v0  }
0x1c1: {  	[tilespmem:$0x12550] =	vst v0  }
0x1c2: {  	[tilespmem:$0x12560] =	vst v0  }
0x1c3: {  	[tilespmem:$0x12570] =	vst v0  }
0x1c4: {  	[tilespmem:$0x12580] =	vst v0  }
0x1c5: {  	[tilespmem:$0x12590] =	vst v0  }
0x1c6: {  	[tilespmem:$0x125A0] =	vst v0  }
0x1c7: {  	[tilespmem:$0x125B0] =	vst v0  }
0x1c8: {  	[tilespmem:$0x125C0] =	vst v0  }
0x1c9: {  	[tilespmem:$0x125D0] =	vst v0  }
0x1ca: {  	[tilespmem:$0x125E0] =	vst v0  }
0x1cb: {  	s9 =	simm.s32 $0x0;
	[tilespmem:$0x125F0] =	vst v0  }
.LBB2_10:
0x1cc: {  	s10 =	smul.u32 $0xC000, s9;
	_ =	sdelay $0x1  }
0x1cd: {  	s10 =	sshra.s32 s10, $0x2  }
0x1ce: {  	s10 =	sadd.s32 s10, s5  }
0x1cf: {  	s10 =	sadd.s32 s8, s10  }
0x1d0: {  	[tilespmem:s4], [sflag:$0x3] =	stream.linear.gather [spmem:s10], $0x100, $0x38;
	[tilespmem:$0x12600] =	vst v63  }
0x1d1: {  	_ =	swait.ge [sflag:s31], $0x100  }
0x1d2: {  	[sflag:s31] =	ssyncset.done $0x0  }
0x1d3: {  	s11 =	sadd.s32 $0x1000, s10;
	[sflag:s31] =	ssyncadd.s32 $0xFFFFFF00  }
0x1d4: {  	[tilespmem:s1], [sflag:$0x3] =	stream.linear.gather [spmem:s11], $0x100, $0x38;
	[tilespmem:$0x12600] =	vst v63  }
0x1d5: {  	_ =	swait.ge [sflag:s31], $0x100  }
0x1d6: {  	[sflag:s31] =	ssyncset.done $0x0  }
0x1d7: {  	s10 =	sadd.s32 $0x2000, s10;
	[sflag:s31] =	ssyncadd.s32 $0xFFFFFF00  }
0x1d8: {  	[tilespmem:s21], [sflag:$0x3] =	stream.linear.gather [spmem:s10], $0x100, $0x38;
	[tilespmem:$0x12600] =	vst v63  }
0x1d9: {  	_ =	swait.ge [sflag:s31], $0x100  }
0x1da: {  	[sflag:s31] =	ssyncset.done $0x0  }
0x1db: {  	s10 =	simm.s32 $0x0;
	[sflag:s31] =	ssyncadd.s32 $0xFFFFFF00  }
0x1dc: {  	s11 =	simm.s32 $0x40;
	v2 =	vld [tilespmem:s10+$0x12000]  }
.LBB2_11:
0x1dd: {  	p0 =	sne.s32 s11, $0xBC0;
	v3 =	vld [tilespmem:s10+$0x12300];
	_ =	sdelay $0x2  }
.Ltmp4:
0x1de: {  	(pc) =	sbr.rel @p0 .LBB2_11-.Ltmp4, $4  }
0x1df: {  	_ = 	snop  }
0x1e0: {  	v3 =	vadd.f32 v2, v3  }
0x1e1: {  	s14 =	sshra.s32 s11, $0x2  }
0x1e2: {  	s11 =	sadd.s32 $0x40, s11;
	v2 =	vld [tilespmem:s14+$0x12000];
	[tilespmem:s10+$0x12300] =	vst v3;
	s10 =	smov.u32 s14  }
0x1e3: {  	v3 =	vld [tilespmem:s10+$0x12300]  }
0x1e4: {  	s9 =	sadd.s32 $0x1, s9  }
0x1e5: {  	p0 =	sne.s32 s9, $0x10  }
.Ltmp5:
0x1e6: {  	_ = 	snop;
	(pc) =	sbr.rel @p0 .LBB2_10-.Ltmp5, $3  }
0x1e7: {  	_ = 	snop  }
0x1e8: {  	v2 =	vadd.f32 v2, v3;
	_ =	sdelay $0x1  }
0x1e9: {  	[tilespmem:s10+$0x12300] =	vst v2  }
0x1ea: {  	s9 =	rddreg [dreg:$0xb];
	s10 =	simm.s32 $0x12300  }
0x1eb: {  	[hbm4b:s9+s6] =	stream.linear.scatter [tilespmem:s10], [sflag:$0x3], $0x100, $0x38;
	[tilespmem:$0x12600] =	vst v63  }
0x1ec: {  	_ =	swait.ge [sflag:s31], $0x100  }
0x1ed: {  	[sflag:s31] =	ssyncset.done $0x0  }
0x1ee: {  	s16 =	simm.s32 $0x12400;
	s15 =	rddreg [dreg:$0xc];
	[sflag:s31] =	ssyncadd.s32 $0xFFFFFF00  }
0x1ef: {  	[hbm4b:s15+s6] =	stream.linear.scatter [tilespmem:s16], [sflag:$0x3], $0x100, $0x38;
	[tilespmem:$0x12600] =	vst v63  }
0x1f0: {  	_ =	swait.ge [sflag:s31], $0x100  }
0x1f1: {  	[sflag:s31] =	ssyncset.done $0x0  }
0x1f2: {  	s18 =	simm.s32 $0x12500;
	s17 =	rddreg [dreg:$0xd];
	[sflag:s31] =	ssyncadd.s32 $0xFFFFFF00  }
0x1f3: {  	[hbm4b:s17+s6] =	stream.linear.scatter [tilespmem:s18], [sflag:$0x3], $0x100, $0x38;
	[tilespmem:$0x12600] =	vst v63  }
0x1f4: {  	_ =	swait.ge [sflag:s31], $0x100  }
0x1f5: {  	s22 =	sadd.s32 $0x1, s22;
	s19 =	rddreg [dreg:$0xe]  }
0x1f6: {  	p0 =	sne.s32 s22, s19  }
.Ltmp6:
0x1f7: {  	_ = 	snop;
	(pc) =	sbr.rel @p0 .LBB2_1-.Ltmp6, $3  }
0x1f8: {  	_ =	sdelay $0x1  }
0x1f9: {  	[sflag:s31] =	ssyncset.done $0x0  }
0x1fa: {  	[sflag:s31] =	ssyncadd.s32 $0xFFFFFF00  }
0x1fb: {  	_ =	sfence.sel $0x180000  }
0x1fc: {  	[bflag:$0x0] =	sbarrier.arrive $0xFFFF  }
0x1fd: {  	_ =	strace $0x90000047  }
0x1fe: {  	s0 =	stileid.u32;
	[bflag:$0x2] =	sbarrier.arrive $0xFFFF  }
0x1ff: {  	p0 =	sne.s32 s0, $0x0;
	s0 =	rddreg [dreg:$0x5]  }
0x200: {  	s0 =	sadd.s32 @!p0 $0x100000, s0  }
0x201: {  	[sflag:s0] =	ssyncadd.tile.s32 @!p0 $0x1;
	_ =	shalt  }
.Lfunc_end2:
_tile_overlayer_lowered:
.L_overlay_start_2:
0x202: {  	(tag) =	ssettag $0x2  }
0x203: {  	s0 =	rddreg [dreg:$0x0];
	s2 =	stileid.u32  }
0x204: {  	s1 =	rddreg [dreg:$0x1];
	p0 =	sne.s32 s2, $0x0  }
0x205: {  	s3 =	rddreg [dreg:$0x2];
	[bflag:$0x3] =	sbarrier.arrive $0xFFFF;
	s2 =	simm.s32 @!p0 $0x1C03  }
0x206: {  	[timem:s3], [sflag:s2] =	dma.local @!p0 [hbm:s0], s1  }
0x207: {  	s0 =	simm.s32 @!p0 $0x3  }
0x208: {  	_ =	swait.ge @!p0 [sflag:s0], s1  }
0x209: {  	s1 =	ssub.s32 @!p0 $0x0, s1;
	[sflag:s0] =	ssyncset.done @!p0 $0x0  }
0x20a: {  	[sflag:s0] =	ssyncadd.s32 @!p0 s1  }
0x20b: {  	[bflag:$0x3] =	sbarrier.arrive $0xFFFF  }
0x20c: {  	_ =	shalt  }

// kernel: kernel.7.cloned.1.call-start
scs
__scs_entry_jumppad:
0x0: {  	(pc) =	sbr.rel $0x88, $3  }
0x1: {  	(tag) =	ssettag $0x0;
	lr =	simm.s32 $0x1  }
0x2: {  	[smem:$0x3F9E] =	sst lr;
	_ =	strace $0xD0000000  }
0x3: {  	_ = 	snop  }
0x4: {  	_ = 	snop  }
0x5: {  	_ = 	snop  }
0x6: {  	_ = 	snop  }
0x7: {  	_ = 	snop  }
__scs_overlays_trampoline_lowered:
0x8: {  	[smem:$0x3FAD] =	sst s0  }
0x9: {  	[smem:$0x3FAE] =	sst s1  }
0xa: {  	[smem:$0x3FAF] =	sst s2  }
0xb: {  	[smem:$0x3FB0] =	sst s3  }
0xc: {  	[smem:$0x3FB1] =	sst s4  }
0xd: {  	[smem:$0x3FB2] =	sst s5  }
0xe: {  	[smem:$0x3FB3] =	sst s6  }
0xf: {  	[smem:$0x3FB4] =	sst s7  }
0x10: {  	[smem:$0x3FB5] =	sst s8  }
0x11: {  	[smem:$0x3FB6] =	sst s9;
	s0 =	simm.s32 @!p0 $0x0  }
0x12: {  	s1 =	sld [smem:$0x3F9C];
	s0 =	simm.s32 @p0 $0x1  }
0x13: {  	[smem:$0x3FB7] =	sst s0;
	s0 =	simm.s32 @!p1 $0x0  }
0x14: {  	s2 =	sld [smem:$0x3F9B];
	s0 =	simm.s32 @p1 $0x1  }
0x15: {  	[smem:$0x3FB8] =	sst s0;
	s0 =	simm.s32 @!p2 $0x0  }
0x16: {  	s3 =	sld [smem:$0x3FDB];
	s0 =	simm.s32 @p2 $0x1  }
0x17: {  	s4 =	simm.s32 $0x1BF5;
	[smem:$0x3FBA] =	sst s0  }
0x18: {  	s0 =	sld [smem:$0x3F9D];
	_ =	swait.ge [sflag:s4], $0x0  }
0x19: {  	s7 =	sld [smem:$0x3F9E]  }
0x1a: {  	s8 =	sadd.s32 $0xFFFFE003, lr  }
0x1b: {  	s9 =	sadd.s32 $0xFFFFFEF7, lr;
	s5 =	simm.s32 $0xFFFFFFFF;
	p2 =	slt.u32 s8, $0xFFFFF086  }
0x1c: {  	p1 =	slt.u32 s9, $0xF7A;
	s5 =	simm.s32 @!p2 $0x0  }
0x1d: {  	s5 =	simm.s32 @p1 $0x1;
	p0 =	seq.s32 s7, s2  }
0x1e: {  	s7 =	smul.u32 @!p0 $0xF7A, s2;
	p2 =	seq.s32 @!p0 s5, $0x0  }
0x1f: {  	s9 =	smul.u32 $0xF7A, s1;
	s8 =	simm.s32 @!p0 $0x1BF5;
	p2 =	por !p2, p0  }
0x20: {  	[sflag:s8] =	ssyncset.s32 @!p0 $0xFFFFF086;
	s6 =	sadd.s32 @!p0 s3, s7;
	s7 =	simm.s32 @!p0 $0x108  }
0x21: {  	s3 =	sadd.s32 s3, s9;
	s6 =	sadd.s32 @!p0 $0x88, s6;
	s7 =	simm.s32 @p2 $0x1082  }
0x22: {  	[simem:s7], [sflag:s8] =	dma.local @!p0 [hbm:s6], $0xF7A  }
0x23: {  	s9 =	sor.u32 $0xD0000000, s2;
	s6 =	simm.s32 $0x108;
	_ =	swait.ge @!p0 [sflag:s8], $0x0  }
0x24: {  	s3 =	sadd.s32 $0x88, s3;
	s6 =	simm.s32 @!p1 $0x1082;
	[sflag:s4] =	ssyncset.s32 $0xFFFFF086  }
0x25: {  	[simem:s6], [sflag:s4] =	dma.local [hbm:s3], $0xF7A  }
0x26: {  	[smem:$0x3F9E] =	sst s1;
	(tag) =	ssettag s2;
	_ =	strace s9  }
0x27: {  	s1 =	sld [smem:$0x3FAE]  }
0x28: {  	s2 =	sld [smem:$0x3FAF]  }
0x29: {  	s4 =	sld [smem:$0x3FB1]  }
0x2a: {  	p0 =	seq.s32 s5, $0x0;
	s5 =	sld [smem:$0x3FB2]  }
0x2b: {  	s6 =	sld [smem:$0x3FB3]  }
0x2c: {  	s7 =	sld [smem:$0x3FB4]  }
0x2d: {  	s3 =	simm.s32 $0x108;
	s8 =	sld [smem:$0x3FB5]  }
0x2e: {  	s3 =	simm.s32 @!p0 $0x1082;
	s9 =	sld [smem:$0x3FB6]  }
0x2f: {  	lr =	sadd.s32 s0, s3;
	s0 =	sld [smem:$0x3FAD]  }
0x30: {  	s3 =	sld [smem:$0x3FB0]  }
0x31: {  	[smem:$0x3FB9] =	sst s10  }
0x32: {  	s10 =	sld [smem:$0x3FB7];
	_ =	sdelay $0x3  }
0x33: {  	p0 =	seq.s32 s10, $0x1;
	s10 =	sld [smem:$0x3FB9];
	_ =	sdelay $0x3  }
0x34: {  	[smem:$0x3FB9] =	sst s10  }
0x35: {  	s10 =	sld [smem:$0x3FB8];
	_ =	sdelay $0x3  }
0x36: {  	p1 =	seq.s32 s10, $0x1;
	s10 =	sld [smem:$0x3FB9];
	_ =	sdelay $0x3  }
0x37: {  	[smem:$0x3FB9] =	sst s10  }
0x38: {  	s10 =	sld [smem:$0x3FBA]  }
0x39: {  	_ = 	snop;
	(pc) =	sbr.ind lr, $3  }
0x3a: {  	_ = 	snop  }
0x3b: {  	_ = 	snop  }
0x3c: {  	p2 =	seq.s32 s10, $0x1;
	s10 =	sld [smem:$0x3FB9]  }
0x3d: {  	_ =	shalt  }
0x3e: {  	_ =	shalt  }
0x3f: {  	_ =	shalt  }
0x40: {  	_ =	shalt  }
0x41: {  	_ =	shalt  }
0x42: {  	_ =	shalt  }
0x43: {  	_ =	shalt  }
0x44: {  	_ =	shalt  }
0x45: {  	_ =	shalt  }
0x46: {  	_ =	shalt  }
0x47: {  	_ =	shalt  }
0x48: {  	_ =	shalt  }
0x49: {  	_ =	shalt  }
0x4a: {  	_ =	shalt  }
0x4b: {  	_ =	shalt  }
0x4c: {  	_ =	shalt  }
0x4d: {  	_ =	shalt  }
0x4e: {  	_ =	shalt  }
0x4f: {  	_ =	shalt  }
0x50: {  	_ =	shalt  }
0x51: {  	_ =	shalt  }
0x52: {  	_ =	shalt  }
0x53: {  	_ =	shalt  }
0x54: {  	_ =	shalt  }
0x55: {  	_ =	shalt  }
0x56: {  	_ =	shalt  }
0x57: {  	_ =	shalt  }
0x58: {  	_ =	shalt  }
0x59: {  	_ =	shalt  }
0x5a: {  	_ =	shalt  }
0x5b: {  	_ =	shalt  }
0x5c: {  	_ =	shalt  }
0x5d: {  	_ =	shalt  }
0x5e: {  	_ =	shalt  }
0x5f: {  	_ =	shalt  }
0x60: {  	_ =	shalt  }
0x61: {  	_ =	shalt  }
0x62: {  	_ =	shalt  }
0x63: {  	_ =	shalt  }
0x64: {  	_ =	shalt  }
0x65: {  	_ =	shalt  }
0x66: {  	_ =	shalt  }
0x67: {  	_ =	shalt  }
0x68: {  	_ =	shalt  }
0x69: {  	_ =	shalt  }
0x6a: {  	_ =	shalt  }
0x6b: {  	_ =	shalt  }
0x6c: {  	_ =	shalt  }
0x6d: {  	_ =	shalt  }
0x6e: {  	_ =	shalt  }
0x6f: {  	_ =	shalt  }
0x70: {  	_ =	shalt  }
0x71: {  	_ =	shalt  }
0x72: {  	_ =	shalt  }
0x73: {  	_ =	shalt  }
0x74: {  	_ =	shalt  }
0x75: {  	_ =	shalt  }
0x76: {  	_ =	shalt  }
0x77: {  	_ =	shalt  }
0x78: {  	_ =	shalt  }
0x79: {  	_ =	shalt  }
0x7a: {  	_ =	shalt  }
0x7b: {  	_ =	shalt  }
0x7c: {  	_ =	shalt  }
0x7d: {  	_ =	shalt  }
0x7e: {  	_ =	shalt  }
0x7f: {  	_ =	shalt  }
0x80: {  	_ =	shalt  }
0x81: {  	_ =	shalt  }
0x82: {  	_ =	shalt  }
0x83: {  	_ =	shalt  }
0x84: {  	_ =	shalt  }
0x85: {  	_ =	shalt  }
0x86: {  	_ =	shalt  }
0x87: {  	_ =	shalt  }
.Lfunc_end0:
.L_simem_size_0:
called_computation.1_lowered:
.L_overlay_start_0:
0x88: {  	s2 =	sld [smem:$0x3FD9]  }
0x89: {  	s3 =	sld [smem:$0x3FFE];
	_ =	sdelay $0x1  }
0x8a: {  	s1 =	srdreg.scid  }
0x8b: {  	s0 =	sand.u32 $0x1, s1  }
0x8c: {  	s17 =	sshll.u32 s0, $0xA;
	s2 =	sadd.s32 s3, s2  }
0x8d: {  	s2 =	sadd.s32 s2, s17  }
0x8e: {  	[smem:$0x3FC5] =	sst s2  }
0x8f: {  	_ = 	snop  }
0x90: {  	s2 =	sld [smem:$0x3FD0];
	(tm) =	ssettm $0x1  }
0x91: {  	s18 =	sld [smem:$0x3FFB];
	_ =	sdelay $0x3  }
0x92: {  	_ =	strace s18  }
0x93: {  	s3 =	sld [smem:$0x3FFC];
	_ =	sdelay $0x3  }
0x94: {  	_ =	strace s3  }
0x95: {  	s3 =	sld [smem:$0x3FFD];
	_ =	sdelay $0x3  }
0x96: {  	_ =	strace s3  }
0x97: {  	_ =	strace $0x8FFFFFFF  }
0x98: {  	s19 =	sld [smem:$0x3FDB];
	_ =	sdelay $0x1  }
0x99: {  	s4 =	simm.s32 $_scs_section_size  }
0x9a: {  	s5 =	simm.s32 $_size__tile_overlayer_lowered;
	s6 =	simm.s32 $_tile_overlayer_lowered  }
0x9b: {  	s22 =	simm.s32 $0x1BFF;
	s21 =	sshll.u32 s6, $0x1;
	s3 =	sadd.s32 s4, s19  }
0x9c: {  	s7 =	simm.s32 $0x0;
	s20 =	sshll.u32 s5, $0x1;
	s5 =	sadd.s32 s21, s3  }
0x9d: {  	[timem:s7], [sflag:s22] =	dma.local [hbm:s5], s20  }
0x9e: {  	_ =	swait.ge [sflag:s22], s20  }
0x9f: {  	s4 =	ssub.s32 $0x0, s20;
	[sflag:s22] =	ssyncset.done $0x0  }
0xa0: {  	[sflag:s22] =	ssyncadd.s32 s4;
	_ =	sdelay $0x1  }
0xa1: {  	s23 =	simm.s32 $0x1B8B  }
0xa2: {  	_ =	swait.ge [sflag:s23], $0x1  }
0xa3: {  	[sflag:s23] =	ssyncset.done $0x0  }
0xa4: {  	s25 =	simm.s32 $0x1B8E;
	s24 =	sld [smem:$0x3FFE];
	[sflag:s23] =	ssyncadd.s32 $0xFFFFFFFF  }
0xa5: {  	s26 =	simm.s32 $execute0_lowered;
	[smem:$0x3FD2] =	sst s25  }
0xa6: {  	s5 =	sshll.u32 s26, $0x1;
	_ =	strace $0x80000049;
	[dreg:$0x1] =	wrdreg $0xFFFFFFFF  }
0xa7: {  	s28 =	simm.s32 $_size_execute0_lowered;
	s3 =	sadd.s32 s3, s5;
	[dreg:$0x0] =	wrdreg $0x0  }
0xa8: {  	s5 =	sshll.u32 s28, $0x1;
	[dreg:$0x2] =	wrdreg s3  }
0xa9: {  	[dreg:$0x3] =	wrdreg s5  }
0xaa: {  	[dreg:$0x4] =	wrdreg $0xC0  }
0xab: {  	_ =	task [dreg:s7], $0x5FFFF  }
0xac: {  	[dreg:$0x1] =	wrdreg $0xFFFFFFFF  }
0xad: {  	[dreg:$0x0] =	wrdreg $0x60  }
0xae: {  	[dreg:$0x2] =	wrdreg s24  }
0xaf: {  	[dreg:$0x3] =	wrdreg s2  }
0xb0: {  	[dreg:$0x4] =	wrdreg $0x9  }
0xb1: {  	_ =	task.clear_ibuf [dreg:s7], $0x5FFFF;
	_ =	strace $0x90000049  }
0xb2: {  	s29 =	simm.s32 $0x9;
	_ =	strace $0x8000004B  }
0xb3: {  	_ =	swait.ge [sflag:s29], $0x1  }
0xb4: {  	[sflag:s29] =	ssyncadd.s32 $0xFFFFFFFF  }
0xb5: {  	_ =	strace $0x9000004B  }
0xb6: {  	_ =	sfence  }
0xb7: {  	s30 =	sld [smem:$0x0];
	_ =	sdelay $0x2  }
0xb8: {  	s31 =	sshll.u32 s1, $0xD;
	s1 =	sshrl.u32 s1, $0x2  }
0xb9: {  	s3 =	sand.u32 $0x4000, s31;
	s1 =	sadd.s32 s1, s30  }
0xba: {  	s0 =	sor.u32 s3, s0;
	s1 =	sshll.u32 s1, $0x11  }
0xbb: {  	s0 =	sor.u32 s1, s0  }
0xbc: {  	s0 =	sadd.s32 $0x8F2B, s0  }
0xbd: {  	[sflag:s0] =	ssyncadd.remote.s32 $0x1  }
0xbe: {  	_ =	sfence.sel $0xFFFF  }
0xbf: {  	[dreg:$0x0] =	wrdreg $0xFFFFFFFF;
	(pc) =	sbr.abs _section_cstart, $3  }
0xc0: {  	[dreg:$0x1] =	wrdreg $0xFFFFFFFF  }
0xc1: {  	_ =	task.clear_ibuf [dreg:s7], $0x2FFFF;
	_ =	strace $0x9FFFFFFF  }
0xc2: {  	(tm) =	ssettm $0x7FFFFFFF  }
0xc3: {  	_ =	shalt  }
tec
execute0_lowered:
.L_overlay_start_1:
0x0: {  	(tag) =	ssettag $0x1  }
0x1: {  	s0 =	srdreg.scid  }
0x2: {  	s4 =	sand.u32 $0x1, s0;
	s0 =	stileid.u32  }
0x3: {  	s5 =	sor.u32 s0, s4  }
0x4: {  	p0 =	sne.s32 s5, $0x0  }
.Ltmp0:
0x5: {  	_ = 	snop;
	(pc) =	sbr.rel @!p0 .LBB2_1-.Ltmp0, $4  }
0x6: {  	_ = 	snop  }
0x7: {  	s3 =	rddreg [dreg:$0x0]  }
0x8: {  	s2 =	rddreg [dreg:$0x1]  }
0x9: {  	s1 =	rddreg [dreg:$0x2];
	_ =	strace $0x8000004A  }
.LBB2_12:
0xa: {  	_ =	sfence.sel $0x180000  }
0xb: {  	[bflag:$0x0] =	sbarrier.arrive $0xFFFF  }
0xc: {  	p0 =	sne.s32 s0, $0x0;
	_ =	strace $0x9000004A  }
0xd: {  	s0 =	sadd.s32 @!p0 $0x100000, s1;
	[bflag:$0x2] =	sbarrier.arrive $0xFFFF  }
0xe: {  	[sflag:s0] =	ssyncadd.tile.s32 @!p0 $0x1;
	_ =	shalt  }
.LBB2_1:
0xf: {  	v0 =	vlaneseq.u32  }
0x10: {  	s4 =	ssub.s32 $0x2, s4;
	s3 =	sadd.s32 $0x800, s3;
	v1 =	vmul.u32 $0xFFFFFFFF, v0  }
0x11: {  	s6 =	simm.s32 $0x1;
	s7 =	simm.s32 $0x9000;
	s5 =	sshrl.u32 s4, $0x1  }
0x12: {  	vm0 =	vmxor vm0, vm0;
	s8 =	simm.s32 $0x0;
	v2 =	vor.u32 $0x80000000, v0;
	s4 =	ssub.s32 s4, s5;
	s5 =	simm.s32 $0x0;
	v1 =	vadd.s32 $0xF, v1  }
.LBB2_2:
0x13: {  	[tilespmem:s5], [sflag:$0x1] =	stream.linear.gather [hbm4b:s3+s5], $0x6000, $0x38;
	[tilespmem:$0x9080] =	vst v63  }
0x14: {  	p1 =	por $0x0, $0x0  }
.Ltmp1:
0x15: {  	_ = 	snop;
	(pc) =	sbr.rel @p1 .LBB2_3-.Ltmp1, $4  }
0x16: {  	_ =	swait.ge [sflag:s6], $0x6000  }
0x17: {  	[sflag:s6] =	ssyncset.done $0x0  }
0x18: {  	s10 =	sand.u32 $0x3FF0, s5;
	[sflag:s6] =	ssyncadd.s32 $0xFFFFA000  }
0x19: {  	s9 =	simm.s32 $0x6000;
	p0 =	por $0x0, $0x0;
	v3 =	vld [tilespmem:s10+$0x3000];
	s10 =	simm.s32 $0x10  }
0x1a: {  	v4 =	vld [tilespmem:s5+$0x0];
	_ =	sdelay $0x2  }
0x1b: {  	p1 =	por $0x0, $0x0  }
.Ltmp2:
0x1c: {  	_ = 	snop;
	(pc) =	sbr.rel @p1 .LBB2_5-.Ltmp2, $3  }
0x1d: {  	v3 =	vadd.f32 v3, v4;
	_ =	sdelay $0x1  }
0x1e: {  	s11 =	sand.u32 $0x3FF0, s10;
	[tilespmem:s9+$0x0] =	vst v3  }
0x1f: {  	s12 =	simm.s32 $0x20;
	p0 =	por $0x1, $0x1;
	v3 =	vld [tilespmem:s11+$0x3000];
	s11 =	simm.s32 $0x6000  }
.LBB2_6:
0x20: {  	p1 =	seq.s32 s12, $0x2FF0;
	v4 =	vld [tilespmem:s10+$0x0];
	_ =	sdelay $0x3  }
.Ltmp3:
0x21: {  	(pc) =	sbr.rel @!p1 .LBB2_6-.Ltmp3, $4  }
0x22: {  	v3 =	vadd.f32 v3, v4  }
0x23: {  	s11 =	sadd.s32 $0x10, s11  }
0x24: {  	s13 =	sand.u32 $0x3FF0, s12;
	[tilespmem:s11+$0x0] =	vst v3  }
0x25: {  	s12 =	sadd.s32 $0x10, s12;
	s10 =	sadd.s32 $0x10, s10;
	v3 =	vld [tilespmem:s13+$0x3000]  }
.LBB2_7:
0x26: {  	v4 =	vld [tilespmem:s10+$0x0];
	_ =	sdelay $0x4  }
0x27: {  	s10 =	sadd.s32 @p0 $0x10, s11;
	v3 =	vadd.f32 v3, v4  }
0x28: {  	s9 =	smov.u32 @p0 s10  }
0x29: {  	s12 =	simm.s32 $0x6FF0;
	[tilespmem:s9+$0x0] =	vst v3  }
0x2a: {  	v3 =	vld [tilespmem:s12+$0x0];
	_ =	sdelay $0x2  }
0x2b: {  	s17 =	simm.s32 $0x6FE0  }
0x2c: {  	v4 =	vld [tilespmem:s17+$0x0]  }
0x2d: {  	(xrf2) =	vadd.scan.msk.f32 $0xffff, v3  }
0x2e: {  	v3 =	vperm.xlane v3, v1;
	_ =	sdelay $0x1  }
0x2f: {  	(xrf2) =	vadd.scan.msk.f32 $0xffff, v3  }
0x30: {  	(xrf2) =	vadd.scan.msk.f32 $0xffff, v4  }
0x31: {  	s18 =	simm.s32 $0x6FD0  }
0x32: {  	v3 =	vld [tilespmem:s18+$0x0];
	v4 =	vperm.xlane v4, v1;
	_ =	sdelay $0x3  }
0x33: {  	(xrf2) =	vadd.scan.msk.f32 $0xffff, v4;
	v4, _, _ =	vpop (xrf2)  }
0x34: {  	(xrf2) =	vadd.scan.msk.f32 $0xffff, v3;
	(v2sf) =	vpush v4, $0xF;
	_ =	sdelay $0x1  }
0x35: {  	v5, _, _ =	vpop (xrf2)  }
0x36: {  	v3 =	vperm.xlane v3, v1;
	v6, _, _ =	vpop (xrf2);
	v5 =	vperm.xlane v5, v1  }
0x37: {  	s15 =	simm.f32 $0.0e+00;
	s19 =	simm.s32 $0x6FC0;
	(v2sf) =	vpush v6, $0xF  }
0x38: {  	v4 =	vld [tilespmem:s19+$0x0];
	(xrf2) =	vadd.scan.msk.f32 $0xffff, v3;
	v3 =	vadd.f32 s15, v5;
	_ =	sdelay $0x3  }
0x39: {  	vm2 =	vge.f32 v3, $1.677721000e+06;
	v3, _, _ =	vpop (xrf2)  }
0x3a: {  	p0 =	slt.f32 s15, $1.677721000e+06;
	(xrf2) =	vadd.scan.msk.f32 $0xffff, v4;
	v6, _, _ =	vpop (xrf2)  }
0x3b: {  	vm1 =	vmmov vm0;
	(v2sf) =	vpush v6, $0xF  }
0x3c: {  	s16 =	simm.s32 $0xFF0;
	vm1 =	vmneg @p0 vm1  }
0x3d: {  	v5 =	vor.u32 s16, v2;
	vm1 =	vmand vm1, vm2  }
0x3e: {  	v4 =	vperm.xlane v4, v1;
	v5 =	vnsel vm1, $0x7FFFFFFF, v5  }
0x3f: {  	(xrf0) =	vmax.scan.msk.u32 $0xffff, v5;
	s21 =	spop (v2sf)  }
0x40: {  	s20 =	simm.s32 $0x6FB0;
	(xrf2) =	vadd.scan.msk.f32 $0xffff, v4;
	v3 =	vperm.xlane v3, v1;
	s10 =	sadd.f32 s21, s15  }
0x41: {  	v5 =	vld [tilespmem:s20+$0x0]  }
0x42: {  	v3 =	vadd.f32 s10, v3  }
0x43: {  	s22 =	simm.s32 $0x6FA0;
	v6, _, _ =	vpop (xrf2);
	s23 =	spop (v2sf)  }
0x44: {  	v7 =	vld [tilespmem:s22+$0x0];
	v4, _, _ =	vpop (xrf2);
	p0 =	slt.f32 s10, $1.677721000e+06;
	s10 =	sadd.f32 s23, s10;
	vm2 =	vge.f32 v3, $1.677721000e+06;
	v3 =	vperm.xlane v6, v1  }
0x45: {  	vm1 =	vmmov vm0;
	(v2sf) =	vpush v4, $0xF;
	v4, _, _ =	vpop (xrf0)  }
0x46: {  	(xrf2) =	vadd.scan.msk.f32 $0xffff, v5;
	(v2sf) =	vpush v4, $0xF;
	v4 =	vperm.xlane v5, v1;
	v3 =	vadd.f32 s10, v3  }
0x47: {  	s24 =	simm.s32 $0xFE0;
	vm1 =	vmneg @p0 vm1  }
0x48: {  	(xrf2) =	vadd.scan.msk.f32 $0xffff, v4;
	v4 =	vor.u32 s24, v2;
	vm1 =	vmand vm1, vm2  }
0x49: {  	s26 =	simm.s32 $0x6F90;
	(xrf2) =	vadd.scan.msk.f32 $0xffff, v7;
	p0 =	slt.f32 s10, $1.677721000e+06;
	v4 =	vnsel vm1, $0x7FFFFFFF, v4  }
0x4a: {  	v5 =	vperm.xlane v7, v1;
	vm1 =	vmmov vm0;
	(xrf0) =	vmax.scan.msk.u32 $0xffff, v4;
	v4 =	vld [tilespmem:s26+$0x0];
	vm2 =	vge.f32 v3, $1.677721000e+06;
	s28 =	spop (v2sf);
	v3, _, _ =	vpop (xrf2)  }
0x4b: {  	s25 =	simm.s32 $0xFD0;
	vm1 =	vmneg @p0 vm1;
	s11 =	sadd.f32 s28, s10;
	v3 =	vperm.xlane v3, v1  }
0x4c: {  	(xrf2) =	vadd.scan.msk.f32 $0xffff, v5;
	v5 =	vor.u32 s25, v2;
	vm1 =	vmand vm1, vm2  }
0x4d: {  	v5 =	vnsel vm1, $0x7FFFFFFF, v5;
	v3 =	vadd.f32 s11, v3  }
0x4e: {  	(xrf0) =	vmax.scan.msk.u32 $0xffff, v5  }
0x4f: {  	vm2 =	vge.f32 v3, $1.677721000e+06;
	v3 =	vperm.xlane v4, v1  }
0x50: {  	s30 =	simm.s32 $0xFC0;
	v6, _, _ =	vpop (xrf2);
	p0 =	slt.f32 s11, $1.677721000e+06  }
0x51: {  	vm1 =	vmmov vm0;
	(v2sf) =	vpush v6, $0xF;
	v6 =	vor.u32 s30, v2;
	v5, _, _ =	vpop (xrf0)  }
0x52: {  	(xrf2) =	vadd.scan.msk.f32 $0xffff, v4;
	vm1 =	vmneg @p0 vm1;
	v4, _, _ =	vpop (xrf2)  }
0x53: {  	(v2sf) =	vpush v5, $0xF;
	vm1 =	vmand vm1, vm2;
	(xrf2) =	vadd.scan.msk.f32 $0xffff, v3;
	v3, _, _ =	vpop (xrf2)  }
0x54: {  	s29 =	simm.s32 $0x6F80;
	v5 =	vnsel vm1, $0x7FFFFFFF, v6;
	v6, _, _ =	vpop (xrf0);
	(v2sf) =	vpush v3, $0xF  }
0x55: {  	v7 =	vld [tilespmem:s29+$0x0];
	s14 =	spop (v2sf);
	(v2sf) =	vpush v6, $0xF;
	_ =	sdelay $0x2  }
0x56: {  	s13 =	simm.s32 $0xFA0  }
0x57: {  	s9 =	simm.s32 $0xFFFFFFFF;
	s12 =	simm.s32 $0xF90;
	s17 =	simm.s32 $0x6F70;
	(xrf0) =	vmax.scan.msk.u32 $0xffff, v5  }
0x58: {  	s18 =	simm.s32 $0xF60;
	v4 =	vperm.xlane v4, v1;
	s16 =	sadd.f32 s14, s11;
	s31 =	spop (v2sf);
	(xrf2) =	vadd.scan.msk.f32 $0xffff, v7  }
0x59: {  	s15 =	simm.s32 $0xFB0;
	s10 =	simm.s32 $0xF80;
	s14 =	sxor.u32 $0x80000000, s31  }
0x5a: {  	s11 =	simm.s32 $0xF70;
	v5 =	vadd.f32 s16, v4;
	p1 =	slt.f32 s16, $1.677721000e+06;
	v4 =	vld [tilespmem:s17+$0x0];
	p0 =	slt.s32 s14, $0xFFFFFFFF;
	v3, _, _ =	vpop (xrf2);
	v6 =	vperm.xlane v7, v1  }
.LBB2_8:
0x5b: {  	s19 =	smov.u32 s9;
	p2 =	seq.s32 s18, $0x0;
	vm2 =	vmmov vm0;
	s9 =	smov.u32 s14  }
0x5c: {  	vm1 =	vge.f32 v5, $1.677721000e+06;
	s14 =	smov.u32 s18;
	s18 =	sadd.s32 $0xFFFFFFF0, s18;
	(xrf2) =	vadd.scan.msk.f32 $0xffff, v6;
	v6, _, _ =	vpop (xrf2);
	vm2 =	vmneg @p1 vm2;
	s9 =	smov.u32 @p0 s19  }
0x5d: {  	v5 =	vor.u32 s15, v2;
	s15 =	smov.u32 s13;
	s13 =	smov.u32 s12;
	s12 =	smov.u32 s10;
	(v2sf) =	vpush v6, $0xF;
	vm1 =	vmand vm2, vm1  }
.Ltmp4:
0x5e: {  	s10 =	smov.u32 s11;
	v5 =	vnsel vm1, $0x7FFFFFFF, v5;
	s19 =	spop (v2sf);
	v6, _, _ =	vpop (xrf0);
	(pc) =	sbr.rel @!p2 .LBB2_8-.Ltmp4, $4  }
0x5f: {  	v7 =	vperm.xlane v3, v1;
	s11 =	smov.u32 s14;
	v3, _, _ =	vpop (xrf2);
	s16 =	sadd.f32 s19, s16;
	(xrf0) =	vmax.scan.msk.u32 $0xffff, v5;
	(v2sf) =	vpush v6, $0xF  }
0x60: {  	v6 =	vperm.xlane v4, v1;
	(xrf2) =	vadd.scan.msk.f32 $0xffff, v4;
	s14 =	spop (v2sf)  }
0x61: {  	s17 =	sadd.s32 $0xFFFFFFF0, s17;
	v5 =	vadd.f32 s16, v7;
	p1 =	slt.f32 s16, $1.677721000e+06;
	s14 =	sxor.u32 $0x80000000, s14  }
0x62: {  	v4 =	vld [tilespmem:s17+$0x0];
	p0 =	sgt.s32 s9, s14  }
0x63: {  	_ =	sdelay $0x3  }
0x64: {  	v7, _, _ =	vpop (xrf2)  }
0x65: {  	(v2sf) =	vpush v7, $0xF;
	v7, _, _ =	vpop (xrf0)  }
0x66: {  	v8, _, _ =	vpop (xrf2)  }
0x67: {  	(v2sf) =	vpush v7, $0xF;
	v7, _, _ =	vpop (xrf2)  }
0x68: {  	(v2sf) =	vpush v7, $0xF;
	_ =	sdelay $0x1  }
0x69: {  	(xrf2) =	vadd.scan.msk.f32 $0xffff, v6  }
0x6a: {  	v6 =	vperm.xlane v4, v1  }
0x6b: {  	(xrf2) =	vadd.scan.msk.f32 $0xffff, v4  }
0x6c: {  	(xrf2) =	vadd.scan.msk.f32 $0xffff, v6  }
0x6d: {  	s17 =	spop (v2sf)  }
0x6e: {  	vm1 =	vmmov vm0;
	v3 =	vperm.xlane v3, v1;
	s17 =	sadd.f32 s17, s16  }
0x6f: {  	vm2 =	vge.f32 v5, $1.677721000e+06;
	vm1 =	vmneg @p1 vm1  }
0x70: {  	v5 =	vor.u32 s15, v2;
	s31 =	spop (v2sf);
	vm1 =	vmand vm1, vm2;
	p1 =	slt.f32 s17, $1.677721000e+06;
	v3 =	vadd.f32 s17, v3  }
0x71: {  	vm2 =	vmmov vm0;
	v5 =	vnsel vm1, $0x7FFFFFFF, v5;
	s18 =	spop (v2sf)  }
0x72: {  	v4 =	vperm.xlane v8, v1;
	vm2 =	vmneg @p1 vm2;
	vm1 =	vge.f32 v3, $1.677721000e+06;
	s18 =	sadd.f32 s18, s17  }
0x73: {  	vm1 =	vmand vm2, vm1;
	v6, _, _ =	vpop (xrf2);
	s19 =	spop (v2sf)  }
0x74: {  	v3 =	vperm.xlane v6, v1;
	v6 =	vor.u32 s13, v2;
	v4 =	vadd.f32 s18, v4;
	p1 =	slt.f32 s18, $1.677721000e+06;
	s20 =	spop (v2sf)  }
0x75: {  	vm3 =	vmmov vm0;
	v6 =	vnsel vm1, $0x7FFFFFFF, v6;
	v7, _, _ =	vpop (xrf2);
	s15 =	sadd.f32 s20, s18;
	s21 =	spop (v2sf)  }
0x76: {  	(xrf0) =	vmax.scan.msk.u32 $0xffff, v5;
	vm2 =	vge.f32 v4, $1.677721000e+06;
	vm3 =	vmneg @p1 vm3;
	v4 =	vor.u32 s12, v2;
	v5, _, _ =	vpop (xrf2);
	s22 =	spop (v2sf)  }
0x77: {  	vm1 =	vmand vm3, vm2;
	v5 =	vperm.xlane v5, v1;
	v3 =	vadd.f32 s15, v3;
	s12 =	sadd.f32 s22, s15  }
0x78: {  	v4 =	vnsel vm1, $0x7FFFFFFF, v4;
	p1 =	slt.f32 s15, $1.677721000e+06  }
0x79: {  	vm1 =	vmmov vm0;
	vm2 =	vge.f32 v3, $1.677721000e+06;
	v3 =	vadd.f32 s12, v5  }
0x7a: {  	(xrf0) =	vmax.scan.msk.u32 $0xffff, v6;
	vm1 =	vmneg @p1 vm1  }
0x7b: {  	(xrf0) =	vmax.scan.msk.u32 $0xffff, v4;
	v4 =	vor.u32 s10, v2;
	vm1 =	vmand vm1, vm2;
	p1 =	slt.f32 s12, $1.677721000e+06  }
0x7c: {  	vm2 =	vmmov vm0;
	v4 =	vnsel vm1, $0x7FFFFFFF, v4  }
0x7d: {  	vm1 =	vge.f32 v3, $1.677721000e+06;
	vm2 =	vmneg @p1 vm2;
	v3, _, _ =	vpop (xrf0);
	(xrf0) =	vmax.scan.msk.u32 $0xffff, v4;
	v4 =	vor.u32 s11, v2  }
0x7e: {  	vm1 =	vmand vm2, vm1  }
0x7f: {  	(v2sf) =	vpush v3, $0xF;
	v3 =	vnsel vm1, $0x7FFFFFFF, v4  }
0x80: {  	(v2sf) =	vpush v7, $0xF;
	v4, _, _ =	vpop (xrf0);
	(xrf0) =	vmax.scan.msk.u32 $0xffff, v3  }
0x81: {  	(v2sf) =	vpush v4, $0xF  }
0x82: {  	v3, _, _ =	vpop (xrf0)  }
0x83: {  	(v2sf) =	vpush v3, $0xF  }
0x84: {  	v3, _, _ =	vpop (xrf0)  }
0x85: {  	(v2sf) =	vpush v3, $0xF  }
0x86: {  	v3, _, _ =	vpop (xrf0)  }
0x87: {  	(v2sf) =	vpush v3, $0xF;
	_ =	sdelay $0x1  }
0x88: {  	s14 =	smov.u32 @p0 s9;
	s9 =	sxor.u32 $0x80000000, s31  }
0x89: {  	p0 =	sgt.s32 s14, s9  }
0x8a: {  	s9 =	smov.u32 @p0 s14;
	s10 =	sxor.u32 $0x80000000, s19  }
0x8b: {  	p0 =	sgt.s32 s9, s10  }
0x8c: {  	s10 =	smov.u32 @p0 s9;
	s9 =	sxor.u32 $0x80000000, s21  }
0x8d: {  	p0 =	sgt.s32 s10, s9;
	s23 =	spop (v2sf)  }
0x8e: {  	s9 =	smov.u32 @p0 s10;
	s10 =	sxor.u32 $0x80000000, s23;
	s24 =	spop (v2sf)  }
0x8f: {  	p0 =	sgt.s32 s9, s10;
	s11 =	spop (v2sf)  }
0x90: {  	s10 =	smov.u32 @p0 s9;
	s9 =	sxor.u32 $0x80000000, s11  }
0x91: {  	s25 =	spop (v2sf);
	p0 =	sgt.s32 s10, s9  }
0x92: {  	s9 =	smov.u32 @p0 s10;
	s10 =	sxor.u32 $0x80000000, s25  }
0x93: {  	s26 =	spop (v2sf);
	p0 =	sgt.s32 s9, s10  }
0x94: {  	s29 =	simm.s32 $0x0;
	s11 =	sxor.u32 $0x80000000, s26;
	s10 =	smov.u32 @p0 s9  }
0x95: {  	s30 =	simm.s32 $0x6000;
	p0 =	sgt.s32 s10, s11;
	s28 =	spop (v2sf)  }
0x96: {  	v12 =	vld [tilespmem:s30+$0x0];
	s31 =	sand.u32 $0xFF0, s29;
	s11 =	smov.u32 @p0 s10;
	s9 =	sxor.u32 $0x80000000, s28  }
0x97: {  	v10 =	vimm.f32 $0.0e+00;
	v5 =	vld [tilespmem:s31+$0x8000];
	p0 =	sgt.s32 s11, s9  }
0x98: {  	v11 =	vimm.f32 $0.0e+00;
	v9 =	vld [tilespmem:s31+$0x7000];
	v8 =	vimm.f32 $0.0e+00;
	v6 =	vor.u32 s29, v0;
	s9 =	smov.u32 @p0 s11  }
0x99: {  	v7 =	vimm.f32 $0.0e+00;
	v3 =	vimm.f32 $0.0e+00;
	v4 =	vmov s9  }
0x9a: {  	s10 =	simm.s32 $0x6010;
	s9 =	simm.s32 $0x10;
	vm2 =	vgt.s32 v6, v4;
	vm1 =	veq.s32 v6, v4;
	v6 =	vimm.f32 $0.0e+00  }
.LBB2_10:
0x9b: {  	s11 =	sand.u32 $0xFF0, s9  }
0x9c: {  	v13 =	vld [tilespmem:s10+$0x0];
	p0 =	sne.s32 s9, $0xFF0;
	v14 =	vnsel vm2, $0x0, v12;
	v15 =	vnsel vm2, $0x0, v5;
	v16 =	vnsel vm1, $0x0, v5;
	s12 =	smov.u32 s9;
	s9 =	sadd.s32 $0x10, s9  }
.Ltmp5:
0x9d: {  	v5 =	vld [tilespmem:s11+$0x8000];
	v17 =	vnsel vm2, $0x0, v9;
	v18 =	vnsel vm1, $0x0, v9;
	v3 =	vadd.f32 v16, v3;
	(pc) =	sbr.rel @p0 .LBB2_10-.Ltmp5, $4  }
0x9e: {  	v12 =	vnsel vm1, $0x0, v12;
	v9 =	vld [tilespmem:s11+$0x7000];
	v7 =	vadd.f32 v17, v7;
	v6 =	vadd.f32 v18, v6  }
0x9f: {  	v10 =	vadd.f32 v14, v10;
	v8 =	vadd.f32 v15, v8  }
0xa0: {  	v14 =	vor.u32 s12, v0;
	v11 =	vadd.f32 v12, v11  }
0xa1: {  	s10 =	sadd.s32 $0x10, s10;
	vm2 =	vgt.s32 v14, v4;
	vm1 =	veq.s32 v14, v4;
	v12 =	vmov v13  }
0xa2: {  	v4 =	vnsel vm2, $0x0, v12  }
0xa3: {  	v50 =	vnsel vm1, $0x0, v12;
	v4 =	vadd.f32 v4, v10  }
0xa4: {  	v51 =	vadd.f32 v50, v11  }
0xa5: {  	(xrf2) =	vadd.scan.msk.f32 $0xffff, v4  }
0xa6: {  	(xrf2) =	vadd.scan.msk.f32 $0xffff, v51;
	_ =	sdelay $0x5  }
0xa7: {  	v52 =	vnsel vm2, $0x0, v9  }
0xa8: {  	v53 =	vnsel vm1, $0x0, v9;
	v4 =	vadd.f32 v52, v7  }
0xa9: {  	v54 =	vnsel vm2, $0x0, v5;
	v6 =	vadd.f32 v53, v6  }
0xaa: {  	v55 =	vnsel vm1, $0x0, v5;
	v7 =	vadd.f32 v54, v8;
	v56, _, _ =	vpop (xrf2);
	(xrf2) =	vadd.scan.msk.f32 $0xffff, v4  }
0xab: {  	v3 =	vadd.f32 v55, v3;
	v57, _, _ =	vpop (xrf2);
	(xrf2) =	vadd.scan.msk.f32 $0xffff, v6  }
0xac: {  	v4 =	vadd.f32 $0.0e+00, v57;
	(xrf2) =	vadd.scan.msk.f32 $0xffff, v7  }
0xad: {  	(xrf2) =	vadd.scan.msk.f32 $0xffff, v3  }
0xae: {  	v3 =	vbroadcast v4, $0xF;
	_ =	sdelay $0x1  }
0xaf: {  	(erf) = vrcp.f32 v3;
	_ =	sdelay $0x3  }
0xb0: {  	v58 =	vadd.f32 $0.0e+00, v56;
	v3, _, _ =	vpop (xrf2)  }
0xb1: {  	v59, _, _ =	vpop (xrf2)  }
0xb2: {  	v4 =	vsub.f32 $1.677721000e+06, v58;
	v60, _, _ =	vpop (xrf2)  }
0xb3: {  	v61, _, _ =	vpop (xrf2)  }
0xb4: {  	v4 =	vbroadcast v4, $0xF;
	v7 =	vadd.f32 $0.0e+00, v61  }
0xb5: {  	v62 =	vpop (erf)  }
0xb6: {  	v6 =	vadd.f32 $0.0e+00, v60;
	v4 =	vmul.f32 v62, v4;
	v7 =	vbroadcast v7, $0xF;
	_ =	sdelay $0x1  }
0xb7: {  	v6 =	vbroadcast v6, $0xF;
	v7 =	vmul.f32 v7, v4;
	_ =	sdelay $0x1  }
0xb8: {  	v6 =	vadd.f32 v7, v6;
	_ =	sdelay $0x1  }
0xb9: {  	v5 =	vadd.f32 $0.0e+00, v59;
	v6 =	vadd.f32 $1.000000000e+00, v6;
	_ =	sdelay $0x1  }
0xba: {  	v3 =	vadd.f32 $0.0e+00, v3;
	v5 =	vbroadcast v5, $0xF;
	(erf) = vrcp.f32 v6;
	_ =	sdelay $0x1  }
0xbb: {  	v3 =	vbroadcast v3, $0xF;
	v4 =	vmul.f32 v5, v4;
	_ =	sdelay $0x1  }
0xbc: {  	v3 =	vadd.f32 v4, v3;
	_ =	sdelay $0x1  }
0xbd: {  	v3 =	vadd.f32 v3, v3;
	_ =	sdelay $0x1  }
0xbe: {  	v3 =	vadd.f32 $1.000000000e+00, v3  }
0xbf: {  	v63 =	vpop (erf)  }
0xc0: {  	v3 =	vmul.f32 v63, v3;
	_ =	sdelay $0x1  }
0xc1: {  	v3 =	vsub.f32 $1.000000000e+00, v3  }
0xc2: {  	s8 =	sadd.s32 $0x1, s8  }
0xc3: {  	p0 =	sne.s32 s8, s4;
	[tilespmem:$0x9000] =	vst v3  }
0xc4: {  	[hbm4b:s2+s5] =	stream.linear.scatter [tilespmem:s7], [sflag:$0x1], $0x80, $0x38;
	[tilespmem:$0x9080] =	vst v63  }
.Ltmp6:
0xc5: {  	_ = 	snop;
	(pc) =	sbr.rel @p0 .LBB2_2-.Ltmp6, $4  }
.Ltmp7:
0xc6: {  	_ = 	snop;
	(pc) =	sbr.rel @!p0 .LBB2_12-.Ltmp7, $4  }
0xc7: {  	_ =	swait.ge [sflag:s6], $0x80  }
0xc8: {  	[sflag:s6] =	ssyncset.done $0x0  }
0xc9: {  	[sflag:s6] =	ssyncadd.s32 $0xFFFFFF80  }
0xca: {  	_ = 	snop  }
.LBB2_3:
.Ltmp8:
0xcb: {  	(pc) =	sbr.rel .LBB2_7-.Ltmp8, $2  }
0xcc: {  	_ =	sdelay $0x2  }
0xcd: {  	s10 =	simm.s32 $0x0;
	s11 =	simm.s32 $0x6000  }
.LBB2_5:
.Ltmp9:
0xce: {  	(pc) =	sbr.rel .LBB2_7-.Ltmp9, $2  }
0xcf: {  	_ =	sdelay $0x2  }
0xd0: {  	s11 =	simm.s32 $0x6000  }
.Lfunc_end2:
_tile_overlayer_lowered:
.L_overlay_start_2:
0xd1: {  	(tag) =	ssettag $0x2  }
0xd2: {  	s0 =	rddreg [dreg:$0x0];
	s2 =	stileid.u32  }
0xd3: {  	s1 =	rddreg [dreg:$0x1];
	p0 =	sne.s32 s2, $0x0  }
0xd4: {  	s3 =	rddreg [dreg:$0x2];
	[bflag:$0x3] =	sbarrier.arrive $0xFFFF;
	s2 =	simm.s32 @!p0 $0x1C01  }
0xd5: {  	[timem:s3], [sflag:s2] =	dma.local @!p0 [hbm:s0], s1  }
0xd6: {  	s0 =	simm.s32 @!p0 $0x1  }
0xd7: {  	_ =	swait.ge @!p0 [sflag:s0], s1  }
0xd8: {  	s1 =	ssub.s32 @!p0 $0x0, s1;
	[sflag:s0] =	ssyncset.done @!p0 $0x0  }
0xd9: {  	[sflag:s0] =	ssyncadd.s32 @!p0 s1  }
0xda: {  	[bflag:$0x3] =	sbarrier.arrive $0xFFFF  }
0xdb: {  	_ =	shalt  }

</sc_bundles>
